<compile_context>
chip_gen: v7x
topology: tpu7x:2x2x1
jax: 0.10.2.dev20260603
libtpu: 0.0.44.dev20260713+nightly
codegen_flags: <defaults>
</compile_context>

<pallas_src>
import functools

import jax
import jax.numpy as jnp
from jax import lax
from jax.experimental import pallas as pl
from jax.experimental.pallas import tpu as pltpu
from jax.experimental.pallas import tpu_sc as plsc

NC = 2
NS = 16
NW = NC * NS
CHUNK = 128

N_ELEM = 4
NB = 8
RC = 5.0
F = 32
FV = 8
INV_SQRT_DEG = 0.25


SUPER_G = 2048
KG = SUPER_G // CHUNK


def _sc_gather(tab, edge_index):
    ep = edge_index.shape[0] // 2
    per_w = ep // NW
    n_full = per_w // SUPER_G
    has_tail = (per_w % SUPER_G) != 0
    mesh = plsc.VectorSubcoreMesh(
        core_axis_name="c", subcore_axis_name="s", num_cores=NC,
        num_subcores=NS)

    def body(tab_hbm, ei_hbm, osrc_hbm, odst_hbm, idx_v, rows_v, sem):
        wid = lax.axis_index("s") * NC + lax.axis_index("c")
        base_w = wid * per_w

        def do_super(base, off, out_hbm):
            pltpu.sync_copy(ei_hbm.at[pl.ds(off + base, SUPER_G)], idx_v)
            cps = [
                pltpu.async_copy(
                    tab_hbm.at[idx_v.at[pl.ds(k * CHUNK, CHUNK)]],
                    rows_v.at[pl.ds(k * CHUNK, CHUNK)], sem)
                for k in range(KG)]
            for cp in cps:
                cp.wait()
            pltpu.sync_copy(rows_v, out_hbm.at[pl.ds(base, SUPER_G)])

        def chunk_body(j, carry):
            do_super(base_w + j * SUPER_G, 0, osrc_hbm)
            do_super(base_w + j * SUPER_G, ep, odst_hbm)
            return carry

        lax.fori_loop(0, n_full, chunk_body, 0)
        if has_tail:
            do_super(base_w + per_w - SUPER_G, 0, osrc_hbm)
            do_super(base_w + per_w - SUPER_G, ep, odst_hbm)

    f = pl.kernel(
        body,
        out_type=[pltpu.HBM((ep, 8), jnp.float32),
                  pltpu.HBM((ep, 8), jnp.float32)],
        mesh=mesh,
        scratch_types=[pltpu.VMEM((SUPER_G,), jnp.int32),
                       pltpu.VMEM((SUPER_G, 8), jnp.float32),
                       pltpu.SemaphoreType.DMA],
        compiler_params=pltpu.CompilerParams(use_tc_tiling_on_sc=False),
    )
    return f(tab, edge_index)


def _sc_scatter(msg_s, msg_v, dst, zrows, n_nodes):
    ep = dst.shape[0] // 2
    per_t = ep // NS
    n_full = per_t // CHUNK
    tail = per_t % CHUNK
    rows_t = n_nodes // NS
    wrow = 125
    n_wchunk = rows_t // wrow
    mesh = plsc.VectorSubcoreMesh(
        core_axis_name="c", subcore_axis_name="s", num_cores=NC,
        num_subcores=NS)

    def body(ms_hbm, mv_hbm, dst_hbm, z_hbm, outs_hbm, outv_hbm,
             acc, idx_v, buf, idx_t, buf_t, wbuf, sem):
        c = lax.axis_index("c")
        s = lax.axis_index("s")
        base_t = s * per_t
        row0 = s * rows_t

        pltpu.sync_copy(z_hbm, wbuf)

        def zero_body(q, carry):
            pltpu.sync_copy(wbuf, acc.at[pl.ds(row0 + q * wrow, wrow)])
            return carry

        lax.fori_loop(0, n_wchunk, zero_body, 0)
        plsc.subcore_barrier()

        def do_chunk(base, size, idx, dat):
            pltpu.sync_copy(dst_hbm.at[pl.ds(ep + base, size)], idx)

            @pl.when(c == 0)
            def _():
                pltpu.sync_copy(ms_hbm.at[pl.ds(base, size)], dat)

            @pl.when(c == 1)
            def _():
                pltpu.sync_copy(mv_hbm.at[pl.ds(base, size)], dat)

            pltpu.sync_copy(dat, acc.at[idx], add=True)

        def chunk_body(j, carry):
            do_chunk(base_t + j * CHUNK, CHUNK, idx_v, buf)
            return carry

        lax.fori_loop(0, n_full, chunk_body, 0)
        if tail:
            do_chunk(base_t + n_full * CHUNK, tail, idx_t, buf_t)
        plsc.subcore_barrier()

        def wb_body(q, carry):
            r = row0 + q * wrow
            pltpu.sync_copy(acc.at[pl.ds(r, wrow)], wbuf)

            @pl.when(c == 0)
            def _():
                pltpu.sync_copy(wbuf, outs_hbm.at[pl.ds(r, wrow)])

            @pl.when(c == 1)
            def _():
                pltpu.sync_copy(wbuf, outv_hbm.at[pl.ds(r, wrow)])

            return carry

        lax.fori_loop(0, n_wchunk, wb_body, 0)

    f = pl.kernel(
        body,
        out_type=[pltpu.HBM((n_nodes, 32), jnp.float32),
                  pltpu.HBM((n_nodes, 32), jnp.float32)],
        mesh=mesh,
        scratch_types=[pltpu.VMEM_SHARED((n_nodes, 32), jnp.float32),
                       pltpu.VMEM((CHUNK,), jnp.int32),
                       pltpu.VMEM((CHUNK, 32), jnp.float32),
                       pltpu.VMEM((max(tail, 16),), jnp.int32),
                       pltpu.VMEM((max(tail, 16), 32), jnp.float32),
                       pltpu.VMEM((wrow, 32), jnp.float32),
                       pltpu.SemaphoreType.DMA],
        compiler_params=pltpu.CompilerParams(use_tc_tiling_on_sc=False),
    )
    return f(msg_s, msg_v, dst, zrows)


def _edge_body(be, src_ref, dst_ref, wembT_ref, w0T_ref, w1T_ref,
               w2T_ref, ms_ref, mv_ref):
    at = jnp.transpose(src_ref[...][:, 0:4])
    bt = jnp.transpose(dst_ref[...][:, 0:4])
    d = bt[0:3, :] - at[0:3, :]
    r = jnp.sqrt(d[0:1, :] ** 2 + d[1:2, :] ** 2 + d[2:3, :] ** 2 + 1e-12)
    sh1 = d * (jnp.sqrt(3.0) / (r + 1e-8))
    rs = r + 1e-8
    n = lax.broadcasted_iota(jnp.int32, (NB, 1), 0).astype(jnp.float32) + 1.0
    bes = jnp.sqrt(2.0 / RC) * jnp.sin(n * (jnp.pi / RC) * rs) / rs
    u = jnp.clip(r * (1.0 / RC), 0.0, 1.0)
    env = 1.0 - 28.0 * u**6 + 48.0 * u**7 - 21.0 * u**8
    env = jnp.where(u < 1.0, env, 0.0)
    ea = bes * env
    dot = lambda w, x: jnp.dot(w[...], x, preferred_element_type=jnp.float32)
    h = jnp.tanh(dot(w0T_ref, ea))
    h = jnp.tanh(dot(w1T_ref, h))
    w = dot(w2T_ref, h)
    spec = at[3:4, :]
    oh = (spec == lax.broadcasted_iota(jnp.int32, (N_ELEM, 1), 0).astype(
        jnp.float32)).astype(jnp.float32)
    s_src = dot(wembT_ref, oh)
    ms_t = w[0:F, :] * s_src * INV_SQRT_DEG
    mv8 = w[F:F + FV, :] * s_src[0:FV, :] * INV_SQRT_DEG
    mv_t = jnp.concatenate(
        [mv8 * sh1[0:1, :], mv8 * sh1[1:2, :], mv8 * sh1[2:3, :],
         jnp.zeros((FV, be), jnp.float32)], axis=0)
    ms_ref[...] = jnp.transpose(ms_t)
    mv_ref[...] = jnp.transpose(mv_t)


def _tc_edge(srcrow, dstrow, w_emb, w_r0, w_r1, w_r2):
    ep = srcrow.shape[0]
    be = 6400
    grid = ep // be
    full = lambda shape: pl.BlockSpec(shape, lambda i: (0, 0))
    wembT = jnp.transpose(w_emb)
    w0T = jnp.transpose(w_r0)
    w1T = jnp.transpose(w_r1)
    w2T = jnp.transpose(w_r2)
    return pl.pallas_call(
        functools.partial(_edge_body, be),
        grid=(grid,),
        in_specs=[pl.BlockSpec((be, 8), lambda i: (i, 0)),
                  pl.BlockSpec((be, 8), lambda i: (i, 0)),
                  full(wembT.shape), full(w0T.shape), full(w1T.shape),
                  full(w2T.shape)],
        out_specs=[pl.BlockSpec((be, 32), lambda i: (i, 0)),
                   pl.BlockSpec((be, 32), lambda i: (i, 0))],
        out_shape=[jax.ShapeDtypeStruct((ep, 32), jnp.float32),
                   jax.ShapeDtypeStruct((ep, 32), jnp.float32)],
    )(srcrow, dstrow, wembT, w0T, w1T, w2T)


def _norm_act(x):
    n = jnp.abs(x)
    return x * jnp.tanh(n) / (n + 1e-8)


def _node_body(sp_ref, as_ref, av_ref, wattr, wemb, wsc, wouts, wv2s, wfin,
               wrnl1, wm0, wm1, wm2, out_ref):
    sp = sp_ref[...]
    oh = (sp == lax.broadcasted_iota(jnp.int32, (1, N_ELEM), 1)).astype(
        jnp.float32)
    dot = lambda x, w: jnp.dot(x, w[...], preferred_element_type=jnp.float32)
    s0 = dot(oh, wemb)
    na = dot(oh, wattr)
    sc = dot(s0 * na, wsc)
    av = av_ref[...]
    vnorm = jnp.sqrt(av[:, 0:8]**2 + av[:, 8:16]**2 + av[:, 16:24]**2 + 1e-8)
    s_out = sc + dot(as_ref[...], wouts) + dot(vnorm, wv2s)
    s_out = _norm_act(s_out)
    x = _norm_act(dot(s_out, wfin))
    x = x + _norm_act(dot(x, wrnl1))
    hm = jnp.tanh(dot(x, wm0) * (1.0 / jnp.sqrt(32.0)))
    hm = jnp.tanh(dot(hm, wm1) * (1.0 / jnp.sqrt(64.0)))
    out_ref[...] = dot(hm, wm2) * (1.0 / jnp.sqrt(32.0))


def _tc_node(species2d, agg_s, agg_v, w_attr, w_emb, w_sc, w_out_s, w_v2s,
             w_fin, w_rnl1, w_m0, w_m1, w_m2):
    n = species2d.shape[0]
    bn = 2000
    grid = n // bn
    full = lambda arr: pl.BlockSpec(arr.shape, lambda i: (0, 0))
    return pl.pallas_call(
        _node_body,
        grid=(grid,),
        in_specs=[pl.BlockSpec((bn, 1), lambda i: (i, 0)),
                  pl.BlockSpec((bn, 32), lambda i: (i, 0)),
                  pl.BlockSpec((bn, 32), lambda i: (i, 0)),
                  full(w_attr), full(w_emb), full(w_sc), full(w_out_s),
                  full(w_v2s), full(w_fin), full(w_rnl1), full(w_m0),
                  full(w_m1), full(w_m2)],
        out_specs=pl.BlockSpec((bn, 1), lambda i: (i, 0)),
        out_shape=jax.ShapeDtypeStruct((n, 1), jnp.float32),
    )(species2d, agg_s, agg_v, w_attr, w_emb, w_sc, w_out_s, w_v2s, w_fin,
      w_rnl1, w_m0, w_m1, w_m2)


def kernel(species, coords, edge_index, contributions, W_attr, W_emb, W_r0,
           W_r1, W_r2, W_sc, W_out_s, W_v2s, W_fin, W_rnl1, W_m0, W_m1,
           W_m2):
    n = coords.shape[0]
    tab = jnp.concatenate(
        [coords.astype(jnp.float32),
         species.astype(jnp.float32)[:, None],
         jnp.zeros((n, 4), jnp.float32)], axis=1)
    ei = edge_index.astype(jnp.int32).reshape(-1)
    srcrow, dstrow = _sc_gather(tab, ei)
    ms, mv = _tc_edge(srcrow, dstrow, W_emb, W_r0, W_r1, W_r2)
    zrows = jnp.zeros((125, 32), jnp.float32)
    agg_s, agg_v = _sc_scatter(ms, mv, ei, zrows, n)
    out = _tc_node(species[:, None].astype(jnp.int32), agg_s, agg_v, W_attr,
                   W_emb, W_sc, W_out_s, W_v2s, W_fin, W_rnl1, W_m0, W_m1,
                   W_m2)
    return out

# --- scband reference (transcript-rebuilt; emitter-appended) ---
"""Pipeline reference for scband-model-34325378629712 (READ-ONLY COPY).

The authoritative reference and input builder live on the scoring server;
editing this copy changes nothing except your own understanding.
"""

import jax, jax.numpy as jnp
import numpy as np

N_ELEM = 4
NB = 8
RC = 5.0
F = 32
FV = 8
HID = 64
AVG_DEG = 16.0


def _bessel(r):
    n = jnp.arange(1, NB + 1, dtype=jnp.float32)
    rs = r[:, None] + 1e-8
    b = jnp.sqrt(2.0 / RC) * jnp.sin(n[None, :] * jnp.pi * rs / RC) / rs
    u = jnp.clip(r / RC, 0.0, 1.0)
    p = 6.0
    env = 1.0 - (p + 1.0) * (p + 2.0) / 2.0 * u ** p + p * (p + 2.0) * u ** (p + 1.0) - p * (p + 1.0) / 2.0 * u ** (p + 2.0)
    env = jnp.where(u < 1.0, env, 0.0)
    return b * env[:, None]


def _norm_act(x):
    n = jnp.abs(x)
    return x * jnp.tanh(n) / (n + 1e-8)


def _forward(species, coords, edge_index, contributions, p):
    N = coords.shape[0]
    onehot = jax.nn.one_hot(species, N_ELEM, dtype=jnp.float32)
    s0 = onehot @ p['W_emb']
    node_attr = onehot @ p['W_attr']
    src = edge_index[0]
    dst = edge_index[1]
    edge_vec = coords[dst] - coords[src]
    r = jnp.sqrt(jnp.sum(edge_vec ** 2, axis=-1) + 1e-12)
    unit = edge_vec / (r[:, None] + 1e-8)
    sh1 = jnp.sqrt(3.0) * unit
    edge_attr = _bessel(r)
    h = jnp.tanh(edge_attr @ p['W_r0'])
    h = jnp.tanh(h @ p['W_r1'])
    w = h @ p['W_r2']
    w_s = w[:, :F]
    w_v = w[:, F:]
    s_src = s0[src]
    m_s = w_s * s_src
    m_v = (w_v * s_src[:, :FV])[:, :, None] * sh1[:, None, :]
    agg_s = jax.ops.segment_sum(m_s, dst, num_segments=N) / jnp.sqrt(AVG_DEG)
    agg_v = jax.ops.segment_sum(m_v, dst, num_segments=N) / jnp.sqrt(AVG_DEG)
    sc = (s0 * node_attr) @ p['W_sc']
    vnorm = jnp.sqrt(jnp.sum(agg_v ** 2, axis=-1) + 1e-8)
    s_out = sc + agg_s @ p['W_out_s'] + vnorm @ p['W_v2s']
    s_out = _norm_act(s_out)
    x = _norm_act(s_out @ p['W_fin'])
    x = x + _norm_act(x @ p['W_rnl1'])
    hm = jnp.tanh(x @ p['W_m0'] / jnp.sqrt(32.0))
    hm = jnp.tanh(hm @ p['W_m1'] / jnp.sqrt(64.0))
    out = hm @ p['W_m2'] / jnp.sqrt(32.0)
    return out


def setup_inputs(seed: int = 0) -> dict:
    key = jax.random.key(seed)
    ks = jax.random.split(key, 20)
    N = 50000
    E = 800000
    species = jax.random.randint(ks[0], (N,), 0, N_ELEM)
    coords = jax.random.normal(ks[1], (N, 3), dtype=jnp.float32)
    edge_index = jax.random.randint(ks[2], (2, E), 0, N)
    contributions = jnp.ones((N,), dtype=jnp.float32)

    def w(k, shape, fan):
        return jax.random.normal(k, shape, dtype=jnp.float32) / np.sqrt(float(fan))

    return {
        'species': species,
        'coords': coords,
        'edge_index': edge_index,
        'contributions': contributions,
        'W_attr': w(ks[3], (N_ELEM, F), N_ELEM),
        'W_emb': w(ks[4], (N_ELEM, F), N_ELEM),
        'W_r0': w(ks[5], (NB, HID), NB),
        'W_r1': w(ks[6], (HID, HID), HID),
        'W_r2': w(ks[7], (HID, F + FV), HID),
        'W_sc': w(ks[8], (F, F), F),
        'W_out_s': w(ks[9], (F, F), F),
        'W_v2s': w(ks[10], (FV, F), FV),
        'W_fin': w(ks[11], (F, F), F),
        'W_rnl1': w(ks[12], (F, F), F),
        'W_m0': w(ks[13], (F, HID), F),
        'W_m1': w(ks[14], (HID, F), HID),
        'W_m2': w(ks[15], (F, 1), F),
    }


def reference(species, coords, edge_index, contributions, W_attr, W_emb, W_r0, W_r1, W_r2, W_sc, W_out_s, W_v2s, W_fin, W_rnl1, W_m0, W_m1, W_m2):
    p = {'W_attr': W_attr, 'W_emb': W_emb, 'W_r0': W_r0, 'W_r1': W_r1, 'W_r2': W_r2, 'W_sc': W_sc, 'W_out_s': W_out_s, 'W_v2s': W_v2s, 'W_fin': W_fin, 'W_rnl1': W_rnl1, 'W_m0': W_m0, 'W_m1': W_m1, 'W_m2': W_m2}
    return _forward(species, coords, edge_index, contributions, p)

if __name__ == "__main__":
    import jax
    _d = setup_inputs()
    print(jax.jit(kernel)(*tuple(_d.values())))

</pallas_src>

<mosaic_0001>
#map = affine_map<(d0, d1) -> (0, 0)>
#map1 = affine_map<(d0, d1) -> (0)>
module attributes {stable_mosaic.version = 14 : i64} {
  func.func @body(%arg0: i32, %arg1: i32, %arg2: memref<50000x8xf32, #tpu.memory_space<hbm>>, %arg3: memref<1600000xi32, #tpu.memory_space<hbm>>, %arg4: memref<800000x8xf32, #tpu.memory_space<hbm>>, %arg5: memref<800000x8xf32, #tpu.memory_space<hbm>>, %arg6: memref<2048xi32, #tpu.memory_space<vmem>>, %arg7: memref<2048x8xf32, #tpu.memory_space<vmem>>, %arg8: memref<!tpu.dma_semaphore, #tpu.memory_space<semaphore_mem>>) attributes {dimension_semantics = [#tpu.dimension_semantics<core_parallel>, #tpu.dimension_semantics<subcore_parallel>], iteration_bounds = array<i64: 2, 16>, scalar_prefetch = 0 : i64, scratch_operands = 3 : i64, tpu.core_type = #tpu.core_type<sc_vector_subcore>, window_params = [{transform_indices = #map}, {transform_indices = #map1}, {transform_indices = #map}, {transform_indices = #map}]} {
    %mul3A = arith.constant 2 : i32
    %mul3A_0 = arith.muli %arg1, %mul3A : i32
    %add3A = arith.addi %mul3A_0, %arg0 : i32
    %mul3A_1 = arith.constant 25000 : i32
    %mul3A_2 = arith.muli %add3A, %mul3A_1 : i32
    %scan3A = arith.constant 0 : i32
    %scan3A_3 = arith.constant 0 : i32
    %scan3A_4 = arith.constant 12 : i32
    %scan3A_5 = arith.addi %scan3A_3, %scan3A_4 : i32
    %scan3A_6 = arith.constant 1 : i32
    scf.for %scan3A_529 = %scan3A_3 to %scan3A_5 step %scan3A_6  : i32 {
      %mul3A_530 = arith.constant 2048 : i32
      %mul3A_531 = arith.muli %scan3A_529, %mul3A_530 : i32
      %add3A_532 = arith.addi %mul3A_2, %mul3A_531 : i32
      %add3A_533 = arith.constant 0 : i32
      %add3A_534 = arith.addi %add3A_533, %add3A_532 : i32
      "tpu.region"() ({
        %run_scoped3A = tpu.sem_alloc : memref<!tpu.dma_semaphore, #tpu.memory_space<semaphore_mem>>
        %dma_start3A_1052 = tpu.memref_slice %arg3[%add3A_534] : memref<1600000xi32, #tpu.memory_space<hbm>> -> memref<2048xi32, #tpu.memory_space<hbm>>
        %dma_start3A_1053 = tpu.memref_slice %arg3[%add3A_534] : memref<1600000xi32, #tpu.memory_space<hbm>> -> memref<2048xi32, #tpu.memory_space<hbm>>
        tpu.enqueue_dma source(%dma_start3A_1053 : memref<2048xi32, #tpu.memory_space<hbm>>) target(%arg6 : memref<2048xi32, #tpu.memory_space<vmem>>) target_semaphore(%run_scoped3A : memref<!tpu.dma_semaphore, #tpu.memory_space<semaphore_mem>>)
        %dma_wait3A_1054 = tpu.memref_slice %arg3[%add3A_534] : memref<1600000xi32, #tpu.memory_space<hbm>> -> memref<2048xi32, #tpu.memory_space<hbm>>
        %dma_wait3A_1055 = tpu.memref_slice %arg3[%add3A_534] : memref<1600000xi32, #tpu.memory_space<hbm>> -> memref<2048xi32, #tpu.memory_space<hbm>>
        tpu.wait_dma2 semaphore(%run_scoped3A : memref<!tpu.dma_semaphore, #tpu.memory_space<semaphore_mem>>) src(%dma_wait3A_1055 : memref<2048xi32, #tpu.memory_space<hbm>>) dst(%arg6 : memref<2048xi32, #tpu.memory_space<vmem>>)
        tpu.yield
      }) : () -> ()
      %dma_start3A_535 = arith.constant 0 : i32
      %dma_start3A_536 = arith.constant 0 : i32
      %dma_start3A_537 = tpu.memref_slice %arg7[%dma_start3A_535, %dma_start3A_536] : memref<2048x8xf32, #tpu.memory_space<vmem>> -> memref<128x8xf32, #tpu.memory_space<vmem>>
      %dma_start3A_538 = arith.constant 0 : i32
      %dma_start3A_539 = tpu.memref_slice %arg6[%dma_start3A_538] : memref<2048xi32, #tpu.memory_space<vmem>> -> memref<128xi32, #tpu.memory_space<vmem>>
      %dma_start3A_540 = arith.constant 0 : i32
      %dma_start3A_541 = arith.constant 0 : i32
      %dma_start3A_542 = tpu.memref_slice %arg2[%dma_start3A_540, %dma_start3A_541] : memref<50000x8xf32, #tpu.memory_space<hbm>> -> memref<50000x8xf32, #tpu.memory_space<hbm>>
      tpu.enqueue_indirect_dma source(%dma_start3A_542 : memref<50000x8xf32, #tpu.memory_space<hbm>>) target(%dma_start3A_537 : memref<128x8xf32, #tpu.memory_space<vmem>>) offsets(%dma_start3A_539 : memref<128xi32, #tpu.memory_space<vmem>>) semaphore(%arg8 : memref<!tpu.dma_semaphore, #tpu.memory_space<semaphore_mem>>)
      %dma_start3A_543 = arith.constant 128 : i32
      %dma_start3A_544 = arith.constant 0 : i32
      %dma_start3A_545 = tpu.memref_slice %arg7[%dma_start3A_543, %dma_start3A_544] : memref<2048x8xf32, #tpu.memory_space<vmem>> -> memref<128x8xf32, #tpu.memory_space<vmem>>
      %dma_start3A_546 = arith.constant 128 : i32
      %dma_start3A_547 = tpu.memref_slice %arg6[%dma_start3A_546] : memref<2048xi32, #tpu.memory_space<vmem>> -> memref<128xi32, #tpu.memory_space<vmem>>
      %dma_start3A_548 = arith.constant 0 : i32
      %dma_start3A_549 = arith.constant 0 : i32
      %dma_start3A_550 = tpu.memref_slice %arg2[%dma_start3A_548, %dma_start3A_549] : memref<50000x8xf32, #tpu.memory_space<hbm>> -> memref<50000x8xf32, #tpu.memory_space<hbm>>
      tpu.enqueue_indirect_dma source(%dma_start3A_550 : memref<50000x8xf32, #tpu.memory_space<hbm>>) target(%dma_start3A_545 : memref<128x8xf32, #tpu.memory_space<vmem>>) offsets(%dma_start3A_547 : memref<128xi32, #tpu.memory_space<vmem>>) semaphore(%arg8 : memref<!tpu.dma_semaphore, #tpu.memory_space<semaphore_mem>>)
      %dma_start3A_551 = arith.constant 256 : i32
      %dma_start3A_552 = arith.constant 0 : i32
      %dma_start3A_553 = tpu.memref_slice %arg7[%dma_start3A_551, %dma_start3A_552] : memref<2048x8xf32, #tpu.memory_space<vmem>> -> memref<128x8xf32, #tpu.memory_space<vmem>>
      %dma_start3A_554 = arith.constant 256 : i32
      %dma_start3A_555 = tpu.memref_slice %arg6[%dma_start3A_554] : memref<2048xi32, #tpu.memory_space<vmem>> -> memref<128xi32, #tpu.memory_space<vmem>>
      %dma_start3A_556 = arith.constant 0 : i32
      %dma_start3A_557 = arith.constant 0 : i32
      %dma_start3A_558 = tpu.memref_slice %arg2[%dma_start3A_556, %dma_start3A_557] : memref<50000x8xf32, #tpu.memory_space<hbm>> -> memref<50000x8xf32, #tpu.memory_space<hbm>>
      tpu.enqueue_indirect_dma source(%dma_start3A_558 : memref<50000x8xf32, #tpu.memory_space<hbm>>) target(%dma_start3A_553 : memref<128x8xf32, #tpu.memory_space<vmem>>) offsets(%dma_start3A_555 : memref<128xi32, #tpu.memory_space<vmem>>) semaphore(%arg8 : memref<!tpu.dma_semaphore, #tpu.memory_space<semaphore_mem>>)
      %dma_start3A_559 = arith.constant 384 : i32
      %dma_start3A_560 = arith.constant 0 : i32
      %dma_start3A_561 = tpu.memref_slice %arg7[%dma_start3A_559, %dma_start3A_560] : memref<2048x8xf32, #tpu.memory_space<vmem>> -> memref<128x8xf32, #tpu.memory_space<vmem>>
      %dma_start3A_562 = arith.constant 384 : i32
      %dma_start3A_563 = tpu.memref_slice %arg6[%dma_start3A_562] : memref<2048xi32, #tpu.memory_space<vmem>> -> memref<128xi32, #tpu.memory_space<vmem>>
      %dma_start3A_564 = arith.constant 0 : i32
      %dma_start3A_565 = arith.constant 0 : i32
      %dma_start3A_566 = tpu.memref_slice %arg2[%dma_start3A_564, %dma_start3A_565] : memref<50000x8xf32, #tpu.memory_space<hbm>> -> memref<50000x8xf32, #tpu.memory_space<hbm>>
      tpu.enqueue_indirect_dma source(%dma_start3A_566 : memref<50000x8xf32, #tpu.memory_space<hbm>>) target(%dma_start3A_561 : memref<128x8xf32, #tpu.memory_space<vmem>>) offsets(%dma_start3A_563 : memref<128xi32, #tpu.memory_space<vmem>>) semaphore(%arg8 : memref<!tpu.dma_semaphore, #tpu.memory_space<semaphore_mem>>)
      %dma_start3A_567 = arith.constant 512 : i32
      %dma_start3A_568 = arith.constant 0 : i32
      %dma_start3A_569 = tpu.memref_slice %arg7[%dma_start3A_567, %dma_start3A_568] : memref<2048x8xf32, #tpu.memory_space<vmem>> -> memref<128x8xf32, #tpu.memory_space<vmem>>
      %dma_start3A_570 = arith.constant 512 : i32
      %dma_start3A_571 = tpu.memref_slice %arg6[%dma_start3A_570] : memref<2048xi32, #tpu.memory_space<vmem>> -> memref<128xi32, #tpu.memory_space<vmem>>
      %dma_start3A_572 = arith.constant 0 : i32
      %dma_start3A_573 = arith.constant 0 : i32
      %dma_start3A_574 = tpu.memref_slice %arg2[%dma_start3A_572, %dma_start3A_573] : memref<50000x8xf32, #tpu.memory_space<hbm>> -> memref<50000x8xf32, #tpu.memory_space<hbm>>
      tpu.enqueue_indirect_dma source(%dma_start3A_574 : memref<50000x8xf32, #tpu.memory_space<hbm>>) target(%dma_start3A_569 : memref<128x8xf32, #tpu.memory_space<vmem>>) offsets(%dma_start3A_571 : memref<128xi32, #tpu.memory_space<vmem>>) semaphore(%arg8 : memref<!tpu.dma_semaphore, #tpu.memory_space<semaphore_mem>>)
      %dma_start3A_575 = arith.constant 640 : i32
      %dma_start3A_576 = arith.constant 0 : i32
      %dma_start3A_577 = tpu.memref_slice %arg7[%dma_start3A_575, %dma_start3A_576] : memref<2048x8xf32, #tpu.memory_space<vmem>> -> memref<128x8xf32, #tpu.memory_space<vmem>>
      %dma_start3A_578 = arith.constant 640 : i32
      %dma_start3A_579 = tpu.memref_slice %arg6[%dma_start3A_578] : memref<2048xi32, #tpu.memory_space<vmem>> -> memref<128xi32, #tpu.memory_space<vmem>>
      %dma_start3A_580 = arith.constant 0 : i32
      %dma_start3A_581 = arith.constant 0 : i32
      %dma_start3A_582 = tpu.memref_slice %arg2[%dma_start3A_580, %dma_start3A_581] : memref<50000x8xf32, #tpu.memory_space<hbm>> -> memref<50000x8xf32, #tpu.memory_space<hbm>>
      tpu.enqueue_indirect_dma source(%dma_start3A_582 : memref<50000x8xf32, #tpu.memory_space<hbm>>) target(%dma_start3A_577 : memref<128x8xf32, #tpu.memory_space<vmem>>) offsets(%dma_start3A_579 : memref<128xi32, #tpu.memory_space<vmem>>) semaphore(%arg8 : memref<!tpu.dma_semaphore, #tpu.memory_space<semaphore_mem>>)
      %dma_start3A_583 = arith.constant 768 : i32
      %dma_start3A_584 = arith.constant 0 : i32
      %dma_start3A_585 = tpu.memref_slice %arg7[%dma_start3A_583, %dma_start3A_584] : memref<2048x8xf32, #tpu.memory_space<vmem>> -> memref<128x8xf32, #tpu.memory_space<vmem>>
      %dma_start3A_586 = arith.constant 768 : i32
      %dma_start3A_587 = tpu.memref_slice %arg6[%dma_start3A_586] : memref<2048xi32, #tpu.memory_space<vmem>> -> memref<128xi32, #tpu.memory_space<vmem>>
      %dma_start3A_588 = arith.constant 0 : i32
      %dma_start3A_589 = arith.constant 0 : i32
      %dma_start3A_590 = tpu.memref_slice %arg2[%dma_start3A_588, %dma_start3A_589] : memref<50000x8xf32, #tpu.memory_space<hbm>> -> memref<50000x8xf32, #tpu.memory_space<hbm>>
      tpu.enqueue_indirect_dma source(%dma_start3A_590 : memref<50000x8xf32, #tpu.memory_space<hbm>>) target(%dma_start3A_585 : memref<128x8xf32, #tpu.memory_space<vmem>>) offsets(%dma_start3A_587 : memref<128xi32, #tpu.memory_space<vmem>>) semaphore(%arg8 : memref<!tpu.dma_semaphore, #tpu.memory_space<semaphore_mem>>)
      %dma_start3A_591 = arith.constant 896 : i32
      %dma_start3A_592 = arith.constant 0 : i32
      %dma_start3A_593 = tpu.memref_slice %arg7[%dma_start3A_591, %dma_start3A_592] : memref<2048x8xf32, #tpu.memory_space<vmem>> -> memref<128x8xf32, #tpu.memory_space<vmem>>
      %dma_start3A_594 = arith.constant 896 : i32
      %dma_start3A_595 = tpu.memref_slice %arg6[%dma_start3A_594] : memref<2048xi32, #tpu.memory_space<vmem>> -> memref<128xi32, #tpu.memory_space<vmem>>
      %dma_start3A_596 = arith.constant 0 : i32
      %dma_start3A_597 = arith.constant 0 : i32
      %dma_start3A_598 = tpu.memref_slice %arg2[%dma_start3A_596, %dma_start3A_597] : memref<50000x8xf32, #tpu.memory_space<hbm>> -> memref<50000x8xf32, #tpu.memory_space<hbm>>
      tpu.enqueue_indirect_dma source(%dma_start3A_598 : memref<50000x8xf32, #tpu.memory_space<hbm>>) target(%dma_start3A_593 : memref<128x8xf32, #tpu.memory_space<vmem>>) offsets(%dma_start3A_595 : memref<128xi32, #tpu.memory_space<vmem>>) semaphore(%arg8 : memref<!tpu.dma_semaphore, #tpu.memory_space<semaphore_mem>>)
      %dma_start3A_599 = arith.constant 1024 : i32
      %dma_start3A_600 = arith.constant 0 : i32
      %dma_start3A_601 = tpu.memref_slice %arg7[%dma_start3A_599, %dma_start3A_600] : memref<2048x8xf32, #tpu.memory_space<vmem>> -> memref<128x8xf32, #tpu.memory_space<vmem>>
      %dma_start3A_602 = arith.constant 1024 : i32
      %dma_start3A_603 = tpu.memref_slice %arg6[%dma_start3A_602] : memref<2048xi32, #tpu.memory_space<vmem>> -> memref<128xi32, #tpu.memory_space<vmem>>
      %dma_start3A_604 = arith.constant 0 : i32
      %dma_start3A_605 = arith.constant 0 : i32
      %dma_start3A_606 = tpu.memref_slice %arg2[%dma_start3A_604, %dma_start3A_605] : memref<50000x8xf32, #tpu.memory_space<hbm>> -> memref<50000x8xf32, #tpu.memory_space<hbm>>
      tpu.enqueue_indirect_dma source(%dma_start3A_606 : memref<50000x8xf32, #tpu.memory_space<hbm>>) target(%dma_start3A_601 : memref<128x8xf32, #tpu.memory_space<vmem>>) offsets(%dma_start3A_603 : memref<128xi32, #tpu.memory_space<vmem>>) semaphore(%arg8 : memref<!tpu.dma_semaphore, #tpu.memory_space<semaphore_mem>>)
      %dma_start3A_607 = arith.constant 1152 : i32
      %dma_start3A_608 = arith.constant 0 : i32
      %dma_start3A_609 = tpu.memref_slice %arg7[%dma_start3A_607, %dma_start3A_608] : memref<2048x8xf32, #tpu.memory_space<vmem>> -> memref<128x8xf32, #tpu.memory_space<vmem>>
      %dma_start3A_610 = arith.constant 1152 : i32
      %dma_start3A_611 = tpu.memref_slice %arg6[%dma_start3A_610] : memref<2048xi32, #tpu.memory_space<vmem>> -> memref<128xi32, #tpu.memory_space<vmem>>
      %dma_start3A_612 = arith.constant 0 : i32
      %dma_start3A_613 = arith.constant 0 : i32
      %dma_start3A_614 = tpu.memref_slice %arg2[%dma_start3A_612, %dma_start3A_613] : memref<50000x8xf32, #tpu.memory_space<hbm>> -> memref<50000x8xf32, #tpu.memory_space<hbm>>
      tpu.enqueue_indirect_dma source(%dma_start3A_614 : memref<50000x8xf32, #tpu.memory_space<hbm>>) target(%dma_start3A_609 : memref<128x8xf32, #tpu.memory_space<vmem>>) offsets(%dma_start3A_611 : memref<128xi32, #tpu.memory_space<vmem>>) semaphore(%arg8 : memref<!tpu.dma_semaphore, #tpu.memory_space<semaphore_mem>>)
      %dma_start3A_615 = arith.constant 1280 : i32
      %dma_start3A_616 = arith.constant 0 : i32
      %dma_start3A_617 = tpu.memref_slice %arg7[%dma_start3A_615, %dma_start3A_616] : memref<2048x8xf32, #tpu.memory_space<vmem>> -> memref<128x8xf32, #tpu.memory_space<vmem>>
      %dma_start3A_618 = arith.constant 1280 : i32
      %dma_start3A_619 = tpu.memref_slice %arg6[%dma_start3A_618] : memref<2048xi32, #tpu.memory_space<vmem>> -> memref<128xi32, #tpu.memory_space<vmem>>
      %dma_start3A_620 = arith.constant 0 : i32
      %dma_start3A_621 = arith.constant 0 : i32
      %dma_start3A_622 = tpu.memref_slice %arg2[%dma_start3A_620, %dma_start3A_621] : memref<50000x8xf32, #tpu.memory_space<hbm>> -> memref<50000x8xf32, #tpu.memory_space<hbm>>
      tpu.enqueue_indirect_dma source(%dma_start3A_622 : memref<50000x8xf32, #tpu.memory_space<hbm>>) target(%dma_start3A_617 : memref<128x8xf32, #tpu.memory_space<vmem>>) offsets(%dma_start3A_619 : memref<128xi32, #tpu.memory_space<vmem>>) semaphore(%arg8 : memref<!tpu.dma_semaphore, #tpu.memory_space<semaphore_mem>>)
      %dma_start3A_623 = arith.constant 1408 : i32
      %dma_start3A_624 = arith.constant 0 : i32
      %dma_start3A_625 = tpu.memref_slice %arg7[%dma_start3A_623, %dma_start3A_624] : memref<2048x8xf32, #tpu.memory_space<vmem>> -> memref<128x8xf32, #tpu.memory_space<vmem>>
      %dma_start3A_626 = arith.constant 1408 : i32
      %dma_start3A_627 = tpu.memref_slice %arg6[%dma_start3A_626] : memref<2048xi32, #tpu.memory_space<vmem>> -> memref<128xi32, #tpu.memory_space<vmem>>
      %dma_start3A_628 = arith.constant 0 : i32
      %dma_start3A_629 = arith.constant 0 : i32
      %dma_start3A_630 = tpu.memref_slice %arg2[%dma_start3A_628, %dma_start3A_629] : memref<50000x8xf32, #tpu.memory_space<hbm>> -> memref<50000x8xf32, #tpu.memory_space<hbm>>
      tpu.enqueue_indirect_dma source(%dma_start3A_630 : memref<50000x8xf32, #tpu.memory_space<hbm>>) target(%dma_start3A_625 : memref<128x8xf32, #tpu.memory_space<vmem>>) offsets(%dma_start3A_627 : memref<128xi32, #tpu.memory_space<vmem>>) semaphore(%arg8 : memref<!tpu.dma_semaphore, #tpu.memory_space<semaphore_mem>>)
      %dma_start3A_631 = arith.constant 1536 : i32
      %dma_start3A_632 = arith.constant 0 : i32
      %dma_start3A_633 = tpu.memref_slice %arg7[%dma_start3A_631, %dma_start3A_632] : memref<2048x8xf32, #tpu.memory_space<vmem>> -> memref<128x8xf32, #tpu.memory_space<vmem>>
      %dma_start3A_634 = arith.constant 1536 : i32
      %dma_start3A_635 = tpu.memref_slice %arg6[%dma_start3A_634] : memref<2048xi32, #tpu.memory_space<vmem>> -> memref<128xi32, #tpu.memory_space<vmem>>
      %dma_start3A_636 = arith.constant 0 : i32
      %dma_start3A_637 = arith.constant 0 : i32
      %dma_start3A_638 = tpu.memref_slice %arg2[%dma_start3A_636, %dma_start3A_637] : memref<50000x8xf32, #tpu.memory_space<hbm>> -> memref<50000x8xf32, #tpu.memory_space<hbm>>
      tpu.enqueue_indirect_dma source(%dma_start3A_638 : memref<50000x8xf32, #tpu.memory_space<hbm>>) target(%dma_start3A_633 : memref<128x8xf32, #tpu.memory_space<vmem>>) offsets(%dma_start3A_635 : memref<128xi32, #tpu.memory_space<vmem>>) semaphore(%arg8 : memref<!tpu.dma_semaphore, #tpu.memory_space<semaphore_mem>>)
      %dma_start3A_639 = arith.constant 1664 : i32
      %dma_start3A_640 = arith.constant 0 : i32
      %dma_start3A_641 = tpu.memref_slice %arg7[%dma_start3A_639, %dma_start3A_640] : memref<2048x8xf32, #tpu.memory_space<vmem>> -> memref<128x8xf32, #tpu.memory_space<vmem>>
      %dma_start3A_642 = arith.constant 1664 : i32
      %dma_start3A_643 = tpu.memref_slice %arg6[%dma_start3A_642] : memref<2048xi32, #tpu.memory_space<vmem>> -> memref<128xi32, #tpu.memory_space<vmem>>
      %dma_start3A_644 = arith.constant 0 : i32
      %dma_start3A_645 = arith.constant 0 : i32
      %dma_start3A_646 = tpu.memref_slice %arg2[%dma_start3A_644, %dma_start3A_645] : memref<50000x8xf32, #tpu.memory_space<hbm>> -> memref<50000x8xf32, #tpu.memory_space<hbm>>
      tpu.enqueue_indirect_dma source(%dma_start3A_646 : memref<50000x8xf32, #tpu.memory_space<hbm>>) target(%dma_start3A_641 : memref<128x8xf32, #tpu.memory_space<vmem>>) offsets(%dma_start3A_643 : memref<128xi32, #tpu.memory_space<vmem>>) semaphore(%arg8 : memref<!tpu.dma_semaphore, #tpu.memory_space<semaphore_mem>>)
      %dma_start3A_647 = arith.constant 1792 : i32
      %dma_start3A_648 = arith.constant 0 : i32
      %dma_start3A_649 = tpu.memref_slice %arg7[%dma_start3A_647, %dma_start3A_648] : memref<2048x8xf32, #tpu.memory_space<vmem>> -> memref<128x8xf32, #tpu.memory_space<vmem>>
      %dma_start3A_650 = arith.constant 1792 : i32
      %dma_start3A_651 = tpu.memref_slice %arg6[%dma_start3A_650] : memref<2048xi32, #tpu.memory_space<vmem>> -> memref<128xi32, #tpu.memory_space<vmem>>
      %dma_start3A_652 = arith.constant 0 : i32
      %dma_start3A_653 = arith.constant 0 : i32
      %dma_start3A_654 = tpu.memref_slice %arg2[%dma_start3A_652, %dma_start3A_653] : memref<50000x8xf32, #tpu.memory_space<hbm>> -> memref<50000x8xf32, #tpu.memory_space<hbm>>
      tpu.enqueue_indirect_dma source(%dma_start3A_654 : memref<50000x8xf32, #tpu.memory_space<hbm>>) target(%dma_start3A_649 : memref<128x8xf32, #tpu.memory_space<vmem>>) offsets(%dma_start3A_651 : memref<128xi32, #tpu.memory_space<vmem>>) semaphore(%arg8 : memref<!tpu.dma_semaphore, #tpu.memory_space<semaphore_mem>>)
      %dma_start3A_655 = arith.constant 1920 : i32
      %dma_start3A_656 = arith.constant 0 : i32
      %dma_start3A_657 = tpu.memref_slice %arg7[%dma_start3A_655, %dma_start3A_656] : memref<2048x8xf32, #tpu.memory_space<vmem>> -> memref<128x8xf32, #tpu.memory_space<vmem>>
      %dma_start3A_658 = arith.constant 1920 : i32
      %dma_start3A_659 = tpu.memref_slice %arg6[%dma_start3A_658] : memref<2048xi32, #tpu.memory_space<vmem>> -> memref<128xi32, #tpu.memory_space<vmem>>
      %dma_start3A_660 = arith.constant 0 : i32
      %dma_start3A_661 = arith.constant 0 : i32
      %dma_start3A_662 = tpu.memref_slice %arg2[%dma_start3A_660, %dma_start3A_661] : memref<50000x8xf32, #tpu.memory_space<hbm>> -> memref<50000x8xf32, #tpu.memory_space<hbm>>
      tpu.enqueue_indirect_dma source(%dma_start3A_662 : memref<50000x8xf32, #tpu.memory_space<hbm>>) target(%dma_start3A_657 : memref<128x8xf32, #tpu.memory_space<vmem>>) offsets(%dma_start3A_659 : memref<128xi32, #tpu.memory_space<vmem>>) semaphore(%arg8 : memref<!tpu.dma_semaphore, #tpu.memory_space<semaphore_mem>>)
      %dma_wait3A_663 = arith.constant 0 : i32
      %dma_wait3A_664 = arith.constant 0 : i32
      %dma_wait3A_665 = tpu.memref_slice %arg7[%dma_wait3A_663, %dma_wait3A_664] : memref<2048x8xf32, #tpu.memory_space<vmem>> -> memref<128x8xf32, #tpu.memory_space<vmem>>
      %dma_wait3A_666 = arith.constant 0 : i32
      %dma_wait3A_667 = tpu.memref_slice %arg6[%dma_wait3A_666] : memref<2048xi32, #tpu.memory_space<vmem>> -> memref<128xi32, #tpu.memory_space<vmem>>
      %dma_wait3A_668 = arith.constant 0 : i32
      %dma_wait3A_669 = arith.constant 0 : i32
      %dma_wait3A_670 = tpu.memref_slice %arg2[%dma_wait3A_668, %dma_wait3A_669] : memref<50000x8xf32, #tpu.memory_space<hbm>> -> memref<50000x8xf32, #tpu.memory_space<hbm>>
      tpu.wait_indirect_dma semaphore(%arg8 : memref<!tpu.dma_semaphore, #tpu.memory_space<semaphore_mem>>) src(%dma_wait3A_670 : memref<50000x8xf32, #tpu.memory_space<hbm>>) dst(%dma_wait3A_665 : memref<128x8xf32, #tpu.memory_space<vmem>>)
      %dma_wait3A_671 = arith.constant 128 : i32
      %dma_wait3A_672 = arith.constant 0 : i32
      %dma_wait3A_673 = tpu.memref_slice %arg7[%dma_wait3A_671, %dma_wait3A_672] : memref<2048x8xf32, #tpu.memory_space<vmem>> -> memref<128x8xf32, #tpu.memory_space<vmem>>
      %dma_wait3A_674 = arith.constant 128 : i32
      %dma_wait3A_675 = tpu.memref_slice %arg6[%dma_wait3A_674] : memref<2048xi32, #tpu.memory_space<vmem>> -> memref<128xi32, #tpu.memory_space<vmem>>
      %dma_wait3A_676 = arith.constant 0 : i32
      %dma_wait3A_677 = arith.constant 0 : i32
      %dma_wait3A_678 = tpu.memref_slice %arg2[%dma_wait3A_676, %dma_wait3A_677] : memref<50000x8xf32, #tpu.memory_space<hbm>> -> memref<50000x8xf32, #tpu.memory_space<hbm>>
      tpu.wait_indirect_dma semaphore(%arg8 : memref<!tpu.dma_semaphore, #tpu.memory_space<semaphore_mem>>) src(%dma_wait3A_678 : memref<50000x8xf32, #tpu.memory_space<hbm>>) dst(%dma_wait3A_673 : memref<128x8xf32, #tpu.memory_space<vmem>>)
      %dma_wait3A_679 = arith.constant 256 : i32
      %dma_wait3A_680 = arith.constant 0 : i32
      %dma_wait3A_681 = tpu.memref_slice %arg7[%dma_wait3A_679, %dma_wait3A_680] : memref<2048x8xf32, #tpu.memory_space<vmem>> -> memref<128x8xf32, #tpu.memory_space<vmem>>
      %dma_wait3A_682 = arith.constant 256 : i32
      %dma_wait3A_683 = tpu.memref_slice %arg6[%dma_wait3A_682] : memref<2048xi32, #tpu.memory_space<vmem>> -> memref<128xi32, #tpu.memory_space<vmem>>
      %dma_wait3A_684 = arith.constant 0 : i32
      %dma_wait3A_685 = arith.constant 0 : i32
      %dma_wait3A_686 = tpu.memref_slice %arg2[%dma_wait3A_684, %dma_wait3A_685] : memref<50000x8xf32, #tpu.memory_space<hbm>> -> memref<50000x8xf32, #tpu.memory_space<hbm>>
      tpu.wait_indirect_dma semaphore(%arg8 : memref<!tpu.dma_semaphore, #tpu.memory_space<semaphore_mem>>) src(%dma_wait3A_686 : memref<50000x8xf32, #tpu.memory_space<hbm>>) dst(%dma_wait3A_681 : memref<128x8xf32, #tpu.memory_space<vmem>>)
      %dma_wait3A_687 = arith.constant 384 : i32
      %dma_wait3A_688 = arith.constant 0 : i32
      %dma_wait3A_689 = tpu.memref_slice %arg7[%dma_wait3A_687, %dma_wait3A_688] : memref<2048x8xf32, #tpu.memory_space<vmem>> -> memref<128x8xf32, #tpu.memory_space<vmem>>
      %dma_wait3A_690 = arith.constant 384 : i32
      %dma_wait3A_691 = tpu.memref_slice %arg6[%dma_wait3A_690] : memref<2048xi32, #tpu.memory_space<vmem>> -> memref<128xi32, #tpu.memory_space<vmem>>
      %dma_wait3A_692 = arith.constant 0 : i32
      %dma_wait3A_693 = arith.constant 0 : i32
      %dma_wait3A_694 = tpu.memref_slice %arg2[%dma_wait3A_692, %dma_wait3A_693] : memref<50000x8xf32, #tpu.memory_space<hbm>> -> memref<50000x8xf32, #tpu.memory_space<hbm>>
      tpu.wait_indirect_dma semaphore(%arg8 : memref<!tpu.dma_semaphore, #tpu.memory_space<semaphore_mem>>) src(%dma_wait3A_694 : memref<50000x8xf32, #tpu.memory_space<hbm>>) dst(%dma_wait3A_689 : memref<128x8xf32, #tpu.memory_space<vmem>>)
      %dma_wait3A_695 = arith.constant 512 : i32
      %dma_wait3A_696 = arith.constant 0 : i32
      %dma_wait3A_697 = tpu.memref_slice %arg7[%dma_wait3A_695, %dma_wait3A_696] : memref<2048x8xf32, #tpu.memory_space<vmem>> -> memref<128x8xf32, #tpu.memory_space<vmem>>
      %dma_wait3A_698 = arith.constant 512 : i32
      %dma_wait3A_699 = tpu.memref_slice %arg6[%dma_wait3A_698] : memref<2048xi32, #tpu.memory_space<vmem>> -> memref<128xi32, #tpu.memory_space<vmem>>
      %dma_wait3A_700 = arith.constant 0 : i32
      %dma_wait3A_701 = arith.constant 0 : i32
      %dma_wait3A_702 = tpu.memref_slice %arg2[%dma_wait3A_700, %dma_wait3A_701] : memref<50000x8xf32, #tpu.memory_space<hbm>> -> memref<50000x8xf32, #tpu.memory_space<hbm>>
      tpu.wait_indirect_dma semaphore(%arg8 : memref<!tpu.dma_semaphore, #tpu.memory_space<semaphore_mem>>) src(%dma_wait3A_702 : memref<50000x8xf32, #tpu.memory_space<hbm>>) dst(%dma_wait3A_697 : memref<128x8xf32, #tpu.memory_space<vmem>>)
      %dma_wait3A_703 = arith.constant 640 : i32
      %dma_wait3A_704 = arith.constant 0 : i32
      %dma_wait3A_705 = tpu.memref_slice %arg7[%dma_wait3A_703, %dma_wait3A_704] : memref<2048x8xf32, #tpu.memory_space<vmem>> -> memref<128x8xf32, #tpu.memory_space<vmem>>
      %dma_wait3A_706 = arith.constant 640 : i32
      %dma_wait3A_707 = tpu.memref_slice %arg6[%dma_wait3A_706] : memref<2048xi32, #tpu.memory_space<vmem>> -> memref<128xi32, #tpu.memory_space<vmem>>
      %dma_wait3A_708 = arith.constant 0 : i32
      %dma_wait3A_709 = arith.constant 0 : i32
      %dma_wait3A_710 = tpu.memref_slice %arg2[%dma_wait3A_708, %dma_wait3A_709] : memref<50000x8xf32, #tpu.memory_space<hbm>> -> memref<50000x8xf32, #tpu.memory_space<hbm>>
      tpu.wait_indirect_dma semaphore(%arg8 : memref<!tpu.dma_semaphore, #tpu.memory_space<semaphore_mem>>) src(%dma_wait3A_710 : memref<50000x8xf32, #tpu.memory_space<hbm>>) dst(%dma_wait3A_705 : memref<128x8xf32, #tpu.memory_space<vmem>>)
      %dma_wait3A_711 = arith.constant 768 : i32
      %dma_wait3A_712 = arith.constant 0 : i32
      %dma_wait3A_713 = tpu.memref_slice %arg7[%dma_wait3A_711, %dma_wait3A_712] : memref<2048x8xf32, #tpu.memory_space<vmem>> -> memref<128x8xf32, #tpu.memory_space<vmem>>
      %dma_wait3A_714 = arith.constant 768 : i32
      %dma_wait3A_715 = tpu.memref_slice %arg6[%dma_wait3A_714] : memref<2048xi32, #tpu.memory_space<vmem>> -> memref<128xi32, #tpu.memory_space<vmem>>
      %dma_wait3A_716 = arith.constant 0 : i32
      %dma_wait3A_717 = arith.constant 0 : i32
      %dma_wait3A_718 = tpu.memref_slice %arg2[%dma_wait3A_716, %dma_wait3A_717] : memref<50000x8xf32, #tpu.memory_space<hbm>> -> memref<50000x8xf32, #tpu.memory_space<hbm>>
      tpu.wait_indirect_dma semaphore(%arg8 : memref<!tpu.dma_semaphore, #tpu.memory_space<semaphore_mem>>) src(%dma_wait3A_718 : memref<50000x8xf32, #tpu.memory_space<hbm>>) dst(%dma_wait3A_713 : memref<128x8xf32, #tpu.memory_space<vmem>>)
      %dma_wait3A_719 = arith.constant 896 : i32
      %dma_wait3A_720 = arith.constant 0 : i32
      %dma_wait3A_721 = tpu.memref_slice %arg7[%dma_wait3A_719, %dma_wait3A_720] : memref<2048x8xf32, #tpu.memory_space<vmem>> -> memref<128x8xf32, #tpu.memory_space<vmem>>
      %dma_wait3A_722 = arith.constant 896 : i32
      %dma_wait3A_723 = tpu.memref_slice %arg6[%dma_wait3A_722] : memref<2048xi32, #tpu.memory_space<vmem>> -> memref<128xi32, #tpu.memory_space<vmem>>
      %dma_wait3A_724 = arith.constant 0 : i32
      %dma_wait3A_725 = arith.constant 0 : i32
      %dma_wait3A_726 = tpu.memref_slice %arg2[%dma_wait3A_724, %dma_wait3A_725] : memref<50000x8xf32, #tpu.memory_space<hbm>> -> memref<50000x8xf32, #tpu.memory_space<hbm>>
      tpu.wait_indirect_dma semaphore(%arg8 : memref<!tpu.dma_semaphore, #tpu.memory_space<semaphore_mem>>) src(%dma_wait3A_726 : memref<50000x8xf32, #tpu.memory_space<hbm>>) dst(%dma_wait3A_721 : memref<128x8xf32, #tpu.memory_space<vmem>>)
      %dma_wait3A_727 = arith.constant 1024 : i32
      %dma_wait3A_728 = arith.constant 0 : i32
      %dma_wait3A_729 = tpu.memref_slice %arg7[%dma_wait3A_727, %dma_wait3A_728] : memref<2048x8xf32, #tpu.memory_space<vmem>> -> memref<128x8xf32, #tpu.memory_space<vmem>>
      %dma_wait3A_730 = arith.constant 1024 : i32
      %dma_wait3A_731 = tpu.memref_slice %arg6[%dma_wait3A_730] : memref<2048xi32, #tpu.memory_space<vmem>> -> memref<128xi32, #tpu.memory_space<vmem>>
      %dma_wait3A_732 = arith.constant 0 : i32
      %dma_wait3A_733 = arith.constant 0 : i32
      %dma_wait3A_734 = tpu.memref_slice %arg2[%dma_wait3A_732, %dma_wait3A_733] : memref<50000x8xf32, #tpu.memory_space<hbm>> -> memref<50000x8xf32, #tpu.memory_space<hbm>>
      tpu.wait_indirect_dma semaphore(%arg8 : memref<!tpu.dma_semaphore, #tpu.memory_space<semaphore_mem>>) src(%dma_wait3A_734 : memref<50000x8xf32, #tpu.memory_space<hbm>>) dst(%dma_wait3A_729 : memref<128x8xf32, #tpu.memory_space<vmem>>)
      %dma_wait3A_735 = arith.constant 1152 : i32
      %dma_wait3A_736 = arith.constant 0 : i32
      %dma_wait3A_737 = tpu.memref_slice %arg7[%dma_wait3A_735, %dma_wait3A_736] : memref<2048x8xf32, #tpu.memory_space<vmem>> -> memref<128x8xf32, #tpu.memory_space<vmem>>
      %dma_wait3A_738 = arith.constant 1152 : i32
      %dma_wait3A_739 = tpu.memref_slice %arg6[%dma_wait3A_738] : memref<2048xi32, #tpu.memory_space<vmem>> -> memref<128xi32, #tpu.memory_space<vmem>>
      %dma_wait3A_740 = arith.constant 0 : i32
      %dma_wait3A_741 = arith.constant 0 : i32
      %dma_wait3A_742 = tpu.memref_slice %arg2[%dma_wait3A_740, %dma_wait3A_741] : memref<50000x8xf32, #tpu.memory_space<hbm>> -> memref<50000x8xf32, #tpu.memory_space<hbm>>
      tpu.wait_indirect_dma semaphore(%arg8 : memref<!tpu.dma_semaphore, #tpu.memory_space<semaphore_mem>>) src(%dma_wait3A_742 : memref<50000x8xf32, #tpu.memory_space<hbm>>) dst(%dma_wait3A_737 : memref<128x8xf32, #tpu.memory_space<vmem>>)
      %dma_wait3A_743 = arith.constant 1280 : i32
      %dma_wait3A_744 = arith.constant 0 : i32
      %dma_wait3A_745 = tpu.memref_slice %arg7[%dma_wait3A_743, %dma_wait3A_744] : memref<2048x8xf32, #tpu.memory_space<vmem>> -> memref<128x8xf32, #tpu.memory_space<vmem>>
      %dma_wait3A_746 = arith.constant 1280 : i32
      %dma_wait3A_747 = tpu.memref_slice %arg6[%dma_wait3A_746] : memref<2048xi32, #tpu.memory_space<vmem>> -> memref<128xi32, #tpu.memory_space<vmem>>
      %dma_wait3A_748 = arith.constant 0 : i32
      %dma_wait3A_749 = arith.constant 0 : i32
      %dma_wait3A_750 = tpu.memref_slice %arg2[%dma_wait3A_748, %dma_wait3A_749] : memref<50000x8xf32, #tpu.memory_space<hbm>> -> memref<50000x8xf32, #tpu.memory_space<hbm>>
      tpu.wait_indirect_dma semaphore(%arg8 : memref<!tpu.dma_semaphore, #tpu.memory_space<semaphore_mem>>) src(%dma_wait3A_750 : memref<50000x8xf32, #tpu.memory_space<hbm>>) dst(%dma_wait3A_745 : memref<128x8xf32, #tpu.memory_space<vmem>>)
      %dma_wait3A_751 = arith.constant 1408 : i32
      %dma_wait3A_752 = arith.constant 0 : i32
      %dma_wait3A_753 = tpu.memref_slice %arg7[%dma_wait3A_751, %dma_wait3A_752] : memref<2048x8xf32, #tpu.memory_space<vmem>> -> memref<128x8xf32, #tpu.memory_space<vmem>>
      %dma_wait3A_754 = arith.constant 1408 : i32
      %dma_wait3A_755 = tpu.memref_slice %arg6[%dma_wait3A_754] : memref<2048xi32, #tpu.memory_space<vmem>> -> memref<128xi32, #tpu.memory_space<vmem>>
      %dma_wait3A_756 = arith.constant 0 : i32
      %dma_wait3A_757 = arith.constant 0 : i32
      %dma_wait3A_758 = tpu.memref_slice %arg2[%dma_wait3A_756, %dma_wait3A_757] : memref<50000x8xf32, #tpu.memory_space<hbm>> -> memref<50000x8xf32, #tpu.memory_space<hbm>>
      tpu.wait_indirect_dma semaphore(%arg8 : memref<!tpu.dma_semaphore, #tpu.memory_space<semaphore_mem>>) src(%dma_wait3A_758 : memref<50000x8xf32, #tpu.memory_space<hbm>>) dst(%dma_wait3A_753 : memref<128x8xf32, #tpu.memory_space<vmem>>)
      %dma_wait3A_759 = arith.constant 1536 : i32
      %dma_wait3A_760 = arith.constant 0 : i32
      %dma_wait3A_761 = tpu.memref_slice %arg7[%dma_wait3A_759, %dma_wait3A_760] : memref<2048x8xf32, #tpu.memory_space<vmem>> -> memref<128x8xf32, #tpu.memory_space<vmem>>
      %dma_wait3A_762 = arith.constant 1536 : i32
      %dma_wait3A_763 = tpu.memref_slice %arg6[%dma_wait3A_762] : memref<2048xi32, #tpu.memory_space<vmem>> -> memref<128xi32, #tpu.memory_space<vmem>>
      %dma_wait3A_764 = arith.constant 0 : i32
      %dma_wait3A_765 = arith.constant 0 : i32
      %dma_wait3A_766 = tpu.memref_slice %arg2[%dma_wait3A_764, %dma_wait3A_765] : memref<50000x8xf32, #tpu.memory_space<hbm>> -> memref<50000x8xf32, #tpu.memory_space<hbm>>
      tpu.wait_indirect_dma semaphore(%arg8 : memref<!tpu.dma_semaphore, #tpu.memory_space<semaphore_mem>>) src(%dma_wait3A_766 : memref<50000x8xf32, #tpu.memory_space<hbm>>) dst(%dma_wait3A_761 : memref<128x8xf32, #tpu.memory_space<vmem>>)
      %dma_wait3A_767 = arith.constant 1664 : i32
      %dma_wait3A_768 = arith.constant 0 : i32
      %dma_wait3A_769 = tpu.memref_slice %arg7[%dma_wait3A_767, %dma_wait3A_768] : memref<2048x8xf32, #tpu.memory_space<vmem>> -> memref<128x8xf32, #tpu.memory_space<vmem>>
      %dma_wait3A_770 = arith.constant 1664 : i32
      %dma_wait3A_771 = tpu.memref_slice %arg6[%dma_wait3A_770] : memref<2048xi32, #tpu.memory_space<vmem>> -> memref<128xi32, #tpu.memory_space<vmem>>
      %dma_wait3A_772 = arith.constant 0 : i32
      %dma_wait3A_773 = arith.constant 0 : i32
      %dma_wait3A_774 = tpu.memref_slice %arg2[%dma_wait3A_772, %dma_wait3A_773] : memref<50000x8xf32, #tpu.memory_space<hbm>> -> memref<50000x8xf32, #tpu.memory_space<hbm>>
      tpu.wait_indirect_dma semaphore(%arg8 : memref<!tpu.dma_semaphore, #tpu.memory_space<semaphore_mem>>) src(%dma_wait3A_774 : memref<50000x8xf32, #tpu.memory_space<hbm>>) dst(%dma_wait3A_769 : memref<128x8xf32, #tpu.memory_space<vmem>>)
      %dma_wait3A_775 = arith.constant 1792 : i32
      %dma_wait3A_776 = arith.constant 0 : i32
      %dma_wait3A_777 = tpu.memref_slice %arg7[%dma_wait3A_775, %dma_wait3A_776] : memref<2048x8xf32, #tpu.memory_space<vmem>> -> memref<128x8xf32, #tpu.memory_space<vmem>>
      %dma_wait3A_778 = arith.constant 1792 : i32
      %dma_wait3A_779 = tpu.memref_slice %arg6[%dma_wait3A_778] : memref<2048xi32, #tpu.memory_space<vmem>> -> memref<128xi32, #tpu.memory_space<vmem>>
      %dma_wait3A_780 = arith.constant 0 : i32
      %dma_wait3A_781 = arith.constant 0 : i32
      %dma_wait3A_782 = tpu.memref_slice %arg2[%dma_wait3A_780, %dma_wait3A_781] : memref<50000x8xf32, #tpu.memory_space<hbm>> -> memref<50000x8xf32, #tpu.memory_space<hbm>>
      tpu.wait_indirect_dma semaphore(%arg8 : memref<!tpu.dma_semaphore, #tpu.memory_space<semaphore_mem>>) src(%dma_wait3A_782 : memref<50000x8xf32, #tpu.memory_space<hbm>>) dst(%dma_wait3A_777 : memref<128x8xf32, #tpu.memory_space<vmem>>)
      %dma_wait3A_783 = arith.constant 1920 : i32
      %dma_wait3A_784 = arith.constant 0 : i32
      %dma_wait3A_785 = tpu.memref_slice %arg7[%dma_wait3A_783, %dma_wait3A_784] : memref<2048x8xf32, #tpu.memory_space<vmem>> -> memref<128x8xf32, #tpu.memory_space<vmem>>
      %dma_wait3A_786 = arith.constant 1920 : i32
      %dma_wait3A_787 = tpu.memref_slice %arg6[%dma_wait3A_786] : memref<2048xi32, #tpu.memory_space<vmem>> -> memref<128xi32, #tpu.memory_space<vmem>>
      %dma_wait3A_788 = arith.constant 0 : i32
      %dma_wait3A_789 = arith.constant 0 : i32
      %dma_wait3A_790 = tpu.memref_slice %arg2[%dma_wait3A_788, %dma_wait3A_789] : memref<50000x8xf32, #tpu.memory_space<hbm>> -> memref<50000x8xf32, #tpu.memory_space<hbm>>
      tpu.wait_indirect_dma semaphore(%arg8 : memref<!tpu.dma_semaphore, #tpu.memory_space<semaphore_mem>>) src(%dma_wait3A_790 : memref<50000x8xf32, #tpu.memory_space<hbm>>) dst(%dma_wait3A_785 : memref<128x8xf32, #tpu.memory_space<vmem>>)
      "tpu.region"() ({
        %run_scoped3A = tpu.sem_alloc : memref<!tpu.dma_semaphore, #tpu.memory_space<semaphore_mem>>
        %dma_start3A_1052 = arith.constant 0 : i32
        %dma_start3A_1053 = tpu.memref_slice %arg4[%add3A_532, %dma_start3A_1052] : memref<800000x8xf32, #tpu.memory_space<hbm>> -> memref<2048x8xf32, #tpu.memory_space<hbm>>
        %dma_start3A_1054 = arith.constant 0 : i32
        %dma_start3A_1055 = tpu.memref_slice %arg4[%add3A_532, %dma_start3A_1054] : memref<800000x8xf32, #tpu.memory_space<hbm>> -> memref<2048x8xf32, #tpu.memory_space<hbm>>
        tpu.enqueue_dma source(%arg7 : memref<2048x8xf32, #tpu.memory_space<vmem>>) target(%dma_start3A_1055 : memref<2048x8xf32, #tpu.memory_space<hbm>>) target_semaphore(%run_scoped3A : memref<!tpu.dma_semaphore, #tpu.memory_space<semaphore_mem>>)
        %dma_wait3A_1056 = arith.constant 0 : i32
        %dma_wait3A_1057 = tpu.memref_slice %arg4[%add3A_532, %dma_wait3A_1056] : memref<800000x8xf32, #tpu.memory_space<hbm>> -> memref<2048x8xf32, #tpu.memory_space<hbm>>
        %dma_wait3A_1058 = arith.constant 0 : i32
        %dma_wait3A_1059 = tpu.memref_slice %arg4[%add3A_532, %dma_wait3A_1058] : memref<800000x8xf32, #tpu.memory_space<hbm>> -> memref<2048x8xf32, #tpu.memory_space<hbm>>
        tpu.wait_dma2 semaphore(%run_scoped3A : memref<!tpu.dma_semaphore, #tpu.memory_space<semaphore_mem>>) src(%arg7 : memref<2048x8xf32, #tpu.memory_space<vmem>>) dst(%dma_wait3A_1059 : memref<2048x8xf32, #tpu.memory_space<hbm>>)
        tpu.yield
      }) : () -> ()
      %mul3A_791 = arith.constant 2048 : i32
      %mul3A_792 = arith.muli %scan3A_529, %mul3A_791 : i32
      %add3A_793 = arith.addi %mul3A_2, %mul3A_792 : i32
      %add3A_794 = arith.constant 800000 : i32
      %add3A_795 = arith.addi %add3A_794, %add3A_793 : i32
      "tpu.region"() ({
        %run_scoped3A = tpu.sem_alloc : memref<!tpu.dma_semaphore, #tpu.memory_space<semaphore_mem>>
        %dma_start3A_1052 = tpu.memref_slice %arg3[%add3A_795] : memref<1600000xi32, #tpu.memory_space<hbm>> -> memref<2048xi32, #tpu.memory_space<hbm>>
        %dma_start3A_1053 = tpu.memref_slice %arg3[%add3A_795] : memref<1600000xi32, #tpu.memory_space<hbm>> -> memref<2048xi32, #tpu.memory_space<hbm>>
        tpu.enqueue_dma source(%dma_start3A_1053 : memref<2048xi32, #tpu.memory_space<hbm>>) target(%arg6 : memref<2048xi32, #tpu.memory_space<vmem>>) target_semaphore(%run_scoped3A : memref<!tpu.dma_semaphore, #tpu.memory_space<semaphore_mem>>)
        %dma_wait3A_1054 = tpu.memref_slice %arg3[%add3A_795] : memref<1600000xi32, #tpu.memory_space<hbm>> -> memref<2048xi32, #tpu.memory_space<hbm>>
        %dma_wait3A_1055 = tpu.memref_slice %arg3[%add3A_795] : memref<1600000xi32, #tpu.memory_space<hbm>> -> memref<2048xi32, #tpu.memory_space<hbm>>
        tpu.wait_dma2 semaphore(%run_scoped3A : memref<!tpu.dma_semaphore, #tpu.memory_space<semaphore_mem>>) src(%dma_wait3A_1055 : memref<2048xi32, #tpu.memory_space<hbm>>) dst(%arg6 : memref<2048xi32, #tpu.memory_space<vmem>>)
        tpu.yield
      }) : () -> ()
      %dma_start3A_796 = arith.constant 0 : i32
      %dma_start3A_797 = arith.constant 0 : i32
      %dma_start3A_798 = tpu.memref_slice %arg7[%dma_start3A_796, %dma_start3A_797] : memref<2048x8xf32, #tpu.memory_space<vmem>> -> memref<128x8xf32, #tpu.memory_space<vmem>>
      %dma_start3A_799 = arith.constant 0 : i32
      %dma_start3A_800 = tpu.memref_slice %arg6[%dma_start3A_799] : memref<2048xi32, #tpu.memory_space<vmem>> -> memref<128xi32, #tpu.memory_space<vmem>>
      %dma_start3A_801 = arith.constant 0 : i32
      %dma_start3A_802 = arith.constant 0 : i32
      %dma_start3A_803 = tpu.memref_slice %arg2[%dma_start3A_801, %dma_start3A_802] : memref<50000x8xf32, #tpu.memory_space<hbm>> -> memref<50000x8xf32, #tpu.memory_space<hbm>>
      tpu.enqueue_indirect_dma source(%dma_start3A_803 : memref<50000x8xf32, #tpu.memory_space<hbm>>) target(%dma_start3A_798 : memref<128x8xf32, #tpu.memory_space<vmem>>) offsets(%dma_start3A_800 : memref<128xi32, #tpu.memory_space<vmem>>) semaphore(%arg8 : memref<!tpu.dma_semaphore, #tpu.memory_space<semaphore_mem>>)
      %dma_start3A_804 = arith.constant 128 : i32
      %dma_start3A_805 = arith.constant 0 : i32
      %dma_start3A_806 = tpu.memref_slice %arg7[%dma_start3A_804, %dma_start3A_805] : memref<2048x8xf32, #tpu.memory_space<vmem>> -> memref<128x8xf32, #tpu.memory_space<vmem>>
      %dma_start3A_807 = arith.constant 128 : i32
      %dma_start3A_808 = tpu.memref_slice %arg6[%dma_start3A_807] : memref<2048xi32, #tpu.memory_space<vmem>> -> memref<128xi32, #tpu.memory_space<vmem>>
      %dma_start3A_809 = arith.constant 0 : i32
      %dma_start3A_810 = arith.constant 0 : i32
      %dma_start3A_811 = tpu.memref_slice %arg2[%dma_start3A_809, %dma_start3A_810] : memref<50000x8xf32, #tpu.memory_space<hbm>> -> memref<50000x8xf32, #tpu.memory_space<hbm>>
      tpu.enqueue_indirect_dma source(%dma_start3A_811 : memref<50000x8xf32, #tpu.memory_space<hbm>>) target(%dma_start3A_806 : memref<128x8xf32, #tpu.memory_space<vmem>>) offsets(%dma_start3A_808 : memref<128xi32, #tpu.memory_space<vmem>>) semaphore(%arg8 : memref<!tpu.dma_semaphore, #tpu.memory_space<semaphore_mem>>)
      %dma_start3A_812 = arith.constant 256 : i32
      %dma_start3A_813 = arith.constant 0 : i32
      %dma_start3A_814 = tpu.memref_slice %arg7[%dma_start3A_812, %dma_start3A_813] : memref<2048x8xf32, #tpu.memory_space<vmem>> -> memref<128x8xf32, #tpu.memory_space<vmem>>
      %dma_start3A_815 = arith.constant 256 : i32
      %dma_start3A_816 = tpu.memref_slice %arg6[%dma_start3A_815] : memref<2048xi32, #tpu.memory_space<vmem>> -> memref<128xi32, #tpu.memory_space<vmem>>
      %dma_start3A_817 = arith.constant 0 : i32
      %dma_start3A_818 = arith.constant 0 : i32
      %dma_start3A_819 = tpu.memref_slice %arg2[%dma_start3A_817, %dma_start3A_818] : memref<50000x8xf32, #tpu.memory_space<hbm>> -> memref<50000x8xf32, #tpu.memory_space<hbm>>
      tpu.enqueue_indirect_dma source(%dma_start3A_819 : memref<50000x8xf32, #tpu.memory_space<hbm>>) target(%dma_start3A_814 : memref<128x8xf32, #tpu.memory_space<vmem>>) offsets(%dma_start3A_816 : memref<128xi32, #tpu.memory_space<vmem>>) semaphore(%arg8 : memref<!tpu.dma_semaphore, #tpu.memory_space<semaphore_mem>>)
      %dma_start3A_820 = arith.constant 384 : i32
      %dma_start3A_821 = arith.constant 0 : i32
      %dma_start3A_822 = tpu.memref_slice %arg7[%dma_start3A_820, %dma_start3A_821] : memref<2048x8xf32, #tpu.memory_space<vmem>> -> memref<128x8xf32, #tpu.memory_space<vmem>>
      %dma_start3A_823 = arith.constant 384 : i32
      %dma_start3A_824 = tpu.memref_slice %arg6[%dma_start3A_823] : memref<2048xi32, #tpu.memory_space<vmem>> -> memref<128xi32, #tpu.memory_space<vmem>>
      %dma_start3A_825 = arith.constant 0 : i32
      %dma_start3A_826 = arith.constant 0 : i32
      %dma_start3A_827 = tpu.memref_slice %arg2[%dma_start3A_825, %dma_start3A_826] : memref<50000x8xf32, #tpu.memory_space<hbm>> -> memref<50000x8xf32, #tpu.memory_space<hbm>>
      tpu.enqueue_indirect_dma source(%dma_start3A_827 : memref<50000x8xf32, #tpu.memory_space<hbm>>) target(%dma_start3A_822 : memref<128x8xf32, #tpu.memory_space<vmem>>) offsets(%dma_start3A_824 : memref<128xi32, #tpu.memory_space<vmem>>) semaphore(%arg8 : memref<!tpu.dma_semaphore, #tpu.memory_space<semaphore_mem>>)
      %dma_start3A_828 = arith.constant 512 : i32
      %dma_start3A_829 = arith.constant 0 : i32
      %dma_start3A_830 = tpu.memref_slice %arg7[%dma_start3A_828, %dma_start3A_829] : memref<2048x8xf32, #tpu.memory_space<vmem>> -> memref<128x8xf32, #tpu.memory_space<vmem>>
      %dma_start3A_831 = arith.constant 512 : i32
      %dma_start3A_832 = tpu.memref_slice %arg6[%dma_start3A_831] : memref<2048xi32, #tpu.memory_space<vmem>> -> memref<128xi32, #tpu.memory_space<vmem>>
      %dma_start3A_833 = arith.constant 0 : i32
      %dma_start3A_834 = arith.constant 0 : i32
      %dma_start3A_835 = tpu.memref_slice %arg2[%dma_start3A_833, %dma_start3A_834] : memref<50000x8xf32, #tpu.memory_space<hbm>> -> memref<50000x8xf32, #tpu.memory_space<hbm>>
      tpu.enqueue_indirect_dma source(%dma_start3A_835 : memref<50000x8xf32, #tpu.memory_space<hbm>>) target(%dma_start3A_830 : memref<128x8xf32, #tpu.memory_space<vmem>>) offsets(%dma_start3A_832 : memref<128xi32, #tpu.memory_space<vmem>>) semaphore(%arg8 : memref<!tpu.dma_semaphore, #tpu.memory_space<semaphore_mem>>)
      %dma_start3A_836 = arith.constant 640 : i32
      %dma_start3A_837 = arith.constant 0 : i32
      %dma_start3A_838 = tpu.memref_slice %arg7[%dma_start3A_836, %dma_start3A_837] : memref<2048x8xf32, #tpu.memory_space<vmem>> -> memref<128x8xf32, #tpu.memory_space<vmem>>
      %dma_start3A_839 = arith.constant 640 : i32
      %dma_start3A_840 = tpu.memref_slice %arg6[%dma_start3A_839] : memref<2048xi32, #tpu.memory_space<vmem>> -> memref<128xi32, #tpu.memory_space<vmem>>
      %dma_start3A_841 = arith.constant 0 : i32
      %dma_start3A_842 = arith.constant 0 : i32
      %dma_start3A_843 = tpu.memref_slice %arg2[%dma_start3A_841, %dma_start3A_842] : memref<50000x8xf32, #tpu.memory_space<hbm>> -> memref<50000x8xf32, #tpu.memory_space<hbm>>
      tpu.enqueue_indirect_dma source(%dma_start3A_843 : memref<50000x8xf32, #tpu.memory_space<hbm>>) target(%dma_start3A_838 : memref<128x8xf32, #tpu.memory_space<vmem>>) offsets(%dma_start3A_840 : memref<128xi32, #tpu.memory_space<vmem>>) semaphore(%arg8 : memref<!tpu.dma_semaphore, #tpu.memory_space<semaphore_mem>>)
      %dma_start3A_844 = arith.constant 768 : i32
      %dma_start3A_845 = arith.constant 0 : i32
      %dma_start3A_846 = tpu.memref_slice %arg7[%dma_start3A_844, %dma_start3A_845] : memref<2048x8xf32, #tpu.memory_space<vmem>> -> memref<128x8xf32, #tpu.memory_space<vmem>>
      %dma_start3A_847 = arith.constant 768 : i32
      %dma_start3A_848 = tpu.memref_slice %arg6[%dma_start3A_847] : memref<2048xi32, #tpu.memory_space<vmem>> -> memref<128xi32, #tpu.memory_space<vmem>>
      %dma_start3A_849 = arith.constant 0 : i32
      %dma_start3A_850 = arith.constant 0 : i32
      %dma_start3A_851 = tpu.memref_slice %arg2[%dma_start3A_849, %dma_start3A_850] : memref<50000x8xf32, #tpu.memory_space<hbm>> -> memref<50000x8xf32, #tpu.memory_space<hbm>>
      tpu.enqueue_indirect_dma source(%dma_start3A_851 : memref<50000x8xf32, #tpu.memory_space<hbm>>) target(%dma_start3A_846 : memref<128x8xf32, #tpu.memory_space<vmem>>) offsets(%dma_start3A_848 : memref<128xi32, #tpu.memory_space<vmem>>) semaphore(%arg8 : memref<!tpu.dma_semaphore, #tpu.memory_space<semaphore_mem>>)
      %dma_start3A_852 = arith.constant 896 : i32
      %dma_start3A_853 = arith.constant 0 : i32
      %dma_start3A_854 = tpu.memref_slice %arg7[%dma_start3A_852, %dma_start3A_853] : memref<2048x8xf32, #tpu.memory_space<vmem>> -> memref<128x8xf32, #tpu.memory_space<vmem>>
      %dma_start3A_855 = arith.constant 896 : i32
      %dma_start3A_856 = tpu.memref_slice %arg6[%dma_start3A_855] : memref<2048xi32, #tpu.memory_space<vmem>> -> memref<128xi32, #tpu.memory_space<vmem>>
      %dma_start3A_857 = arith.constant 0 : i32
      %dma_start3A_858 = arith.constant 0 : i32
      %dma_start3A_859 = tpu.memref_slice %arg2[%dma_start3A_857, %dma_start3A_858] : memref<50000x8xf32, #tpu.memory_space<hbm>> -> memref<50000x8xf32, #tpu.memory_space<hbm>>
      tpu.enqueue_indirect_dma source(%dma_start3A_859 : memref<50000x8xf32, #tpu.memory_space<hbm>>) target(%dma_start3A_854 : memref<128x8xf32, #tpu.memory_space<vmem>>) offsets(%dma_start3A_856 : memref<128xi32, #tpu.memory_space<vmem>>) semaphore(%arg8 : memref<!tpu.dma_semaphore, #tpu.memory_space<semaphore_mem>>)
      %dma_start3A_860 = arith.constant 1024 : i32
      %dma_start3A_861 = arith.constant 0 : i32
      %dma_start3A_862 = tpu.memref_slice %arg7[%dma_start3A_860, %dma_start3A_861] : memref<2048x8xf32, #tpu.memory_space<vmem>> -> memref<128x8xf32, #tpu.memory_space<vmem>>
      %dma_start3A_863 = arith.constant 1024 : i32
      %dma_start3A_864 = tpu.memref_slice %arg6[%dma_start3A_863] : memref<2048xi32, #tpu.memory_space<vmem>> -> memref<128xi32, #tpu.memory_space<vmem>>
      %dma_start3A_865 = arith.constant 0 : i32
      %dma_start3A_866 = arith.constant 0 : i32
      %dma_start3A_867 = tpu.memref_slice %arg2[%dma_start3A_865, %dma_start3A_866] : memref<50000x8xf32, #tpu.memory_space<hbm>> -> memref<50000x8xf32, #tpu.memory_space<hbm>>
      tpu.enqueue_indirect_dma source(%dma_start3A_867 : memref<50000x8xf32, #tpu.memory_space<hbm>>) target(%dma_start3A_862 : memref<128x8xf32, #tpu.memory_space<vmem>>) offsets(%dma_start3A_864 : memref<128xi32, #tpu.memory_space<vmem>>) semaphore(%arg8 : memref<!tpu.dma_semaphore, #tpu.memory_space<semaphore_mem>>)
      %dma_start3A_868 = arith.constant 1152 : i32
      %dma_start3A_869 = arith.constant 0 : i32
      %dma_start3A_870 = tpu.memref_slice %arg7[%dma_start3A_868, %dma_start3A_869] : memref<2048x8xf32, #tpu.memory_space<vmem>> -> memref<128x8xf32, #tpu.memory_space<vmem>>
      %dma_start3A_871 = arith.constant 1152 : i32
      %dma_start3A_872 = tpu.memref_slice %arg6[%dma_start3A_871] : memref<2048xi32, #tpu.memory_space<vmem>> -> memref<128xi32, #tpu.memory_space<vmem>>
      %dma_start3A_873 = arith.constant 0 : i32
      %dma_start3A_874 = arith.constant 0 : i32
      %dma_start3A_875 = tpu.memref_slice %arg2[%dma_start3A_873, %dma_start3A_874] : memref<50000x8xf32, #tpu.memory_space<hbm>> -> memref<50000x8xf32, #tpu.memory_space<hbm>>
      tpu.enqueue_indirect_dma source(%dma_start3A_875 : memref<50000x8xf32, #tpu.memory_space<hbm>>) target(%dma_start3A_870 : memref<128x8xf32, #tpu.memory_space<vmem>>) offsets(%dma_start3A_872 : memref<128xi32, #tpu.memory_space<vmem>>) semaphore(%arg8 : memref<!tpu.dma_semaphore, #tpu.memory_space<semaphore_mem>>)
      %dma_start3A_876 = arith.constant 1280 : i32
      %dma_start3A_877 = arith.constant 0 : i32
      %dma_start3A_878 = tpu.memref_slice %arg7[%dma_start3A_876, %dma_start3A_877] : memref<2048x8xf32, #tpu.memory_space<vmem>> -> memref<128x8xf32, #tpu.memory_space<vmem>>
      %dma_start3A_879 = arith.constant 1280 : i32
      %dma_start3A_880 = tpu.memref_slice %arg6[%dma_start3A_879] : memref<2048xi32, #tpu.memory_space<vmem>> -> memref<128xi32, #tpu.memory_space<vmem>>
      %dma_start3A_881 = arith.constant 0 : i32
      %dma_start3A_882 = arith.constant 0 : i32
      %dma_start3A_883 = tpu.memref_slice %arg2[%dma_start3A_881, %dma_start3A_882] : memref<50000x8xf32, #tpu.memory_space<hbm>> -> memref<50000x8xf32, #tpu.memory_space<hbm>>
      tpu.enqueue_indirect_dma source(%dma_start3A_883 : memref<50000x8xf32, #tpu.memory_space<hbm>>) target(%dma_start3A_878 : memref<128x8xf32, #tpu.memory_space<vmem>>) offsets(%dma_start3A_880 : memref<128xi32, #tpu.memory_space<vmem>>) semaphore(%arg8 : memref<!tpu.dma_semaphore, #tpu.memory_space<semaphore_mem>>)
      %dma_start3A_884 = arith.constant 1408 : i32
      %dma_start3A_885 = arith.constant 0 : i32
      %dma_start3A_886 = tpu.memref_slice %arg7[%dma_start3A_884, %dma_start3A_885] : memref<2048x8xf32, #tpu.memory_space<vmem>> -> memref<128x8xf32, #tpu.memory_space<vmem>>
      %dma_start3A_887 = arith.constant 1408 : i32
      %dma_start3A_888 = tpu.memref_slice %arg6[%dma_start3A_887] : memref<2048xi32, #tpu.memory_space<vmem>> -> memref<128xi32, #tpu.memory_space<vmem>>
      %dma_start3A_889 = arith.constant 0 : i32
      %dma_start3A_890 = arith.constant 0 : i32
      %dma_start3A_891 = tpu.memref_slice %arg2[%dma_start3A_889, %dma_start3A_890] : memref<50000x8xf32, #tpu.memory_space<hbm>> -> memref<50000x8xf32, #tpu.memory_space<hbm>>
      tpu.enqueue_indirect_dma source(%dma_start3A_891 : memref<50000x8xf32, #tpu.memory_space<hbm>>) target(%dma_start3A_886 : memref<128x8xf32, #tpu.memory_space<vmem>>) offsets(%dma_start3A_888 : memref<128xi32, #tpu.memory_space<vmem>>) semaphore(%arg8 : memref<!tpu.dma_semaphore, #tpu.memory_space<semaphore_mem>>)
      %dma_start3A_892 = arith.constant 1536 : i32
      %dma_start3A_893 = arith.constant 0 : i32
      %dma_start3A_894 = tpu.memref_slice %arg7[%dma_start3A_892, %dma_start3A_893] : memref<2048x8xf32, #tpu.memory_space<vmem>> -> memref<128x8xf32, #tpu.memory_space<vmem>>
      %dma_start3A_895 = arith.constant 1536 : i32
      %dma_start3A_896 = tpu.memref_slice %arg6[%dma_start3A_895] : memref<2048xi32, #tpu.memory_space<vmem>> -> memref<128xi32, #tpu.memory_space<vmem>>
      %dma_start3A_897 = arith.constant 0 : i32
      %dma_start3A_898 = arith.constant 0 : i32
      %dma_start3A_899 = tpu.memref_slice %arg2[%dma_start3A_897, %dma_start3A_898] : memref<50000x8xf32, #tpu.memory_space<hbm>> -> memref<50000x8xf32, #tpu.memory_space<hbm>>
      tpu.enqueue_indirect_dma source(%dma_start3A_899 : memref<50000x8xf32, #tpu.memory_space<hbm>>) target(%dma_start3A_894 : memref<128x8xf32, #tpu.memory_space<vmem>>) offsets(%dma_start3A_896 : memref<128xi32, #tpu.memory_space<vmem>>) semaphore(%arg8 : memref<!tpu.dma_semaphore, #tpu.memory_space<semaphore_mem>>)
      %dma_start3A_900 = arith.constant 1664 : i32
      %dma_start3A_901 = arith.constant 0 : i32
      %dma_start3A_902 = tpu.memref_slice %arg7[%dma_start3A_900, %dma_start3A_901] : memref<2048x8xf32, #tpu.memory_space<vmem>> -> memref<128x8xf32, #tpu.memory_space<vmem>>
      %dma_start3A_903 = arith.constant 1664 : i32
      %dma_start3A_904 = tpu.memref_slice %arg6[%dma_start3A_903] : memref<2048xi32, #tpu.memory_space<vmem>> -> memref<128xi32, #tpu.memory_space<vmem>>
      %dma_start3A_905 = arith.constant 0 : i32
      %dma_start3A_906 = arith.constant 0 : i32
      %dma_start3A_907 = tpu.memref_slice %arg2[%dma_start3A_905, %dma_start3A_906] : memref<50000x8xf32, #tpu.memory_space<hbm>> -> memref<50000x8xf32, #tpu.memory_space<hbm>>
      tpu.enqueue_indirect_dma source(%dma_start3A_907 : memref<50000x8xf32, #tpu.memory_space<hbm>>) target(%dma_start3A_902 : memref<128x8xf32, #tpu.memory_space<vmem>>) offsets(%dma_start3A_904 : memref<128xi32, #tpu.memory_space<vmem>>) semaphore(%arg8 : memref<!tpu.dma_semaphore, #tpu.memory_space<semaphore_mem>>)
      %dma_start3A_908 = arith.constant 1792 : i32
      %dma_start3A_909 = arith.constant 0 : i32
      %dma_start3A_910 = tpu.memref_slice %arg7[%dma_start3A_908, %dma_start3A_909] : memref<2048x8xf32, #tpu.memory_space<vmem>> -> memref<128x8xf32, #tpu.memory_space<vmem>>
      %dma_start3A_911 = arith.constant 1792 : i32
      %dma_start3A_912 = tpu.memref_slice %arg6[%dma_start3A_911] : memref<2048xi32, #tpu.memory_space<vmem>> -> memref<128xi32, #tpu.memory_space<vmem>>
      %dma_start3A_913 = arith.constant 0 : i32
      %dma_start3A_914 = arith.constant 0 : i32
      %dma_start3A_915 = tpu.memref_slice %arg2[%dma_start3A_913, %dma_start3A_914] : memref<50000x8xf32, #tpu.memory_space<hbm>> -> memref<50000x8xf32, #tpu.memory_space<hbm>>
      tpu.enqueue_indirect_dma source(%dma_start3A_915 : memref<50000x8xf32, #tpu.memory_space<hbm>>) target(%dma_start3A_910 : memref<128x8xf32, #tpu.memory_space<vmem>>) offsets(%dma_start3A_912 : memref<128xi32, #tpu.memory_space<vmem>>) semaphore(%arg8 : memref<!tpu.dma_semaphore, #tpu.memory_space<semaphore_mem>>)
      %dma_start3A_916 = arith.constant 1920 : i32
      %dma_start3A_917 = arith.constant 0 : i32
      %dma_start3A_918 = tpu.memref_slice %arg7[%dma_start3A_916, %dma_start3A_917] : memref<2048x8xf32, #tpu.memory_space<vmem>> -> memref<128x8xf32, #tpu.memory_space<vmem>>
      %dma_start3A_919 = arith.constant 1920 : i32
      %dma_start3A_920 = tpu.memref_slice %arg6[%dma_start3A_919] : memref<2048xi32, #tpu.memory_space<vmem>> -> memref<128xi32, #tpu.memory_space<vmem>>
      %dma_start3A_921 = arith.constant 0 : i32
      %dma_start3A_922 = arith.constant 0 : i32
      %dma_start3A_923 = tpu.memref_slice %arg2[%dma_start3A_921, %dma_start3A_922] : memref<50000x8xf32, #tpu.memory_space<hbm>> -> memref<50000x8xf32, #tpu.memory_space<hbm>>
      tpu.enqueue_indirect_dma source(%dma_start3A_923 : memref<50000x8xf32, #tpu.memory_space<hbm>>) target(%dma_start3A_918 : memref<128x8xf32, #tpu.memory_space<vmem>>) offsets(%dma_start3A_920 : memref<128xi32, #tpu.memory_space<vmem>>) semaphore(%arg8 : memref<!tpu.dma_semaphore, #tpu.memory_space<semaphore_mem>>)
      %dma_wait3A_924 = arith.constant 0 : i32
      %dma_wait3A_925 = arith.constant 0 : i32
      %dma_wait3A_926 = tpu.memref_slice %arg7[%dma_wait3A_924, %dma_wait3A_925] : memref<2048x8xf32, #tpu.memory_space<vmem>> -> memref<128x8xf32, #tpu.memory_space<vmem>>
      %dma_wait3A_927 = arith.constant 0 : i32
      %dma_wait3A_928 = tpu.memref_slice %arg6[%dma_wait3A_927] : memref<2048xi32, #tpu.memory_space<vmem>> -> memref<128xi32, #tpu.memory_space<vmem>>
      %dma_wait3A_929 = arith.constant 0 : i32
      %dma_wait3A_930 = arith.constant 0 : i32
      %dma_wait3A_931 = tpu.memref_slice %arg2[%dma_wait3A_929, %dma_wait3A_930] : memref<50000x8xf32, #tpu.memory_space<hbm>> -> memref<50000x8xf32, #tpu.memory_space<hbm>>
      tpu.wait_indirect_dma semaphore(%arg8 : memref<!tpu.dma_semaphore, #tpu.memory_space<semaphore_mem>>) src(%dma_wait3A_931 : memref<50000x8xf32, #tpu.memory_space<hbm>>) dst(%dma_wait3A_926 : memref<128x8xf32, #tpu.memory_space<vmem>>)
      %dma_wait3A_932 = arith.constant 128 : i32
      %dma_wait3A_933 = arith.constant 0 : i32
      %dma_wait3A_934 = tpu.memref_slice %arg7[%dma_wait3A_932, %dma_wait3A_933] : memref<2048x8xf32, #tpu.memory_space<vmem>> -> memref<128x8xf32, #tpu.memory_space<vmem>>
      %dma_wait3A_935 = arith.constant 128 : i32
      %dma_wait3A_936 = tpu.memref_slice %arg6[%dma_wait3A_935] : memref<2048xi32, #tpu.memory_space<vmem>> -> memref<128xi32, #tpu.memory_space<vmem>>
      %dma_wait3A_937 = arith.constant 0 : i32
      %dma_wait3A_938 = arith.constant 0 : i32
      %dma_wait3A_939 = tpu.memref_slice %arg2[%dma_wait3A_937, %dma_wait3A_938] : memref<50000x8xf32, #tpu.memory_space<hbm>> -> memref<50000x8xf32, #tpu.memory_space<hbm>>
      tpu.wait_indirect_dma semaphore(%arg8 : memref<!tpu.dma_semaphore, #tpu.memory_space<semaphore_mem>>) src(%dma_wait3A_939 : memref<50000x8xf32, #tpu.memory_space<hbm>>) dst(%dma_wait3A_934 : memref<128x8xf32, #tpu.memory_space<vmem>>)
      %dma_wait3A_940 = arith.constant 256 : i32
      %dma_wait3A_941 = arith.constant 0 : i32
      %dma_wait3A_942 = tpu.memref_slice %arg7[%dma_wait3A_940, %dma_wait3A_941] : memref<2048x8xf32, #tpu.memory_space<vmem>> -> memref<128x8xf32, #tpu.memory_space<vmem>>
      %dma_wait3A_943 = arith.constant 256 : i32
      %dma_wait3A_944 = tpu.memref_slice %arg6[%dma_wait3A_943] : memref<2048xi32, #tpu.memory_space<vmem>> -> memref<128xi32, #tpu.memory_space<vmem>>
      %dma_wait3A_945 = arith.constant 0 : i32
      %dma_wait3A_946 = arith.constant 0 : i32
      %dma_wait3A_947 = tpu.memref_slice %arg2[%dma_wait3A_945, %dma_wait3A_946] : memref<50000x8xf32, #tpu.memory_space<hbm>> -> memref<50000x8xf32, #tpu.memory_space<hbm>>
      tpu.wait_indirect_dma semaphore(%arg8 : memref<!tpu.dma_semaphore, #tpu.memory_space<semaphore_mem>>) src(%dma_wait3A_947 : memref<50000x8xf32, #tpu.memory_space<hbm>>) dst(%dma_wait3A_942 : memref<128x8xf32, #tpu.memory_space<vmem>>)
      %dma_wait3A_948 = arith.constant 384 : i32
      %dma_wait3A_949 = arith.constant 0 : i32
      %dma_wait3A_950 = tpu.memref_slice %arg7[%dma_wait3A_948, %dma_wait3A_949] : memref<2048x8xf32, #tpu.memory_space<vmem>> -> memref<128x8xf32, #tpu.memory_space<vmem>>
      %dma_wait3A_951 = arith.constant 384 : i32
      %dma_wait3A_952 = tpu.memref_slice %arg6[%dma_wait3A_951] : memref<2048xi32, #tpu.memory_space<vmem>> -> memref<128xi32, #tpu.memory_space<vmem>>
      %dma_wait3A_953 = arith.constant 0 : i32
      %dma_wait3A_954 = arith.constant 0 : i32
      %dma_wait3A_955 = tpu.memref_slice %arg2[%dma_wait3A_953, %dma_wait3A_954] : memref<50000x8xf32, #tpu.memory_space<hbm>> -> memref<50000x8xf32, #tpu.memory_space<hbm>>
      tpu.wait_indirect_dma semaphore(%arg8 : memref<!tpu.dma_semaphore, #tpu.memory_space<semaphore_mem>>) src(%dma_wait3A_955 : memref<50000x8xf32, #tpu.memory_space<hbm>>) dst(%dma_wait3A_950 : memref<128x8xf32, #tpu.memory_space<vmem>>)
      %dma_wait3A_956 = arith.constant 512 : i32
      %dma_wait3A_957 = arith.constant 0 : i32
      %dma_wait3A_958 = tpu.memref_slice %arg7[%dma_wait3A_956, %dma_wait3A_957] : memref<2048x8xf32, #tpu.memory_space<vmem>> -> memref<128x8xf32, #tpu.memory_space<vmem>>
      %dma_wait3A_959 = arith.constant 512 : i32
      %dma_wait3A_960 = tpu.memref_slice %arg6[%dma_wait3A_959] : memref<2048xi32, #tpu.memory_space<vmem>> -> memref<128xi32, #tpu.memory_space<vmem>>
      %dma_wait3A_961 = arith.constant 0 : i32
      %dma_wait3A_962 = arith.constant 0 : i32
      %dma_wait3A_963 = tpu.memref_slice %arg2[%dma_wait3A_961, %dma_wait3A_962] : memref<50000x8xf32, #tpu.memory_space<hbm>> -> memref<50000x8xf32, #tpu.memory_space<hbm>>
      tpu.wait_indirect_dma semaphore(%arg8 : memref<!tpu.dma_semaphore, #tpu.memory_space<semaphore_mem>>) src(%dma_wait3A_963 : memref<50000x8xf32, #tpu.memory_space<hbm>>) dst(%dma_wait3A_958 : memref<128x8xf32, #tpu.memory_space<vmem>>)
      %dma_wait3A_964 = arith.constant 640 : i32
      %dma_wait3A_965 = arith.constant 0 : i32
      %dma_wait3A_966 = tpu.memref_slice %arg7[%dma_wait3A_964, %dma_wait3A_965] : memref<2048x8xf32, #tpu.memory_space<vmem>> -> memref<128x8xf32, #tpu.memory_space<vmem>>
      %dma_wait3A_967 = arith.constant 640 : i32
      %dma_wait3A_968 = tpu.memref_slice %arg6[%dma_wait3A_967] : memref<2048xi32, #tpu.memory_space<vmem>> -> memref<128xi32, #tpu.memory_space<vmem>>
      %dma_wait3A_969 = arith.constant 0 : i32
      %dma_wait3A_970 = arith.constant 0 : i32
      %dma_wait3A_971 = tpu.memref_slice %arg2[%dma_wait3A_969, %dma_wait3A_970] : memref<50000x8xf32, #tpu.memory_space<hbm>> -> memref<50000x8xf32, #tpu.memory_space<hbm>>
      tpu.wait_indirect_dma semaphore(%arg8 : memref<!tpu.dma_semaphore, #tpu.memory_space<semaphore_mem>>) src(%dma_wait3A_971 : memref<50000x8xf32, #tpu.memory_space<hbm>>) dst(%dma_wait3A_966 : memref<128x8xf32, #tpu.memory_space<vmem>>)
      %dma_wait3A_972 = arith.constant 768 : i32
      %dma_wait3A_973 = arith.constant 0 : i32
      %dma_wait3A_974 = tpu.memref_slice %arg7[%dma_wait3A_972, %dma_wait3A_973] : memref<2048x8xf32, #tpu.memory_space<vmem>> -> memref<128x8xf32, #tpu.memory_space<vmem>>
      %dma_wait3A_975 = arith.constant 768 : i32
      %dma_wait3A_976 = tpu.memref_slice %arg6[%dma_wait3A_975] : memref<2048xi32, #tpu.memory_space<vmem>> -> memref<128xi32, #tpu.memory_space<vmem>>
      %dma_wait3A_977 = arith.constant 0 : i32
      %dma_wait3A_978 = arith.constant 0 : i32
      %dma_wait3A_979 = tpu.memref_slice %arg2[%dma_wait3A_977, %dma_wait3A_978] : memref<50000x8xf32, #tpu.memory_space<hbm>> -> memref<50000x8xf32, #tpu.memory_space<hbm>>
      tpu.wait_indirect_dma semaphore(%arg8 : memref<!tpu.dma_semaphore, #tpu.memory_space<semaphore_mem>>) src(%dma_wait3A_979 : memref<50000x8xf32, #tpu.memory_space<hbm>>) dst(%dma_wait3A_974 : memref<128x8xf32, #tpu.memory_space<vmem>>)
      %dma_wait3A_980 = arith.constant 896 : i32
      %dma_wait3A_981 = arith.constant 0 : i32
      %dma_wait3A_982 = tpu.memref_slice %arg7[%dma_wait3A_980, %dma_wait3A_981] : memref<2048x8xf32, #tpu.memory_space<vmem>> -> memref<128x8xf32, #tpu.memory_space<vmem>>
      %dma_wait3A_983 = arith.constant 896 : i32
      %dma_wait3A_984 = tpu.memref_slice %arg6[%dma_wait3A_983] : memref<2048xi32, #tpu.memory_space<vmem>> -> memref<128xi32, #tpu.memory_space<vmem>>
      %dma_wait3A_985 = arith.constant 0 : i32
      %dma_wait3A_986 = arith.constant 0 : i32
      %dma_wait3A_987 = tpu.memref_slice %arg2[%dma_wait3A_985, %dma_wait3A_986] : memref<50000x8xf32, #tpu.memory_space<hbm>> -> memref<50000x8xf32, #tpu.memory_space<hbm>>
      tpu.wait_indirect_dma semaphore(%arg8 : memref<!tpu.dma_semaphore, #tpu.memory_space<semaphore_mem>>) src(%dma_wait3A_987 : memref<50000x8xf32, #tpu.memory_space<hbm>>) dst(%dma_wait3A_982 : memref<128x8xf32, #tpu.memory_space<vmem>>)
      %dma_wait3A_988 = arith.constant 1024 : i32
      %dma_wait3A_989 = arith.constant 0 : i32
      %dma_wait3A_990 = tpu.memref_slice %arg7[%dma_wait3A_988, %dma_wait3A_989] : memref<2048x8xf32, #tpu.memory_space<vmem>> -> memref<128x8xf32, #tpu.memory_space<vmem>>
      %dma_wait3A_991 = arith.constant 1024 : i32
      %dma_wait3A_992 = tpu.memref_slice %arg6[%dma_wait3A_991] : memref<2048xi32, #tpu.memory_space<vmem>> -> memref<128xi32, #tpu.memory_space<vmem>>
      %dma_wait3A_993 = arith.constant 0 : i32
      %dma_wait3A_994 = arith.constant 0 : i32
      %dma_wait3A_995 = tpu.memref_slice %arg2[%dma_wait3A_993, %dma_wait3A_994] : memref<50000x8xf32, #tpu.memory_space<hbm>> -> memref<50000x8xf32, #tpu.memory_space<hbm>>
      tpu.wait_indirect_dma semaphore(%arg8 : memref<!tpu.dma_semaphore, #tpu.memory_space<semaphore_mem>>) src(%dma_wait3A_995 : memref<50000x8xf32, #tpu.memory_space<hbm>>) dst(%dma_wait3A_990 : memref<128x8xf32, #tpu.memory_space<vmem>>)
      %dma_wait3A_996 = arith.constant 1152 : i32
      %dma_wait3A_997 = arith.constant 0 : i32
      %dma_wait3A_998 = tpu.memref_slice %arg7[%dma_wait3A_996, %dma_wait3A_997] : memref<2048x8xf32, #tpu.memory_space<vmem>> -> memref<128x8xf32, #tpu.memory_space<vmem>>
      %dma_wait3A_999 = arith.constant 1152 : i32
      %dma_wait3A_1000 = tpu.memref_slice %arg6[%dma_wait3A_999] : memref<2048xi32, #tpu.memory_space<vmem>> -> memref<128xi32, #tpu.memory_space<vmem>>
      %dma_wait3A_1001 = arith.constant 0 : i32
      %dma_wait3A_1002 = arith.constant 0 : i32
      %dma_wait3A_1003 = tpu.memref_slice %arg2[%dma_wait3A_1001, %dma_wait3A_1002] : memref<50000x8xf32, #tpu.memory_space<hbm>> -> memref<50000x8xf32, #tpu.memory_space<hbm>>
      tpu.wait_indirect_dma semaphore(%arg8 : memref<!tpu.dma_semaphore, #tpu.memory_space<semaphore_mem>>) src(%dma_wait3A_1003 : memref<50000x8xf32, #tpu.memory_space<hbm>>) dst(%dma_wait3A_998 : memref<128x8xf32, #tpu.memory_space<vmem>>)
      %dma_wait3A_1004 = arith.constant 1280 : i32
      %dma_wait3A_1005 = arith.constant 0 : i32
      %dma_wait3A_1006 = tpu.memref_slice %arg7[%dma_wait3A_1004, %dma_wait3A_1005] : memref<2048x8xf32, #tpu.memory_space<vmem>> -> memref<128x8xf32, #tpu.memory_space<vmem>>
      %dma_wait3A_1007 = arith.constant 1280 : i32
      %dma_wait3A_1008 = tpu.memref_slice %arg6[%dma_wait3A_1007] : memref<2048xi32, #tpu.memory_space<vmem>> -> memref<128xi32, #tpu.memory_space<vmem>>
      %dma_wait3A_1009 = arith.constant 0 : i32
      %dma_wait3A_1010 = arith.constant 0 : i32
      %dma_wait3A_1011 = tpu.memref_slice %arg2[%dma_wait3A_1009, %dma_wait3A_1010] : memref<50000x8xf32, #tpu.memory_space<hbm>> -> memref<50000x8xf32, #tpu.memory_space<hbm>>
      tpu.wait_indirect_dma semaphore(%arg8 : memref<!tpu.dma_semaphore, #tpu.memory_space<semaphore_mem>>) src(%dma_wait3A_1011 : memref<50000x8xf32, #tpu.memory_space<hbm>>) dst(%dma_wait3A_1006 : memref<128x8xf32, #tpu.memory_space<vmem>>)
      %dma_wait3A_1012 = arith.constant 1408 : i32
      %dma_wait3A_1013 = arith.constant 0 : i32
      %dma_wait3A_1014 = tpu.memref_slice %arg7[%dma_wait3A_1012, %dma_wait3A_1013] : memref<2048x8xf32, #tpu.memory_space<vmem>> -> memref<128x8xf32, #tpu.memory_space<vmem>>
      %dma_wait3A_1015 = arith.constant 1408 : i32
      %dma_wait3A_1016 = tpu.memref_slice %arg6[%dma_wait3A_1015] : memref<2048xi32, #tpu.memory_space<vmem>> -> memref<128xi32, #tpu.memory_space<vmem>>
      %dma_wait3A_1017 = arith.constant 0 : i32
      %dma_wait3A_1018 = arith.constant 0 : i32
      %dma_wait3A_1019 = tpu.memref_slice %arg2[%dma_wait3A_1017, %dma_wait3A_1018] : memref<50000x8xf32, #tpu.memory_space<hbm>> -> memref<50000x8xf32, #tpu.memory_space<hbm>>
      tpu.wait_indirect_dma semaphore(%arg8 : memref<!tpu.dma_semaphore, #tpu.memory_space<semaphore_mem>>) src(%dma_wait3A_1019 : memref<50000x8xf32, #tpu.memory_space<hbm>>) dst(%dma_wait3A_1014 : memref<128x8xf32, #tpu.memory_space<vmem>>)
      %dma_wait3A_1020 = arith.constant 1536 : i32
      %dma_wait3A_1021 = arith.constant 0 : i32
      %dma_wait3A_1022 = tpu.memref_slice %arg7[%dma_wait3A_1020, %dma_wait3A_1021] : memref<2048x8xf32, #tpu.memory_space<vmem>> -> memref<128x8xf32, #tpu.memory_space<vmem>>
      %dma_wait3A_1023 = arith.constant 1536 : i32
      %dma_wait3A_1024 = tpu.memref_slice %arg6[%dma_wait3A_1023] : memref<2048xi32, #tpu.memory_space<vmem>> -> memref<128xi32, #tpu.memory_space<vmem>>
      %dma_wait3A_1025 = arith.constant 0 : i32
      %dma_wait3A_1026 = arith.constant 0 : i32
      %dma_wait3A_1027 = tpu.memref_slice %arg2[%dma_wait3A_1025, %dma_wait3A_1026] : memref<50000x8xf32, #tpu.memory_space<hbm>> -> memref<50000x8xf32, #tpu.memory_space<hbm>>
      tpu.wait_indirect_dma semaphore(%arg8 : memref<!tpu.dma_semaphore, #tpu.memory_space<semaphore_mem>>) src(%dma_wait3A_1027 : memref<50000x8xf32, #tpu.memory_space<hbm>>) dst(%dma_wait3A_1022 : memref<128x8xf32, #tpu.memory_space<vmem>>)
      %dma_wait3A_1028 = arith.constant 1664 : i32
      %dma_wait3A_1029 = arith.constant 0 : i32
      %dma_wait3A_1030 = tpu.memref_slice %arg7[%dma_wait3A_1028, %dma_wait3A_1029] : memref<2048x8xf32, #tpu.memory_space<vmem>> -> memref<128x8xf32, #tpu.memory_space<vmem>>
      %dma_wait3A_1031 = arith.constant 1664 : i32
      %dma_wait3A_1032 = tpu.memref_slice %arg6[%dma_wait3A_1031] : memref<2048xi32, #tpu.memory_space<vmem>> -> memref<128xi32, #tpu.memory_space<vmem>>
      %dma_wait3A_1033 = arith.constant 0 : i32
      %dma_wait3A_1034 = arith.constant 0 : i32
      %dma_wait3A_1035 = tpu.memref_slice %arg2[%dma_wait3A_1033, %dma_wait3A_1034] : memref<50000x8xf32, #tpu.memory_space<hbm>> -> memref<50000x8xf32, #tpu.memory_space<hbm>>
      tpu.wait_indirect_dma semaphore(%arg8 : memref<!tpu.dma_semaphore, #tpu.memory_space<semaphore_mem>>) src(%dma_wait3A_1035 : memref<50000x8xf32, #tpu.memory_space<hbm>>) dst(%dma_wait3A_1030 : memref<128x8xf32, #tpu.memory_space<vmem>>)
      %dma_wait3A_1036 = arith.constant 1792 : i32
      %dma_wait3A_1037 = arith.constant 0 : i32
      %dma_wait3A_1038 = tpu.memref_slice %arg7[%dma_wait3A_1036, %dma_wait3A_1037] : memref<2048x8xf32, #tpu.memory_space<vmem>> -> memref<128x8xf32, #tpu.memory_space<vmem>>
      %dma_wait3A_1039 = arith.constant 1792 : i32
      %dma_wait3A_1040 = tpu.memref_slice %arg6[%dma_wait3A_1039] : memref<2048xi32, #tpu.memory_space<vmem>> -> memref<128xi32, #tpu.memory_space<vmem>>
      %dma_wait3A_1041 = arith.constant 0 : i32
      %dma_wait3A_1042 = arith.constant 0 : i32
      %dma_wait3A_1043 = tpu.memref_slice %arg2[%dma_wait3A_1041, %dma_wait3A_1042] : memref<50000x8xf32, #tpu.memory_space<hbm>> -> memref<50000x8xf32, #tpu.memory_space<hbm>>
      tpu.wait_indirect_dma semaphore(%arg8 : memref<!tpu.dma_semaphore, #tpu.memory_space<semaphore_mem>>) src(%dma_wait3A_1043 : memref<50000x8xf32, #tpu.memory_space<hbm>>) dst(%dma_wait3A_1038 : memref<128x8xf32, #tpu.memory_space<vmem>>)
      %dma_wait3A_1044 = arith.constant 1920 : i32
      %dma_wait3A_1045 = arith.constant 0 : i32
      %dma_wait3A_1046 = tpu.memref_slice %arg7[%dma_wait3A_1044, %dma_wait3A_1045] : memref<2048x8xf32, #tpu.memory_space<vmem>> -> memref<128x8xf32, #tpu.memory_space<vmem>>
      %dma_wait3A_1047 = arith.constant 1920 : i32
      %dma_wait3A_1048 = tpu.memref_slice %arg6[%dma_wait3A_1047] : memref<2048xi32, #tpu.memory_space<vmem>> -> memref<128xi32, #tpu.memory_space<vmem>>
      %dma_wait3A_1049 = arith.constant 0 : i32
      %dma_wait3A_1050 = arith.constant 0 : i32
      %dma_wait3A_1051 = tpu.memref_slice %arg2[%dma_wait3A_1049, %dma_wait3A_1050] : memref<50000x8xf32, #tpu.memory_space<hbm>> -> memref<50000x8xf32, #tpu.memory_space<hbm>>
      tpu.wait_indirect_dma semaphore(%arg8 : memref<!tpu.dma_semaphore, #tpu.memory_space<semaphore_mem>>) src(%dma_wait3A_1051 : memref<50000x8xf32, #tpu.memory_space<hbm>>) dst(%dma_wait3A_1046 : memref<128x8xf32, #tpu.memory_space<vmem>>)
      "tpu.region"() ({
        %run_scoped3A = tpu.sem_alloc : memref<!tpu.dma_semaphore, #tpu.memory_space<semaphore_mem>>
        %dma_start3A_1052 = arith.constant 0 : i32
        %dma_start3A_1053 = tpu.memref_slice %arg5[%add3A_793, %dma_start3A_1052] : memref<800000x8xf32, #tpu.memory_space<hbm>> -> memref<2048x8xf32, #tpu.memory_space<hbm>>
        %dma_start3A_1054 = arith.constant 0 : i32
        %dma_start3A_1055 = tpu.memref_slice %arg5[%add3A_793, %dma_start3A_1054] : memref<800000x8xf32, #tpu.memory_space<hbm>> -> memref<2048x8xf32, #tpu.memory_space<hbm>>
        tpu.enqueue_dma source(%arg7 : memref<2048x8xf32, #tpu.memory_space<vmem>>) target(%dma_start3A_1055 : memref<2048x8xf32, #tpu.memory_space<hbm>>) target_semaphore(%run_scoped3A : memref<!tpu.dma_semaphore, #tpu.memory_space<semaphore_mem>>)
        %dma_wait3A_1056 = arith.constant 0 : i32
        %dma_wait3A_1057 = tpu.memref_slice %arg5[%add3A_793, %dma_wait3A_1056] : memref<800000x8xf32, #tpu.memory_space<hbm>> -> memref<2048x8xf32, #tpu.memory_space<hbm>>
        %dma_wait3A_1058 = arith.constant 0 : i32
        %dma_wait3A_1059 = tpu.memref_slice %arg5[%add3A_793, %dma_wait3A_1058] : memref<800000x8xf32, #tpu.memory_space<hbm>> -> memref<2048x8xf32, #tpu.memory_space<hbm>>
        tpu.wait_dma2 semaphore(%run_scoped3A : memref<!tpu.dma_semaphore, #tpu.memory_space<semaphore_mem>>) src(%arg7 : memref<2048x8xf32, #tpu.memory_space<vmem>>) dst(%dma_wait3A_1059 : memref<2048x8xf32, #tpu.memory_space<hbm>>)
        tpu.yield
      }) : () -> ()
    }
    %scan3A_7 = arith.constant 12 : i32
    %add3A_8 = arith.constant 25000 : i32
    %add3A_9 = arith.addi %mul3A_2, %add3A_8 : i32
    %sub3A = arith.constant 2048 : i32
    %sub3A_10 = arith.subi %add3A_9, %sub3A : i32
    %add3A_11 = arith.constant 0 : i32
    %add3A_12 = arith.addi %add3A_11, %sub3A_10 : i32
    "tpu.region"() ({
      %run_scoped3A = tpu.sem_alloc : memref<!tpu.dma_semaphore, #tpu.memory_space<semaphore_mem>>
      %dma_start3A_529 = tpu.memref_slice %arg3[%add3A_12] : memref<1600000xi32, #tpu.memory_space<hbm>> -> memref<2048xi32, #tpu.memory_space<hbm>>
      %dma_start3A_530 = tpu.memref_slice %arg3[%add3A_12] : memref<1600000xi32, #tpu.memory_space<hbm>> -> memref<2048xi32, #tpu.memory_space<hbm>>
      tpu.enqueue_dma source(%dma_start3A_530 : memref<2048xi32, #tpu.memory_space<hbm>>) target(%arg6 : memref<2048xi32, #tpu.memory_space<vmem>>) target_semaphore(%run_scoped3A : memref<!tpu.dma_semaphore, #tpu.memory_space<semaphore_mem>>)
      %dma_wait3A_531 = tpu.memref_slice %arg3[%add3A_12] : memref<1600000xi32, #tpu.memory_space<hbm>> -> memref<2048xi32, #tpu.memory_space<hbm>>
      %dma_wait3A_532 = tpu.memref_slice %arg3[%add3A_12] : memref<1600000xi32, #tpu.memory_space<hbm>> -> memref<2048xi32, #tpu.memory_space<hbm>>
      tpu.wait_dma2 semaphore(%run_scoped3A : memref<!tpu.dma_semaphore, #tpu.memory_space<semaphore_mem>>) src(%dma_wait3A_532 : memref<2048xi32, #tpu.memory_space<hbm>>) dst(%arg6 : memref<2048xi32, #tpu.memory_space<vmem>>)
      tpu.yield
    }) : () -> ()
    %dma_start3A = arith.constant 0 : i32
    %dma_start3A_13 = arith.constant 0 : i32
    %dma_start3A_14 = tpu.memref_slice %arg7[%dma_start3A, %dma_start3A_13] : memref<2048x8xf32, #tpu.memory_space<vmem>> -> memref<128x8xf32, #tpu.memory_space<vmem>>
    %dma_start3A_15 = arith.constant 0 : i32
    %dma_start3A_16 = tpu.memref_slice %arg6[%dma_start3A_15] : memref<2048xi32, #tpu.memory_space<vmem>> -> memref<128xi32, #tpu.memory_space<vmem>>
    %dma_start3A_17 = arith.constant 0 : i32
    %dma_start3A_18 = arith.constant 0 : i32
    %dma_start3A_19 = tpu.memref_slice %arg2[%dma_start3A_17, %dma_start3A_18] : memref<50000x8xf32, #tpu.memory_space<hbm>> -> memref<50000x8xf32, #tpu.memory_space<hbm>>
    tpu.enqueue_indirect_dma source(%dma_start3A_19 : memref<50000x8xf32, #tpu.memory_space<hbm>>) target(%dma_start3A_14 : memref<128x8xf32, #tpu.memory_space<vmem>>) offsets(%dma_start3A_16 : memref<128xi32, #tpu.memory_space<vmem>>) semaphore(%arg8 : memref<!tpu.dma_semaphore, #tpu.memory_space<semaphore_mem>>)
    %dma_start3A_20 = arith.constant 128 : i32
    %dma_start3A_21 = arith.constant 0 : i32
    %dma_start3A_22 = tpu.memref_slice %arg7[%dma_start3A_20, %dma_start3A_21] : memref<2048x8xf32, #tpu.memory_space<vmem>> -> memref<128x8xf32, #tpu.memory_space<vmem>>
    %dma_start3A_23 = arith.constant 128 : i32
    %dma_start3A_24 = tpu.memref_slice %arg6[%dma_start3A_23] : memref<2048xi32, #tpu.memory_space<vmem>> -> memref<128xi32, #tpu.memory_space<vmem>>
    %dma_start3A_25 = arith.constant 0 : i32
    %dma_start3A_26 = arith.constant 0 : i32
    %dma_start3A_27 = tpu.memref_slice %arg2[%dma_start3A_25, %dma_start3A_26] : memref<50000x8xf32, #tpu.memory_space<hbm>> -> memref<50000x8xf32, #tpu.memory_space<hbm>>
    tpu.enqueue_indirect_dma source(%dma_start3A_27 : memref<50000x8xf32, #tpu.memory_space<hbm>>) target(%dma_start3A_22 : memref<128x8xf32, #tpu.memory_space<vmem>>) offsets(%dma_start3A_24 : memref<128xi32, #tpu.memory_space<vmem>>) semaphore(%arg8 : memref<!tpu.dma_semaphore, #tpu.memory_space<semaphore_mem>>)
    %dma_start3A_28 = arith.constant 256 : i32
    %dma_start3A_29 = arith.constant 0 : i32
    %dma_start3A_30 = tpu.memref_slice %arg7[%dma_start3A_28, %dma_start3A_29] : memref<2048x8xf32, #tpu.memory_space<vmem>> -> memref<128x8xf32, #tpu.memory_space<vmem>>
    %dma_start3A_31 = arith.constant 256 : i32
    %dma_start3A_32 = tpu.memref_slice %arg6[%dma_start3A_31] : memref<2048xi32, #tpu.memory_space<vmem>> -> memref<128xi32, #tpu.memory_space<vmem>>
    %dma_start3A_33 = arith.constant 0 : i32
    %dma_start3A_34 = arith.constant 0 : i32
    %dma_start3A_35 = tpu.memref_slice %arg2[%dma_start3A_33, %dma_start3A_34] : memref<50000x8xf32, #tpu.memory_space<hbm>> -> memref<50000x8xf32, #tpu.memory_space<hbm>>
    tpu.enqueue_indirect_dma source(%dma_start3A_35 : memref<50000x8xf32, #tpu.memory_space<hbm>>) target(%dma_start3A_30 : memref<128x8xf32, #tpu.memory_space<vmem>>) offsets(%dma_start3A_32 : memref<128xi32, #tpu.memory_space<vmem>>) semaphore(%arg8 : memref<!tpu.dma_semaphore, #tpu.memory_space<semaphore_mem>>)
    %dma_start3A_36 = arith.constant 384 : i32
    %dma_start3A_37 = arith.constant 0 : i32
    %dma_start3A_38 = tpu.memref_slice %arg7[%dma_start3A_36, %dma_start3A_37] : memref<2048x8xf32, #tpu.memory_space<vmem>> -> memref<128x8xf32, #tpu.memory_space<vmem>>
    %dma_start3A_39 = arith.constant 384 : i32
    %dma_start3A_40 = tpu.memref_slice %arg6[%dma_start3A_39] : memref<2048xi32, #tpu.memory_space<vmem>> -> memref<128xi32, #tpu.memory_space<vmem>>
    %dma_start3A_41 = arith.constant 0 : i32
    %dma_start3A_42 = arith.constant 0 : i32
    %dma_start3A_43 = tpu.memref_slice %arg2[%dma_start3A_41, %dma_start3A_42] : memref<50000x8xf32, #tpu.memory_space<hbm>> -> memref<50000x8xf32, #tpu.memory_space<hbm>>
    tpu.enqueue_indirect_dma source(%dma_start3A_43 : memref<50000x8xf32, #tpu.memory_space<hbm>>) target(%dma_start3A_38 : memref<128x8xf32, #tpu.memory_space<vmem>>) offsets(%dma_start3A_40 : memref<128xi32, #tpu.memory_space<vmem>>) semaphore(%arg8 : memref<!tpu.dma_semaphore, #tpu.memory_space<semaphore_mem>>)
    %dma_start3A_44 = arith.constant 512 : i32
    %dma_start3A_45 = arith.constant 0 : i32
    %dma_start3A_46 = tpu.memref_slice %arg7[%dma_start3A_44, %dma_start3A_45] : memref<2048x8xf32, #tpu.memory_space<vmem>> -> memref<128x8xf32, #tpu.memory_space<vmem>>
    %dma_start3A_47 = arith.constant 512 : i32
    %dma_start3A_48 = tpu.memref_slice %arg6[%dma_start3A_47] : memref<2048xi32, #tpu.memory_space<vmem>> -> memref<128xi32, #tpu.memory_space<vmem>>
    %dma_start3A_49 = arith.constant 0 : i32
    %dma_start3A_50 = arith.constant 0 : i32
    %dma_start3A_51 = tpu.memref_slice %arg2[%dma_start3A_49, %dma_start3A_50] : memref<50000x8xf32, #tpu.memory_space<hbm>> -> memref<50000x8xf32, #tpu.memory_space<hbm>>
    tpu.enqueue_indirect_dma source(%dma_start3A_51 : memref<50000x8xf32, #tpu.memory_space<hbm>>) target(%dma_start3A_46 : memref<128x8xf32, #tpu.memory_space<vmem>>) offsets(%dma_start3A_48 : memref<128xi32, #tpu.memory_space<vmem>>) semaphore(%arg8 : memref<!tpu.dma_semaphore, #tpu.memory_space<semaphore_mem>>)
    %dma_start3A_52 = arith.constant 640 : i32
    %dma_start3A_53 = arith.constant 0 : i32
    %dma_start3A_54 = tpu.memref_slice %arg7[%dma_start3A_52, %dma_start3A_53] : memref<2048x8xf32, #tpu.memory_space<vmem>> -> memref<128x8xf32, #tpu.memory_space<vmem>>
    %dma_start3A_55 = arith.constant 640 : i32
    %dma_start3A_56 = tpu.memref_slice %arg6[%dma_start3A_55] : memref<2048xi32, #tpu.memory_space<vmem>> -> memref<128xi32, #tpu.memory_space<vmem>>
    %dma_start3A_57 = arith.constant 0 : i32
    %dma_start3A_58 = arith.constant 0 : i32
    %dma_start3A_59 = tpu.memref_slice %arg2[%dma_start3A_57, %dma_start3A_58] : memref<50000x8xf32, #tpu.memory_space<hbm>> -> memref<50000x8xf32, #tpu.memory_space<hbm>>
    tpu.enqueue_indirect_dma source(%dma_start3A_59 : memref<50000x8xf32, #tpu.memory_space<hbm>>) target(%dma_start3A_54 : memref<128x8xf32, #tpu.memory_space<vmem>>) offsets(%dma_start3A_56 : memref<128xi32, #tpu.memory_space<vmem>>) semaphore(%arg8 : memref<!tpu.dma_semaphore, #tpu.memory_space<semaphore_mem>>)
    %dma_start3A_60 = arith.constant 768 : i32
    %dma_start3A_61 = arith.constant 0 : i32
    %dma_start3A_62 = tpu.memref_slice %arg7[%dma_start3A_60, %dma_start3A_61] : memref<2048x8xf32, #tpu.memory_space<vmem>> -> memref<128x8xf32, #tpu.memory_space<vmem>>
    %dma_start3A_63 = arith.constant 768 : i32
    %dma_start3A_64 = tpu.memref_slice %arg6[%dma_start3A_63] : memref<2048xi32, #tpu.memory_space<vmem>> -> memref<128xi32, #tpu.memory_space<vmem>>
    %dma_start3A_65 = arith.constant 0 : i32
    %dma_start3A_66 = arith.constant 0 : i32
    %dma_start3A_67 = tpu.memref_slice %arg2[%dma_start3A_65, %dma_start3A_66] : memref<50000x8xf32, #tpu.memory_space<hbm>> -> memref<50000x8xf32, #tpu.memory_space<hbm>>
    tpu.enqueue_indirect_dma source(%dma_start3A_67 : memref<50000x8xf32, #tpu.memory_space<hbm>>) target(%dma_start3A_62 : memref<128x8xf32, #tpu.memory_space<vmem>>) offsets(%dma_start3A_64 : memref<128xi32, #tpu.memory_space<vmem>>) semaphore(%arg8 : memref<!tpu.dma_semaphore, #tpu.memory_space<semaphore_mem>>)
    %dma_start3A_68 = arith.constant 896 : i32
    %dma_start3A_69 = arith.constant 0 : i32
    %dma_start3A_70 = tpu.memref_slice %arg7[%dma_start3A_68, %dma_start3A_69] : memref<2048x8xf32, #tpu.memory_space<vmem>> -> memref<128x8xf32, #tpu.memory_space<vmem>>
    %dma_start3A_71 = arith.constant 896 : i32
    %dma_start3A_72 = tpu.memref_slice %arg6[%dma_start3A_71] : memref<2048xi32, #tpu.memory_space<vmem>> -> memref<128xi32, #tpu.memory_space<vmem>>
    %dma_start3A_73 = arith.constant 0 : i32
    %dma_start3A_74 = arith.constant 0 : i32
    %dma_start3A_75 = tpu.memref_slice %arg2[%dma_start3A_73, %dma_start3A_74] : memref<50000x8xf32, #tpu.memory_space<hbm>> -> memref<50000x8xf32, #tpu.memory_space<hbm>>
    tpu.enqueue_indirect_dma source(%dma_start3A_75 : memref<50000x8xf32, #tpu.memory_space<hbm>>) target(%dma_start3A_70 : memref<128x8xf32, #tpu.memory_space<vmem>>) offsets(%dma_start3A_72 : memref<128xi32, #tpu.memory_space<vmem>>) semaphore(%arg8 : memref<!tpu.dma_semaphore, #tpu.memory_space<semaphore_mem>>)
    %dma_start3A_76 = arith.constant 1024 : i32
    %dma_start3A_77 = arith.constant 0 : i32
    %dma_start3A_78 = tpu.memref_slice %arg7[%dma_start3A_76, %dma_start3A_77] : memref<2048x8xf32, #tpu.memory_space<vmem>> -> memref<128x8xf32, #tpu.memory_space<vmem>>
    %dma_start3A_79 = arith.constant 1024 : i32
    %dma_start3A_80 = tpu.memref_slice %arg6[%dma_start3A_79] : memref<2048xi32, #tpu.memory_space<vmem>> -> memref<128xi32, #tpu.memory_space<vmem>>
    %dma_start3A_81 = arith.constant 0 : i32
    %dma_start3A_82 = arith.constant 0 : i32
    %dma_start3A_83 = tpu.memref_slice %arg2[%dma_start3A_81, %dma_start3A_82] : memref<50000x8xf32, #tpu.memory_space<hbm>> -> memref<50000x8xf32, #tpu.memory_space<hbm>>
    tpu.enqueue_indirect_dma source(%dma_start3A_83 : memref<50000x8xf32, #tpu.memory_space<hbm>>) target(%dma_start3A_78 : memref<128x8xf32, #tpu.memory_space<vmem>>) offsets(%dma_start3A_80 : memref<128xi32, #tpu.memory_space<vmem>>) semaphore(%arg8 : memref<!tpu.dma_semaphore, #tpu.memory_space<semaphore_mem>>)
    %dma_start3A_84 = arith.constant 1152 : i32
    %dma_start3A_85 = arith.constant 0 : i32
    %dma_start3A_86 = tpu.memref_slice %arg7[%dma_start3A_84, %dma_start3A_85] : memref<2048x8xf32, #tpu.memory_space<vmem>> -> memref<128x8xf32, #tpu.memory_space<vmem>>
    %dma_start3A_87 = arith.constant 1152 : i32
    %dma_start3A_88 = tpu.memref_slice %arg6[%dma_start3A_87] : memref<2048xi32, #tpu.memory_space<vmem>> -> memref<128xi32, #tpu.memory_space<vmem>>
    %dma_start3A_89 = arith.constant 0 : i32
    %dma_start3A_90 = arith.constant 0 : i32
    %dma_start3A_91 = tpu.memref_slice %arg2[%dma_start3A_89, %dma_start3A_90] : memref<50000x8xf32, #tpu.memory_space<hbm>> -> memref<50000x8xf32, #tpu.memory_space<hbm>>
    tpu.enqueue_indirect_dma source(%dma_start3A_91 : memref<50000x8xf32, #tpu.memory_space<hbm>>) target(%dma_start3A_86 : memref<128x8xf32, #tpu.memory_space<vmem>>) offsets(%dma_start3A_88 : memref<128xi32, #tpu.memory_space<vmem>>) semaphore(%arg8 : memref<!tpu.dma_semaphore, #tpu.memory_space<semaphore_mem>>)
    %dma_start3A_92 = arith.constant 1280 : i32
    %dma_start3A_93 = arith.constant 0 : i32
    %dma_start3A_94 = tpu.memref_slice %arg7[%dma_start3A_92, %dma_start3A_93] : memref<2048x8xf32, #tpu.memory_space<vmem>> -> memref<128x8xf32, #tpu.memory_space<vmem>>
    %dma_start3A_95 = arith.constant 1280 : i32
    %dma_start3A_96 = tpu.memref_slice %arg6[%dma_start3A_95] : memref<2048xi32, #tpu.memory_space<vmem>> -> memref<128xi32, #tpu.memory_space<vmem>>
    %dma_start3A_97 = arith.constant 0 : i32
    %dma_start3A_98 = arith.constant 0 : i32
    %dma_start3A_99 = tpu.memref_slice %arg2[%dma_start3A_97, %dma_start3A_98] : memref<50000x8xf32, #tpu.memory_space<hbm>> -> memref<50000x8xf32, #tpu.memory_space<hbm>>
    tpu.enqueue_indirect_dma source(%dma_start3A_99 : memref<50000x8xf32, #tpu.memory_space<hbm>>) target(%dma_start3A_94 : memref<128x8xf32, #tpu.memory_space<vmem>>) offsets(%dma_start3A_96 : memref<128xi32, #tpu.memory_space<vmem>>) semaphore(%arg8 : memref<!tpu.dma_semaphore, #tpu.memory_space<semaphore_mem>>)
    %dma_start3A_100 = arith.constant 1408 : i32
    %dma_start3A_101 = arith.constant 0 : i32
    %dma_start3A_102 = tpu.memref_slice %arg7[%dma_start3A_100, %dma_start3A_101] : memref<2048x8xf32, #tpu.memory_space<vmem>> -> memref<128x8xf32, #tpu.memory_space<vmem>>
    %dma_start3A_103 = arith.constant 1408 : i32
    %dma_start3A_104 = tpu.memref_slice %arg6[%dma_start3A_103] : memref<2048xi32, #tpu.memory_space<vmem>> -> memref<128xi32, #tpu.memory_space<vmem>>
    %dma_start3A_105 = arith.constant 0 : i32
    %dma_start3A_106 = arith.constant 0 : i32
    %dma_start3A_107 = tpu.memref_slice %arg2[%dma_start3A_105, %dma_start3A_106] : memref<50000x8xf32, #tpu.memory_space<hbm>> -> memref<50000x8xf32, #tpu.memory_space<hbm>>
    tpu.enqueue_indirect_dma source(%dma_start3A_107 : memref<50000x8xf32, #tpu.memory_space<hbm>>) target(%dma_start3A_102 : memref<128x8xf32, #tpu.memory_space<vmem>>) offsets(%dma_start3A_104 : memref<128xi32, #tpu.memory_space<vmem>>) semaphore(%arg8 : memref<!tpu.dma_semaphore, #tpu.memory_space<semaphore_mem>>)
    %dma_start3A_108 = arith.constant 1536 : i32
    %dma_start3A_109 = arith.constant 0 : i32
    %dma_start3A_110 = tpu.memref_slice %arg7[%dma_start3A_108, %dma_start3A_109] : memref<2048x8xf32, #tpu.memory_space<vmem>> -> memref<128x8xf32, #tpu.memory_space<vmem>>
    %dma_start3A_111 = arith.constant 1536 : i32
    %dma_start3A_112 = tpu.memref_slice %arg6[%dma_start3A_111] : memref<2048xi32, #tpu.memory_space<vmem>> -> memref<128xi32, #tpu.memory_space<vmem>>
    %dma_start3A_113 = arith.constant 0 : i32
    %dma_start3A_114 = arith.constant 0 : i32
    %dma_start3A_115 = tpu.memref_slice %arg2[%dma_start3A_113, %dma_start3A_114] : memref<50000x8xf32, #tpu.memory_space<hbm>> -> memref<50000x8xf32, #tpu.memory_space<hbm>>
    tpu.enqueue_indirect_dma source(%dma_start3A_115 : memref<50000x8xf32, #tpu.memory_space<hbm>>) target(%dma_start3A_110 : memref<128x8xf32, #tpu.memory_space<vmem>>) offsets(%dma_start3A_112 : memref<128xi32, #tpu.memory_space<vmem>>) semaphore(%arg8 : memref<!tpu.dma_semaphore, #tpu.memory_space<semaphore_mem>>)
    %dma_start3A_116 = arith.constant 1664 : i32
    %dma_start3A_117 = arith.constant 0 : i32
    %dma_start3A_118 = tpu.memref_slice %arg7[%dma_start3A_116, %dma_start3A_117] : memref<2048x8xf32, #tpu.memory_space<vmem>> -> memref<128x8xf32, #tpu.memory_space<vmem>>
    %dma_start3A_119 = arith.constant 1664 : i32
    %dma_start3A_120 = tpu.memref_slice %arg6[%dma_start3A_119] : memref<2048xi32, #tpu.memory_space<vmem>> -> memref<128xi32, #tpu.memory_space<vmem>>
    %dma_start3A_121 = arith.constant 0 : i32
    %dma_start3A_122 = arith.constant 0 : i32
    %dma_start3A_123 = tpu.memref_slice %arg2[%dma_start3A_121, %dma_start3A_122] : memref<50000x8xf32, #tpu.memory_space<hbm>> -> memref<50000x8xf32, #tpu.memory_space<hbm>>
    tpu.enqueue_indirect_dma source(%dma_start3A_123 : memref<50000x8xf32, #tpu.memory_space<hbm>>) target(%dma_start3A_118 : memref<128x8xf32, #tpu.memory_space<vmem>>) offsets(%dma_start3A_120 : memref<128xi32, #tpu.memory_space<vmem>>) semaphore(%arg8 : memref<!tpu.dma_semaphore, #tpu.memory_space<semaphore_mem>>)
    %dma_start3A_124 = arith.constant 1792 : i32
    %dma_start3A_125 = arith.constant 0 : i32
    %dma_start3A_126 = tpu.memref_slice %arg7[%dma_start3A_124, %dma_start3A_125] : memref<2048x8xf32, #tpu.memory_space<vmem>> -> memref<128x8xf32, #tpu.memory_space<vmem>>
    %dma_start3A_127 = arith.constant 1792 : i32
    %dma_start3A_128 = tpu.memref_slice %arg6[%dma_start3A_127] : memref<2048xi32, #tpu.memory_space<vmem>> -> memref<128xi32, #tpu.memory_space<vmem>>
    %dma_start3A_129 = arith.constant 0 : i32
    %dma_start3A_130 = arith.constant 0 : i32
    %dma_start3A_131 = tpu.memref_slice %arg2[%dma_start3A_129, %dma_start3A_130] : memref<50000x8xf32, #tpu.memory_space<hbm>> -> memref<50000x8xf32, #tpu.memory_space<hbm>>
    tpu.enqueue_indirect_dma source(%dma_start3A_131 : memref<50000x8xf32, #tpu.memory_space<hbm>>) target(%dma_start3A_126 : memref<128x8xf32, #tpu.memory_space<vmem>>) offsets(%dma_start3A_128 : memref<128xi32, #tpu.memory_space<vmem>>) semaphore(%arg8 : memref<!tpu.dma_semaphore, #tpu.memory_space<semaphore_mem>>)
    %dma_start3A_132 = arith.constant 1920 : i32
    %dma_start3A_133 = arith.constant 0 : i32
    %dma_start3A_134 = tpu.memref_slice %arg7[%dma_start3A_132, %dma_start3A_133] : memref<2048x8xf32, #tpu.memory_space<vmem>> -> memref<128x8xf32, #tpu.memory_space<vmem>>
    %dma_start3A_135 = arith.constant 1920 : i32
    %dma_start3A_136 = tpu.memref_slice %arg6[%dma_start3A_135] : memref<2048xi32, #tpu.memory_space<vmem>> -> memref<128xi32, #tpu.memory_space<vmem>>
    %dma_start3A_137 = arith.constant 0 : i32
    %dma_start3A_138 = arith.constant 0 : i32
    %dma_start3A_139 = tpu.memref_slice %arg2[%dma_start3A_137, %dma_start3A_138] : memref<50000x8xf32, #tpu.memory_space<hbm>> -> memref<50000x8xf32, #tpu.memory_space<hbm>>
    tpu.enqueue_indirect_dma source(%dma_start3A_139 : memref<50000x8xf32, #tpu.memory_space<hbm>>) target(%dma_start3A_134 : memref<128x8xf32, #tpu.memory_space<vmem>>) offsets(%dma_start3A_136 : memref<128xi32, #tpu.memory_space<vmem>>) semaphore(%arg8 : memref<!tpu.dma_semaphore, #tpu.memory_space<semaphore_mem>>)
    %dma_wait3A = arith.constant 0 : i32
    %dma_wait3A_140 = arith.constant 0 : i32
    %dma_wait3A_141 = tpu.memref_slice %arg7[%dma_wait3A, %dma_wait3A_140] : memref<2048x8xf32, #tpu.memory_space<vmem>> -> memref<128x8xf32, #tpu.memory_space<vmem>>
    %dma_wait3A_142 = arith.constant 0 : i32
    %dma_wait3A_143 = tpu.memref_slice %arg6[%dma_wait3A_142] : memref<2048xi32, #tpu.memory_space<vmem>> -> memref<128xi32, #tpu.memory_space<vmem>>
    %dma_wait3A_144 = arith.constant 0 : i32
    %dma_wait3A_145 = arith.constant 0 : i32
    %dma_wait3A_146 = tpu.memref_slice %arg2[%dma_wait3A_144, %dma_wait3A_145] : memref<50000x8xf32, #tpu.memory_space<hbm>> -> memref<50000x8xf32, #tpu.memory_space<hbm>>
    tpu.wait_indirect_dma semaphore(%arg8 : memref<!tpu.dma_semaphore, #tpu.memory_space<semaphore_mem>>) src(%dma_wait3A_146 : memref<50000x8xf32, #tpu.memory_space<hbm>>) dst(%dma_wait3A_141 : memref<128x8xf32, #tpu.memory_space<vmem>>)
    %dma_wait3A_147 = arith.constant 128 : i32
    %dma_wait3A_148 = arith.constant 0 : i32
    %dma_wait3A_149 = tpu.memref_slice %arg7[%dma_wait3A_147, %dma_wait3A_148] : memref<2048x8xf32, #tpu.memory_space<vmem>> -> memref<128x8xf32, #tpu.memory_space<vmem>>
    %dma_wait3A_150 = arith.constant 128 : i32
    %dma_wait3A_151 = tpu.memref_slice %arg6[%dma_wait3A_150] : memref<2048xi32, #tpu.memory_space<vmem>> -> memref<128xi32, #tpu.memory_space<vmem>>
    %dma_wait3A_152 = arith.constant 0 : i32
    %dma_wait3A_153 = arith.constant 0 : i32
    %dma_wait3A_154 = tpu.memref_slice %arg2[%dma_wait3A_152, %dma_wait3A_153] : memref<50000x8xf32, #tpu.memory_space<hbm>> -> memref<50000x8xf32, #tpu.memory_space<hbm>>
    tpu.wait_indirect_dma semaphore(%arg8 : memref<!tpu.dma_semaphore, #tpu.memory_space<semaphore_mem>>) src(%dma_wait3A_154 : memref<50000x8xf32, #tpu.memory_space<hbm>>) dst(%dma_wait3A_149 : memref<128x8xf32, #tpu.memory_space<vmem>>)
    %dma_wait3A_155 = arith.constant 256 : i32
    %dma_wait3A_156 = arith.constant 0 : i32
    %dma_wait3A_157 = tpu.memref_slice %arg7[%dma_wait3A_155, %dma_wait3A_156] : memref<2048x8xf32, #tpu.memory_space<vmem>> -> memref<128x8xf32, #tpu.memory_space<vmem>>
    %dma_wait3A_158 = arith.constant 256 : i32
    %dma_wait3A_159 = tpu.memref_slice %arg6[%dma_wait3A_158] : memref<2048xi32, #tpu.memory_space<vmem>> -> memref<128xi32, #tpu.memory_space<vmem>>
    %dma_wait3A_160 = arith.constant 0 : i32
    %dma_wait3A_161 = arith.constant 0 : i32
    %dma_wait3A_162 = tpu.memref_slice %arg2[%dma_wait3A_160, %dma_wait3A_161] : memref<50000x8xf32, #tpu.memory_space<hbm>> -> memref<50000x8xf32, #tpu.memory_space<hbm>>
    tpu.wait_indirect_dma semaphore(%arg8 : memref<!tpu.dma_semaphore, #tpu.memory_space<semaphore_mem>>) src(%dma_wait3A_162 : memref<50000x8xf32, #tpu.memory_space<hbm>>) dst(%dma_wait3A_157 : memref<128x8xf32, #tpu.memory_space<vmem>>)
    %dma_wait3A_163 = arith.constant 384 : i32
    %dma_wait3A_164 = arith.constant 0 : i32
    %dma_wait3A_165 = tpu.memref_slice %arg7[%dma_wait3A_163, %dma_wait3A_164] : memref<2048x8xf32, #tpu.memory_space<vmem>> -> memref<128x8xf32, #tpu.memory_space<vmem>>
    %dma_wait3A_166 = arith.constant 384 : i32
    %dma_wait3A_167 = tpu.memref_slice %arg6[%dma_wait3A_166] : memref<2048xi32, #tpu.memory_space<vmem>> -> memref<128xi32, #tpu.memory_space<vmem>>
    %dma_wait3A_168 = arith.constant 0 : i32
    %dma_wait3A_169 = arith.constant 0 : i32
    %dma_wait3A_170 = tpu.memref_slice %arg2[%dma_wait3A_168, %dma_wait3A_169] : memref<50000x8xf32, #tpu.memory_space<hbm>> -> memref<50000x8xf32, #tpu.memory_space<hbm>>
    tpu.wait_indirect_dma semaphore(%arg8 : memref<!tpu.dma_semaphore, #tpu.memory_space<semaphore_mem>>) src(%dma_wait3A_170 : memref<50000x8xf32, #tpu.memory_space<hbm>>) dst(%dma_wait3A_165 : memref<128x8xf32, #tpu.memory_space<vmem>>)
    %dma_wait3A_171 = arith.constant 512 : i32
    %dma_wait3A_172 = arith.constant 0 : i32
    %dma_wait3A_173 = tpu.memref_slice %arg7[%dma_wait3A_171, %dma_wait3A_172] : memref<2048x8xf32, #tpu.memory_space<vmem>> -> memref<128x8xf32, #tpu.memory_space<vmem>>
    %dma_wait3A_174 = arith.constant 512 : i32
    %dma_wait3A_175 = tpu.memref_slice %arg6[%dma_wait3A_174] : memref<2048xi32, #tpu.memory_space<vmem>> -> memref<128xi32, #tpu.memory_space<vmem>>
    %dma_wait3A_176 = arith.constant 0 : i32
    %dma_wait3A_177 = arith.constant 0 : i32
    %dma_wait3A_178 = tpu.memref_slice %arg2[%dma_wait3A_176, %dma_wait3A_177] : memref<50000x8xf32, #tpu.memory_space<hbm>> -> memref<50000x8xf32, #tpu.memory_space<hbm>>
    tpu.wait_indirect_dma semaphore(%arg8 : memref<!tpu.dma_semaphore, #tpu.memory_space<semaphore_mem>>) src(%dma_wait3A_178 : memref<50000x8xf32, #tpu.memory_space<hbm>>) dst(%dma_wait3A_173 : memref<128x8xf32, #tpu.memory_space<vmem>>)
    %dma_wait3A_179 = arith.constant 640 : i32
    %dma_wait3A_180 = arith.constant 0 : i32
    %dma_wait3A_181 = tpu.memref_slice %arg7[%dma_wait3A_179, %dma_wait3A_180] : memref<2048x8xf32, #tpu.memory_space<vmem>> -> memref<128x8xf32, #tpu.memory_space<vmem>>
    %dma_wait3A_182 = arith.constant 640 : i32
    %dma_wait3A_183 = tpu.memref_slice %arg6[%dma_wait3A_182] : memref<2048xi32, #tpu.memory_space<vmem>> -> memref<128xi32, #tpu.memory_space<vmem>>
    %dma_wait3A_184 = arith.constant 0 : i32
    %dma_wait3A_185 = arith.constant 0 : i32
    %dma_wait3A_186 = tpu.memref_slice %arg2[%dma_wait3A_184, %dma_wait3A_185] : memref<50000x8xf32, #tpu.memory_space<hbm>> -> memref<50000x8xf32, #tpu.memory_space<hbm>>
    tpu.wait_indirect_dma semaphore(%arg8 : memref<!tpu.dma_semaphore, #tpu.memory_space<semaphore_mem>>) src(%dma_wait3A_186 : memref<50000x8xf32, #tpu.memory_space<hbm>>) dst(%dma_wait3A_181 : memref<128x8xf32, #tpu.memory_space<vmem>>)
    %dma_wait3A_187 = arith.constant 768 : i32
    %dma_wait3A_188 = arith.constant 0 : i32
    %dma_wait3A_189 = tpu.memref_slice %arg7[%dma_wait3A_187, %dma_wait3A_188] : memref<2048x8xf32, #tpu.memory_space<vmem>> -> memref<128x8xf32, #tpu.memory_space<vmem>>
    %dma_wait3A_190 = arith.constant 768 : i32
    %dma_wait3A_191 = tpu.memref_slice %arg6[%dma_wait3A_190] : memref<2048xi32, #tpu.memory_space<vmem>> -> memref<128xi32, #tpu.memory_space<vmem>>
    %dma_wait3A_192 = arith.constant 0 : i32
    %dma_wait3A_193 = arith.constant 0 : i32
    %dma_wait3A_194 = tpu.memref_slice %arg2[%dma_wait3A_192, %dma_wait3A_193] : memref<50000x8xf32, #tpu.memory_space<hbm>> -> memref<50000x8xf32, #tpu.memory_space<hbm>>
    tpu.wait_indirect_dma semaphore(%arg8 : memref<!tpu.dma_semaphore, #tpu.memory_space<semaphore_mem>>) src(%dma_wait3A_194 : memref<50000x8xf32, #tpu.memory_space<hbm>>) dst(%dma_wait3A_189 : memref<128x8xf32, #tpu.memory_space<vmem>>)
    %dma_wait3A_195 = arith.constant 896 : i32
    %dma_wait3A_196 = arith.constant 0 : i32
    %dma_wait3A_197 = tpu.memref_slice %arg7[%dma_wait3A_195, %dma_wait3A_196] : memref<2048x8xf32, #tpu.memory_space<vmem>> -> memref<128x8xf32, #tpu.memory_space<vmem>>
    %dma_wait3A_198 = arith.constant 896 : i32
    %dma_wait3A_199 = tpu.memref_slice %arg6[%dma_wait3A_198] : memref<2048xi32, #tpu.memory_space<vmem>> -> memref<128xi32, #tpu.memory_space<vmem>>
    %dma_wait3A_200 = arith.constant 0 : i32
    %dma_wait3A_201 = arith.constant 0 : i32
    %dma_wait3A_202 = tpu.memref_slice %arg2[%dma_wait3A_200, %dma_wait3A_201] : memref<50000x8xf32, #tpu.memory_space<hbm>> -> memref<50000x8xf32, #tpu.memory_space<hbm>>
    tpu.wait_indirect_dma semaphore(%arg8 : memref<!tpu.dma_semaphore, #tpu.memory_space<semaphore_mem>>) src(%dma_wait3A_202 : memref<50000x8xf32, #tpu.memory_space<hbm>>) dst(%dma_wait3A_197 : memref<128x8xf32, #tpu.memory_space<vmem>>)
    %dma_wait3A_203 = arith.constant 1024 : i32
    %dma_wait3A_204 = arith.constant 0 : i32
    %dma_wait3A_205 = tpu.memref_slice %arg7[%dma_wait3A_203, %dma_wait3A_204] : memref<2048x8xf32, #tpu.memory_space<vmem>> -> memref<128x8xf32, #tpu.memory_space<vmem>>
    %dma_wait3A_206 = arith.constant 1024 : i32
    %dma_wait3A_207 = tpu.memref_slice %arg6[%dma_wait3A_206] : memref<2048xi32, #tpu.memory_space<vmem>> -> memref<128xi32, #tpu.memory_space<vmem>>
    %dma_wait3A_208 = arith.constant 0 : i32
    %dma_wait3A_209 = arith.constant 0 : i32
    %dma_wait3A_210 = tpu.memref_slice %arg2[%dma_wait3A_208, %dma_wait3A_209] : memref<50000x8xf32, #tpu.memory_space<hbm>> -> memref<50000x8xf32, #tpu.memory_space<hbm>>
    tpu.wait_indirect_dma semaphore(%arg8 : memref<!tpu.dma_semaphore, #tpu.memory_space<semaphore_mem>>) src(%dma_wait3A_210 : memref<50000x8xf32, #tpu.memory_space<hbm>>) dst(%dma_wait3A_205 : memref<128x8xf32, #tpu.memory_space<vmem>>)
    %dma_wait3A_211 = arith.constant 1152 : i32
    %dma_wait3A_212 = arith.constant 0 : i32
    %dma_wait3A_213 = tpu.memref_slice %arg7[%dma_wait3A_211, %dma_wait3A_212] : memref<2048x8xf32, #tpu.memory_space<vmem>> -> memref<128x8xf32, #tpu.memory_space<vmem>>
    %dma_wait3A_214 = arith.constant 1152 : i32
    %dma_wait3A_215 = tpu.memref_slice %arg6[%dma_wait3A_214] : memref<2048xi32, #tpu.memory_space<vmem>> -> memref<128xi32, #tpu.memory_space<vmem>>
    %dma_wait3A_216 = arith.constant 0 : i32
    %dma_wait3A_217 = arith.constant 0 : i32
    %dma_wait3A_218 = tpu.memref_slice %arg2[%dma_wait3A_216, %dma_wait3A_217] : memref<50000x8xf32, #tpu.memory_space<hbm>> -> memref<50000x8xf32, #tpu.memory_space<hbm>>
    tpu.wait_indirect_dma semaphore(%arg8 : memref<!tpu.dma_semaphore, #tpu.memory_space<semaphore_mem>>) src(%dma_wait3A_218 : memref<50000x8xf32, #tpu.memory_space<hbm>>) dst(%dma_wait3A_213 : memref<128x8xf32, #tpu.memory_space<vmem>>)
    %dma_wait3A_219 = arith.constant 1280 : i32
    %dma_wait3A_220 = arith.constant 0 : i32
    %dma_wait3A_221 = tpu.memref_slice %arg7[%dma_wait3A_219, %dma_wait3A_220] : memref<2048x8xf32, #tpu.memory_space<vmem>> -> memref<128x8xf32, #tpu.memory_space<vmem>>
    %dma_wait3A_222 = arith.constant 1280 : i32
    %dma_wait3A_223 = tpu.memref_slice %arg6[%dma_wait3A_222] : memref<2048xi32, #tpu.memory_space<vmem>> -> memref<128xi32, #tpu.memory_space<vmem>>
    %dma_wait3A_224 = arith.constant 0 : i32
    %dma_wait3A_225 = arith.constant 0 : i32
    %dma_wait3A_226 = tpu.memref_slice %arg2[%dma_wait3A_224, %dma_wait3A_225] : memref<50000x8xf32, #tpu.memory_space<hbm>> -> memref<50000x8xf32, #tpu.memory_space<hbm>>
    tpu.wait_indirect_dma semaphore(%arg8 : memref<!tpu.dma_semaphore, #tpu.memory_space<semaphore_mem>>) src(%dma_wait3A_226 : memref<50000x8xf32, #tpu.memory_space<hbm>>) dst(%dma_wait3A_221 : memref<128x8xf32, #tpu.memory_space<vmem>>)
    %dma_wait3A_227 = arith.constant 1408 : i32
    %dma_wait3A_228 = arith.constant 0 : i32
    %dma_wait3A_229 = tpu.memref_slice %arg7[%dma_wait3A_227, %dma_wait3A_228] : memref<2048x8xf32, #tpu.memory_space<vmem>> -> memref<128x8xf32, #tpu.memory_space<vmem>>
    %dma_wait3A_230 = arith.constant 1408 : i32
    %dma_wait3A_231 = tpu.memref_slice %arg6[%dma_wait3A_230] : memref<2048xi32, #tpu.memory_space<vmem>> -> memref<128xi32, #tpu.memory_space<vmem>>
    %dma_wait3A_232 = arith.constant 0 : i32
    %dma_wait3A_233 = arith.constant 0 : i32
    %dma_wait3A_234 = tpu.memref_slice %arg2[%dma_wait3A_232, %dma_wait3A_233] : memref<50000x8xf32, #tpu.memory_space<hbm>> -> memref<50000x8xf32, #tpu.memory_space<hbm>>
    tpu.wait_indirect_dma semaphore(%arg8 : memref<!tpu.dma_semaphore, #tpu.memory_space<semaphore_mem>>) src(%dma_wait3A_234 : memref<50000x8xf32, #tpu.memory_space<hbm>>) dst(%dma_wait3A_229 : memref<128x8xf32, #tpu.memory_space<vmem>>)
    %dma_wait3A_235 = arith.constant 1536 : i32
    %dma_wait3A_236 = arith.constant 0 : i32
    %dma_wait3A_237 = tpu.memref_slice %arg7[%dma_wait3A_235, %dma_wait3A_236] : memref<2048x8xf32, #tpu.memory_space<vmem>> -> memref<128x8xf32, #tpu.memory_space<vmem>>
    %dma_wait3A_238 = arith.constant 1536 : i32
    %dma_wait3A_239 = tpu.memref_slice %arg6[%dma_wait3A_238] : memref<2048xi32, #tpu.memory_space<vmem>> -> memref<128xi32, #tpu.memory_space<vmem>>
    %dma_wait3A_240 = arith.constant 0 : i32
    %dma_wait3A_241 = arith.constant 0 : i32
    %dma_wait3A_242 = tpu.memref_slice %arg2[%dma_wait3A_240, %dma_wait3A_241] : memref<50000x8xf32, #tpu.memory_space<hbm>> -> memref<50000x8xf32, #tpu.memory_space<hbm>>
    tpu.wait_indirect_dma semaphore(%arg8 : memref<!tpu.dma_semaphore, #tpu.memory_space<semaphore_mem>>) src(%dma_wait3A_242 : memref<50000x8xf32, #tpu.memory_space<hbm>>) dst(%dma_wait3A_237 : memref<128x8xf32, #tpu.memory_space<vmem>>)
    %dma_wait3A_243 = arith.constant 1664 : i32
    %dma_wait3A_244 = arith.constant 0 : i32
    %dma_wait3A_245 = tpu.memref_slice %arg7[%dma_wait3A_243, %dma_wait3A_244] : memref<2048x8xf32, #tpu.memory_space<vmem>> -> memref<128x8xf32, #tpu.memory_space<vmem>>
    %dma_wait3A_246 = arith.constant 1664 : i32
    %dma_wait3A_247 = tpu.memref_slice %arg6[%dma_wait3A_246] : memref<2048xi32, #tpu.memory_space<vmem>> -> memref<128xi32, #tpu.memory_space<vmem>>
    %dma_wait3A_248 = arith.constant 0 : i32
    %dma_wait3A_249 = arith.constant 0 : i32
    %dma_wait3A_250 = tpu.memref_slice %arg2[%dma_wait3A_248, %dma_wait3A_249] : memref<50000x8xf32, #tpu.memory_space<hbm>> -> memref<50000x8xf32, #tpu.memory_space<hbm>>
    tpu.wait_indirect_dma semaphore(%arg8 : memref<!tpu.dma_semaphore, #tpu.memory_space<semaphore_mem>>) src(%dma_wait3A_250 : memref<50000x8xf32, #tpu.memory_space<hbm>>) dst(%dma_wait3A_245 : memref<128x8xf32, #tpu.memory_space<vmem>>)
    %dma_wait3A_251 = arith.constant 1792 : i32
    %dma_wait3A_252 = arith.constant 0 : i32
    %dma_wait3A_253 = tpu.memref_slice %arg7[%dma_wait3A_251, %dma_wait3A_252] : memref<2048x8xf32, #tpu.memory_space<vmem>> -> memref<128x8xf32, #tpu.memory_space<vmem>>
    %dma_wait3A_254 = arith.constant 1792 : i32
    %dma_wait3A_255 = tpu.memref_slice %arg6[%dma_wait3A_254] : memref<2048xi32, #tpu.memory_space<vmem>> -> memref<128xi32, #tpu.memory_space<vmem>>
    %dma_wait3A_256 = arith.constant 0 : i32
    %dma_wait3A_257 = arith.constant 0 : i32
    %dma_wait3A_258 = tpu.memref_slice %arg2[%dma_wait3A_256, %dma_wait3A_257] : memref<50000x8xf32, #tpu.memory_space<hbm>> -> memref<50000x8xf32, #tpu.memory_space<hbm>>
    tpu.wait_indirect_dma semaphore(%arg8 : memref<!tpu.dma_semaphore, #tpu.memory_space<semaphore_mem>>) src(%dma_wait3A_258 : memref<50000x8xf32, #tpu.memory_space<hbm>>) dst(%dma_wait3A_253 : memref<128x8xf32, #tpu.memory_space<vmem>>)
    %dma_wait3A_259 = arith.constant 1920 : i32
    %dma_wait3A_260 = arith.constant 0 : i32
    %dma_wait3A_261 = tpu.memref_slice %arg7[%dma_wait3A_259, %dma_wait3A_260] : memref<2048x8xf32, #tpu.memory_space<vmem>> -> memref<128x8xf32, #tpu.memory_space<vmem>>
    %dma_wait3A_262 = arith.constant 1920 : i32
    %dma_wait3A_263 = tpu.memref_slice %arg6[%dma_wait3A_262] : memref<2048xi32, #tpu.memory_space<vmem>> -> memref<128xi32, #tpu.memory_space<vmem>>
    %dma_wait3A_264 = arith.constant 0 : i32
    %dma_wait3A_265 = arith.constant 0 : i32
    %dma_wait3A_266 = tpu.memref_slice %arg2[%dma_wait3A_264, %dma_wait3A_265] : memref<50000x8xf32, #tpu.memory_space<hbm>> -> memref<50000x8xf32, #tpu.memory_space<hbm>>
    tpu.wait_indirect_dma semaphore(%arg8 : memref<!tpu.dma_semaphore, #tpu.memory_space<semaphore_mem>>) src(%dma_wait3A_266 : memref<50000x8xf32, #tpu.memory_space<hbm>>) dst(%dma_wait3A_261 : memref<128x8xf32, #tpu.memory_space<vmem>>)
    "tpu.region"() ({
      %run_scoped3A = tpu.sem_alloc : memref<!tpu.dma_semaphore, #tpu.memory_space<semaphore_mem>>
      %dma_start3A_529 = arith.constant 0 : i32
      %dma_start3A_530 = tpu.memref_slice %arg4[%sub3A_10, %dma_start3A_529] : memref<800000x8xf32, #tpu.memory_space<hbm>> -> memref<2048x8xf32, #tpu.memory_space<hbm>>
      %dma_start3A_531 = arith.constant 0 : i32
      %dma_start3A_532 = tpu.memref_slice %arg4[%sub3A_10, %dma_start3A_531] : memref<800000x8xf32, #tpu.memory_space<hbm>> -> memref<2048x8xf32, #tpu.memory_space<hbm>>
      tpu.enqueue_dma source(%arg7 : memref<2048x8xf32, #tpu.memory_space<vmem>>) target(%dma_start3A_532 : memref<2048x8xf32, #tpu.memory_space<hbm>>) target_semaphore(%run_scoped3A : memref<!tpu.dma_semaphore, #tpu.memory_space<semaphore_mem>>)
      %dma_wait3A_533 = arith.constant 0 : i32
      %dma_wait3A_534 = tpu.memref_slice %arg4[%sub3A_10, %dma_wait3A_533] : memref<800000x8xf32, #tpu.memory_space<hbm>> -> memref<2048x8xf32, #tpu.memory_space<hbm>>
      %dma_wait3A_535 = arith.constant 0 : i32
      %dma_wait3A_536 = tpu.memref_slice %arg4[%sub3A_10, %dma_wait3A_535] : memref<800000x8xf32, #tpu.memory_space<hbm>> -> memref<2048x8xf32, #tpu.memory_space<hbm>>
      tpu.wait_dma2 semaphore(%run_scoped3A : memref<!tpu.dma_semaphore, #tpu.memory_space<semaphore_mem>>) src(%arg7 : memref<2048x8xf32, #tpu.memory_space<vmem>>) dst(%dma_wait3A_536 : memref<2048x8xf32, #tpu.memory_space<hbm>>)
      tpu.yield
    }) : () -> ()
    %add3A_267 = arith.constant 25000 : i32
    %add3A_268 = arith.addi %mul3A_2, %add3A_267 : i32
    %sub3A_269 = arith.constant 2048 : i32
    %sub3A_270 = arith.subi %add3A_268, %sub3A_269 : i32
    %add3A_271 = arith.constant 800000 : i32
    %add3A_272 = arith.addi %add3A_271, %sub3A_270 : i32
    "tpu.region"() ({
      %run_scoped3A = tpu.sem_alloc : memref<!tpu.dma_semaphore, #tpu.memory_space<semaphore_mem>>
      %dma_start3A_529 = tpu.memref_slice %arg3[%add3A_272] : memref<1600000xi32, #tpu.memory_space<hbm>> -> memref<2048xi32, #tpu.memory_space<hbm>>
      %dma_start3A_530 = tpu.memref_slice %arg3[%add3A_272] : memref<1600000xi32, #tpu.memory_space<hbm>> -> memref<2048xi32, #tpu.memory_space<hbm>>
      tpu.enqueue_dma source(%dma_start3A_530 : memref<2048xi32, #tpu.memory_space<hbm>>) target(%arg6 : memref<2048xi32, #tpu.memory_space<vmem>>) target_semaphore(%run_scoped3A : memref<!tpu.dma_semaphore, #tpu.memory_space<semaphore_mem>>)
      %dma_wait3A_531 = tpu.memref_slice %arg3[%add3A_272] : memref<1600000xi32, #tpu.memory_space<hbm>> -> memref<2048xi32, #tpu.memory_space<hbm>>
      %dma_wait3A_532 = tpu.memref_slice %arg3[%add3A_272] : memref<1600000xi32, #tpu.memory_space<hbm>> -> memref<2048xi32, #tpu.memory_space<hbm>>
      tpu.wait_dma2 semaphore(%run_scoped3A : memref<!tpu.dma_semaphore, #tpu.memory_space<semaphore_mem>>) src(%dma_wait3A_532 : memref<2048xi32, #tpu.memory_space<hbm>>) dst(%arg6 : memref<2048xi32, #tpu.memory_space<vmem>>)
      tpu.yield
    }) : () -> ()
    %dma_start3A_273 = arith.constant 0 : i32
    %dma_start3A_274 = arith.constant 0 : i32
    %dma_start3A_275 = tpu.memref_slice %arg7[%dma_start3A_273, %dma_start3A_274] : memref<2048x8xf32, #tpu.memory_space<vmem>> -> memref<128x8xf32, #tpu.memory_space<vmem>>
    %dma_start3A_276 = arith.constant 0 : i32
    %dma_start3A_277 = tpu.memref_slice %arg6[%dma_start3A_276] : memref<2048xi32, #tpu.memory_space<vmem>> -> memref<128xi32, #tpu.memory_space<vmem>>
    %dma_start3A_278 = arith.constant 0 : i32
    %dma_start3A_279 = arith.constant 0 : i32
    %dma_start3A_280 = tpu.memref_slice %arg2[%dma_start3A_278, %dma_start3A_279] : memref<50000x8xf32, #tpu.memory_space<hbm>> -> memref<50000x8xf32, #tpu.memory_space<hbm>>
    tpu.enqueue_indirect_dma source(%dma_start3A_280 : memref<50000x8xf32, #tpu.memory_space<hbm>>) target(%dma_start3A_275 : memref<128x8xf32, #tpu.memory_space<vmem>>) offsets(%dma_start3A_277 : memref<128xi32, #tpu.memory_space<vmem>>) semaphore(%arg8 : memref<!tpu.dma_semaphore, #tpu.memory_space<semaphore_mem>>)
    %dma_start3A_281 = arith.constant 128 : i32
    %dma_start3A_282 = arith.constant 0 : i32
    %dma_start3A_283 = tpu.memref_slice %arg7[%dma_start3A_281, %dma_start3A_282] : memref<2048x8xf32, #tpu.memory_space<vmem>> -> memref<128x8xf32, #tpu.memory_space<vmem>>
    %dma_start3A_284 = arith.constant 128 : i32
    %dma_start3A_285 = tpu.memref_slice %arg6[%dma_start3A_284] : memref<2048xi32, #tpu.memory_space<vmem>> -> memref<128xi32, #tpu.memory_space<vmem>>
    %dma_start3A_286 = arith.constant 0 : i32
    %dma_start3A_287 = arith.constant 0 : i32
    %dma_start3A_288 = tpu.memref_slice %arg2[%dma_start3A_286, %dma_start3A_287] : memref<50000x8xf32, #tpu.memory_space<hbm>> -> memref<50000x8xf32, #tpu.memory_space<hbm>>
    tpu.enqueue_indirect_dma source(%dma_start3A_288 : memref<50000x8xf32, #tpu.memory_space<hbm>>) target(%dma_start3A_283 : memref<128x8xf32, #tpu.memory_space<vmem>>) offsets(%dma_start3A_285 : memref<128xi32, #tpu.memory_space<vmem>>) semaphore(%arg8 : memref<!tpu.dma_semaphore, #tpu.memory_space<semaphore_mem>>)
    %dma_start3A_289 = arith.constant 256 : i32
    %dma_start3A_290 = arith.constant 0 : i32
    %dma_start3A_291 = tpu.memref_slice %arg7[%dma_start3A_289, %dma_start3A_290] : memref<2048x8xf32, #tpu.memory_space<vmem>> -> memref<128x8xf32, #tpu.memory_space<vmem>>
    %dma_start3A_292 = arith.constant 256 : i32
    %dma_start3A_293 = tpu.memref_slice %arg6[%dma_start3A_292] : memref<2048xi32, #tpu.memory_space<vmem>> -> memref<128xi32, #tpu.memory_space<vmem>>
    %dma_start3A_294 = arith.constant 0 : i32
    %dma_start3A_295 = arith.constant 0 : i32
    %dma_start3A_296 = tpu.memref_slice %arg2[%dma_start3A_294, %dma_start3A_295] : memref<50000x8xf32, #tpu.memory_space<hbm>> -> memref<50000x8xf32, #tpu.memory_space<hbm>>
    tpu.enqueue_indirect_dma source(%dma_start3A_296 : memref<50000x8xf32, #tpu.memory_space<hbm>>) target(%dma_start3A_291 : memref<128x8xf32, #tpu.memory_space<vmem>>) offsets(%dma_start3A_293 : memref<128xi32, #tpu.memory_space<vmem>>) semaphore(%arg8 : memref<!tpu.dma_semaphore, #tpu.memory_space<semaphore_mem>>)
    %dma_start3A_297 = arith.constant 384 : i32
    %dma_start3A_298 = arith.constant 0 : i32
    %dma_start3A_299 = tpu.memref_slice %arg7[%dma_start3A_297, %dma_start3A_298] : memref<2048x8xf32, #tpu.memory_space<vmem>> -> memref<128x8xf32, #tpu.memory_space<vmem>>
    %dma_start3A_300 = arith.constant 384 : i32
    %dma_start3A_301 = tpu.memref_slice %arg6[%dma_start3A_300] : memref<2048xi32, #tpu.memory_space<vmem>> -> memref<128xi32, #tpu.memory_space<vmem>>
    %dma_start3A_302 = arith.constant 0 : i32
    %dma_start3A_303 = arith.constant 0 : i32
    %dma_start3A_304 = tpu.memref_slice %arg2[%dma_start3A_302, %dma_start3A_303] : memref<50000x8xf32, #tpu.memory_space<hbm>> -> memref<50000x8xf32, #tpu.memory_space<hbm>>
    tpu.enqueue_indirect_dma source(%dma_start3A_304 : memref<50000x8xf32, #tpu.memory_space<hbm>>) target(%dma_start3A_299 : memref<128x8xf32, #tpu.memory_space<vmem>>) offsets(%dma_start3A_301 : memref<128xi32, #tpu.memory_space<vmem>>) semaphore(%arg8 : memref<!tpu.dma_semaphore, #tpu.memory_space<semaphore_mem>>)
    %dma_start3A_305 = arith.constant 512 : i32
    %dma_start3A_306 = arith.constant 0 : i32
    %dma_start3A_307 = tpu.memref_slice %arg7[%dma_start3A_305, %dma_start3A_306] : memref<2048x8xf32, #tpu.memory_space<vmem>> -> memref<128x8xf32, #tpu.memory_space<vmem>>
    %dma_start3A_308 = arith.constant 512 : i32
    %dma_start3A_309 = tpu.memref_slice %arg6[%dma_start3A_308] : memref<2048xi32, #tpu.memory_space<vmem>> -> memref<128xi32, #tpu.memory_space<vmem>>
    %dma_start3A_310 = arith.constant 0 : i32
    %dma_start3A_311 = arith.constant 0 : i32
    %dma_start3A_312 = tpu.memref_slice %arg2[%dma_start3A_310, %dma_start3A_311] : memref<50000x8xf32, #tpu.memory_space<hbm>> -> memref<50000x8xf32, #tpu.memory_space<hbm>>
    tpu.enqueue_indirect_dma source(%dma_start3A_312 : memref<50000x8xf32, #tpu.memory_space<hbm>>) target(%dma_start3A_307 : memref<128x8xf32, #tpu.memory_space<vmem>>) offsets(%dma_start3A_309 : memref<128xi32, #tpu.memory_space<vmem>>) semaphore(%arg8 : memref<!tpu.dma_semaphore, #tpu.memory_space<semaphore_mem>>)
    %dma_start3A_313 = arith.constant 640 : i32
    %dma_start3A_314 = arith.constant 0 : i32
    %dma_start3A_315 = tpu.memref_slice %arg7[%dma_start3A_313, %dma_start3A_314] : memref<2048x8xf32, #tpu.memory_space<vmem>> -> memref<128x8xf32, #tpu.memory_space<vmem>>
    %dma_start3A_316 = arith.constant 640 : i32
    %dma_start3A_317 = tpu.memref_slice %arg6[%dma_start3A_316] : memref<2048xi32, #tpu.memory_space<vmem>> -> memref<128xi32, #tpu.memory_space<vmem>>
    %dma_start3A_318 = arith.constant 0 : i32
    %dma_start3A_319 = arith.constant 0 : i32
    %dma_start3A_320 = tpu.memref_slice %arg2[%dma_start3A_318, %dma_start3A_319] : memref<50000x8xf32, #tpu.memory_space<hbm>> -> memref<50000x8xf32, #tpu.memory_space<hbm>>
    tpu.enqueue_indirect_dma source(%dma_start3A_320 : memref<50000x8xf32, #tpu.memory_space<hbm>>) target(%dma_start3A_315 : memref<128x8xf32, #tpu.memory_space<vmem>>) offsets(%dma_start3A_317 : memref<128xi32, #tpu.memory_space<vmem>>) semaphore(%arg8 : memref<!tpu.dma_semaphore, #tpu.memory_space<semaphore_mem>>)
    %dma_start3A_321 = arith.constant 768 : i32
    %dma_start3A_322 = arith.constant 0 : i32
    %dma_start3A_323 = tpu.memref_slice %arg7[%dma_start3A_321, %dma_start3A_322] : memref<2048x8xf32, #tpu.memory_space<vmem>> -> memref<128x8xf32, #tpu.memory_space<vmem>>
    %dma_start3A_324 = arith.constant 768 : i32
    %dma_start3A_325 = tpu.memref_slice %arg6[%dma_start3A_324] : memref<2048xi32, #tpu.memory_space<vmem>> -> memref<128xi32, #tpu.memory_space<vmem>>
    %dma_start3A_326 = arith.constant 0 : i32
    %dma_start3A_327 = arith.constant 0 : i32
    %dma_start3A_328 = tpu.memref_slice %arg2[%dma_start3A_326, %dma_start3A_327] : memref<50000x8xf32, #tpu.memory_space<hbm>> -> memref<50000x8xf32, #tpu.memory_space<hbm>>
    tpu.enqueue_indirect_dma source(%dma_start3A_328 : memref<50000x8xf32, #tpu.memory_space<hbm>>) target(%dma_start3A_323 : memref<128x8xf32, #tpu.memory_space<vmem>>) offsets(%dma_start3A_325 : memref<128xi32, #tpu.memory_space<vmem>>) semaphore(%arg8 : memref<!tpu.dma_semaphore, #tpu.memory_space<semaphore_mem>>)
    %dma_start3A_329 = arith.constant 896 : i32
    %dma_start3A_330 = arith.constant 0 : i32
    %dma_start3A_331 = tpu.memref_slice %arg7[%dma_start3A_329, %dma_start3A_330] : memref<2048x8xf32, #tpu.memory_space<vmem>> -> memref<128x8xf32, #tpu.memory_space<vmem>>
    %dma_start3A_332 = arith.constant 896 : i32
    %dma_start3A_333 = tpu.memref_slice %arg6[%dma_start3A_332] : memref<2048xi32, #tpu.memory_space<vmem>> -> memref<128xi32, #tpu.memory_space<vmem>>
    %dma_start3A_334 = arith.constant 0 : i32
    %dma_start3A_335 = arith.constant 0 : i32
    %dma_start3A_336 = tpu.memref_slice %arg2[%dma_start3A_334, %dma_start3A_335] : memref<50000x8xf32, #tpu.memory_space<hbm>> -> memref<50000x8xf32, #tpu.memory_space<hbm>>
    tpu.enqueue_indirect_dma source(%dma_start3A_336 : memref<50000x8xf32, #tpu.memory_space<hbm>>) target(%dma_start3A_331 : memref<128x8xf32, #tpu.memory_space<vmem>>) offsets(%dma_start3A_333 : memref<128xi32, #tpu.memory_space<vmem>>) semaphore(%arg8 : memref<!tpu.dma_semaphore, #tpu.memory_space<semaphore_mem>>)
    %dma_start3A_337 = arith.constant 1024 : i32
    %dma_start3A_338 = arith.constant 0 : i32
    %dma_start3A_339 = tpu.memref_slice %arg7[%dma_start3A_337, %dma_start3A_338] : memref<2048x8xf32, #tpu.memory_space<vmem>> -> memref<128x8xf32, #tpu.memory_space<vmem>>
    %dma_start3A_340 = arith.constant 1024 : i32
    %dma_start3A_341 = tpu.memref_slice %arg6[%dma_start3A_340] : memref<2048xi32, #tpu.memory_space<vmem>> -> memref<128xi32, #tpu.memory_space<vmem>>
    %dma_start3A_342 = arith.constant 0 : i32
    %dma_start3A_343 = arith.constant 0 : i32
    %dma_start3A_344 = tpu.memref_slice %arg2[%dma_start3A_342, %dma_start3A_343] : memref<50000x8xf32, #tpu.memory_space<hbm>> -> memref<50000x8xf32, #tpu.memory_space<hbm>>
    tpu.enqueue_indirect_dma source(%dma_start3A_344 : memref<50000x8xf32, #tpu.memory_space<hbm>>) target(%dma_start3A_339 : memref<128x8xf32, #tpu.memory_space<vmem>>) offsets(%dma_start3A_341 : memref<128xi32, #tpu.memory_space<vmem>>) semaphore(%arg8 : memref<!tpu.dma_semaphore, #tpu.memory_space<semaphore_mem>>)
    %dma_start3A_345 = arith.constant 1152 : i32
    %dma_start3A_346 = arith.constant 0 : i32
    %dma_start3A_347 = tpu.memref_slice %arg7[%dma_start3A_345, %dma_start3A_346] : memref<2048x8xf32, #tpu.memory_space<vmem>> -> memref<128x8xf32, #tpu.memory_space<vmem>>
    %dma_start3A_348 = arith.constant 1152 : i32
    %dma_start3A_349 = tpu.memref_slice %arg6[%dma_start3A_348] : memref<2048xi32, #tpu.memory_space<vmem>> -> memref<128xi32, #tpu.memory_space<vmem>>
    %dma_start3A_350 = arith.constant 0 : i32
    %dma_start3A_351 = arith.constant 0 : i32
    %dma_start3A_352 = tpu.memref_slice %arg2[%dma_start3A_350, %dma_start3A_351] : memref<50000x8xf32, #tpu.memory_space<hbm>> -> memref<50000x8xf32, #tpu.memory_space<hbm>>
    tpu.enqueue_indirect_dma source(%dma_start3A_352 : memref<50000x8xf32, #tpu.memory_space<hbm>>) target(%dma_start3A_347 : memref<128x8xf32, #tpu.memory_space<vmem>>) offsets(%dma_start3A_349 : memref<128xi32, #tpu.memory_space<vmem>>) semaphore(%arg8 : memref<!tpu.dma_semaphore, #tpu.memory_space<semaphore_mem>>)
    %dma_start3A_353 = arith.constant 1280 : i32
    %dma_start3A_354 = arith.constant 0 : i32
    %dma_start3A_355 = tpu.memref_slice %arg7[%dma_start3A_353, %dma_start3A_354] : memref<2048x8xf32, #tpu.memory_space<vmem>> -> memref<128x8xf32, #tpu.memory_space<vmem>>
    %dma_start3A_356 = arith.constant 1280 : i32
    %dma_start3A_357 = tpu.memref_slice %arg6[%dma_start3A_356] : memref<2048xi32, #tpu.memory_space<vmem>> -> memref<128xi32, #tpu.memory_space<vmem>>
    %dma_start3A_358 = arith.constant 0 : i32
    %dma_start3A_359 = arith.constant 0 : i32
    %dma_start3A_360 = tpu.memref_slice %arg2[%dma_start3A_358, %dma_start3A_359] : memref<50000x8xf32, #tpu.memory_space<hbm>> -> memref<50000x8xf32, #tpu.memory_space<hbm>>
    tpu.enqueue_indirect_dma source(%dma_start3A_360 : memref<50000x8xf32, #tpu.memory_space<hbm>>) target(%dma_start3A_355 : memref<128x8xf32, #tpu.memory_space<vmem>>) offsets(%dma_start3A_357 : memref<128xi32, #tpu.memory_space<vmem>>) semaphore(%arg8 : memref<!tpu.dma_semaphore, #tpu.memory_space<semaphore_mem>>)
    %dma_start3A_361 = arith.constant 1408 : i32
    %dma_start3A_362 = arith.constant 0 : i32
    %dma_start3A_363 = tpu.memref_slice %arg7[%dma_start3A_361, %dma_start3A_362] : memref<2048x8xf32, #tpu.memory_space<vmem>> -> memref<128x8xf32, #tpu.memory_space<vmem>>
    %dma_start3A_364 = arith.constant 1408 : i32
    %dma_start3A_365 = tpu.memref_slice %arg6[%dma_start3A_364] : memref<2048xi32, #tpu.memory_space<vmem>> -> memref<128xi32, #tpu.memory_space<vmem>>
    %dma_start3A_366 = arith.constant 0 : i32
    %dma_start3A_367 = arith.constant 0 : i32
    %dma_start3A_368 = tpu.memref_slice %arg2[%dma_start3A_366, %dma_start3A_367] : memref<50000x8xf32, #tpu.memory_space<hbm>> -> memref<50000x8xf32, #tpu.memory_space<hbm>>
    tpu.enqueue_indirect_dma source(%dma_start3A_368 : memref<50000x8xf32, #tpu.memory_space<hbm>>) target(%dma_start3A_363 : memref<128x8xf32, #tpu.memory_space<vmem>>) offsets(%dma_start3A_365 : memref<128xi32, #tpu.memory_space<vmem>>) semaphore(%arg8 : memref<!tpu.dma_semaphore, #tpu.memory_space<semaphore_mem>>)
    %dma_start3A_369 = arith.constant 1536 : i32
    %dma_start3A_370 = arith.constant 0 : i32
    %dma_start3A_371 = tpu.memref_slice %arg7[%dma_start3A_369, %dma_start3A_370] : memref<2048x8xf32, #tpu.memory_space<vmem>> -> memref<128x8xf32, #tpu.memory_space<vmem>>
    %dma_start3A_372 = arith.constant 1536 : i32
    %dma_start3A_373 = tpu.memref_slice %arg6[%dma_start3A_372] : memref<2048xi32, #tpu.memory_space<vmem>> -> memref<128xi32, #tpu.memory_space<vmem>>
    %dma_start3A_374 = arith.constant 0 : i32
    %dma_start3A_375 = arith.constant 0 : i32
    %dma_start3A_376 = tpu.memref_slice %arg2[%dma_start3A_374, %dma_start3A_375] : memref<50000x8xf32, #tpu.memory_space<hbm>> -> memref<50000x8xf32, #tpu.memory_space<hbm>>
    tpu.enqueue_indirect_dma source(%dma_start3A_376 : memref<50000x8xf32, #tpu.memory_space<hbm>>) target(%dma_start3A_371 : memref<128x8xf32, #tpu.memory_space<vmem>>) offsets(%dma_start3A_373 : memref<128xi32, #tpu.memory_space<vmem>>) semaphore(%arg8 : memref<!tpu.dma_semaphore, #tpu.memory_space<semaphore_mem>>)
    %dma_start3A_377 = arith.constant 1664 : i32
    %dma_start3A_378 = arith.constant 0 : i32
    %dma_start3A_379 = tpu.memref_slice %arg7[%dma_start3A_377, %dma_start3A_378] : memref<2048x8xf32, #tpu.memory_space<vmem>> -> memref<128x8xf32, #tpu.memory_space<vmem>>
    %dma_start3A_380 = arith.constant 1664 : i32
    %dma_start3A_381 = tpu.memref_slice %arg6[%dma_start3A_380] : memref<2048xi32, #tpu.memory_space<vmem>> -> memref<128xi32, #tpu.memory_space<vmem>>
    %dma_start3A_382 = arith.constant 0 : i32
    %dma_start3A_383 = arith.constant 0 : i32
    %dma_start3A_384 = tpu.memref_slice %arg2[%dma_start3A_382, %dma_start3A_383] : memref<50000x8xf32, #tpu.memory_space<hbm>> -> memref<50000x8xf32, #tpu.memory_space<hbm>>
    tpu.enqueue_indirect_dma source(%dma_start3A_384 : memref<50000x8xf32, #tpu.memory_space<hbm>>) target(%dma_start3A_379 : memref<128x8xf32, #tpu.memory_space<vmem>>) offsets(%dma_start3A_381 : memref<128xi32, #tpu.memory_space<vmem>>) semaphore(%arg8 : memref<!tpu.dma_semaphore, #tpu.memory_space<semaphore_mem>>)
    %dma_start3A_385 = arith.constant 1792 : i32
    %dma_start3A_386 = arith.constant 0 : i32
    %dma_start3A_387 = tpu.memref_slice %arg7[%dma_start3A_385, %dma_start3A_386] : memref<2048x8xf32, #tpu.memory_space<vmem>> -> memref<128x8xf32, #tpu.memory_space<vmem>>
    %dma_start3A_388 = arith.constant 1792 : i32
    %dma_start3A_389 = tpu.memref_slice %arg6[%dma_start3A_388] : memref<2048xi32, #tpu.memory_space<vmem>> -> memref<128xi32, #tpu.memory_space<vmem>>
    %dma_start3A_390 = arith.constant 0 : i32
    %dma_start3A_391 = arith.constant 0 : i32
    %dma_start3A_392 = tpu.memref_slice %arg2[%dma_start3A_390, %dma_start3A_391] : memref<50000x8xf32, #tpu.memory_space<hbm>> -> memref<50000x8xf32, #tpu.memory_space<hbm>>
    tpu.enqueue_indirect_dma source(%dma_start3A_392 : memref<50000x8xf32, #tpu.memory_space<hbm>>) target(%dma_start3A_387 : memref<128x8xf32, #tpu.memory_space<vmem>>) offsets(%dma_start3A_389 : memref<128xi32, #tpu.memory_space<vmem>>) semaphore(%arg8 : memref<!tpu.dma_semaphore, #tpu.memory_space<semaphore_mem>>)
    %dma_start3A_393 = arith.constant 1920 : i32
    %dma_start3A_394 = arith.constant 0 : i32
    %dma_start3A_395 = tpu.memref_slice %arg7[%dma_start3A_393, %dma_start3A_394] : memref<2048x8xf32, #tpu.memory_space<vmem>> -> memref<128x8xf32, #tpu.memory_space<vmem>>
    %dma_start3A_396 = arith.constant 1920 : i32
    %dma_start3A_397 = tpu.memref_slice %arg6[%dma_start3A_396] : memref<2048xi32, #tpu.memory_space<vmem>> -> memref<128xi32, #tpu.memory_space<vmem>>
    %dma_start3A_398 = arith.constant 0 : i32
    %dma_start3A_399 = arith.constant 0 : i32
    %dma_start3A_400 = tpu.memref_slice %arg2[%dma_start3A_398, %dma_start3A_399] : memref<50000x8xf32, #tpu.memory_space<hbm>> -> memref<50000x8xf32, #tpu.memory_space<hbm>>
    tpu.enqueue_indirect_dma source(%dma_start3A_400 : memref<50000x8xf32, #tpu.memory_space<hbm>>) target(%dma_start3A_395 : memref<128x8xf32, #tpu.memory_space<vmem>>) offsets(%dma_start3A_397 : memref<128xi32, #tpu.memory_space<vmem>>) semaphore(%arg8 : memref<!tpu.dma_semaphore, #tpu.memory_space<semaphore_mem>>)
    %dma_wait3A_401 = arith.constant 0 : i32
    %dma_wait3A_402 = arith.constant 0 : i32
    %dma_wait3A_403 = tpu.memref_slice %arg7[%dma_wait3A_401, %dma_wait3A_402] : memref<2048x8xf32, #tpu.memory_space<vmem>> -> memref<128x8xf32, #tpu.memory_space<vmem>>
    %dma_wait3A_404 = arith.constant 0 : i32
    %dma_wait3A_405 = tpu.memref_slice %arg6[%dma_wait3A_404] : memref<2048xi32, #tpu.memory_space<vmem>> -> memref<128xi32, #tpu.memory_space<vmem>>
    %dma_wait3A_406 = arith.constant 0 : i32
    %dma_wait3A_407 = arith.constant 0 : i32
    %dma_wait3A_408 = tpu.memref_slice %arg2[%dma_wait3A_406, %dma_wait3A_407] : memref<50000x8xf32, #tpu.memory_space<hbm>> -> memref<50000x8xf32, #tpu.memory_space<hbm>>
    tpu.wait_indirect_dma semaphore(%arg8 : memref<!tpu.dma_semaphore, #tpu.memory_space<semaphore_mem>>) src(%dma_wait3A_408 : memref<50000x8xf32, #tpu.memory_space<hbm>>) dst(%dma_wait3A_403 : memref<128x8xf32, #tpu.memory_space<vmem>>)
    %dma_wait3A_409 = arith.constant 128 : i32
    %dma_wait3A_410 = arith.constant 0 : i32
    %dma_wait3A_411 = tpu.memref_slice %arg7[%dma_wait3A_409, %dma_wait3A_410] : memref<2048x8xf32, #tpu.memory_space<vmem>> -> memref<128x8xf32, #tpu.memory_space<vmem>>
    %dma_wait3A_412 = arith.constant 128 : i32
    %dma_wait3A_413 = tpu.memref_slice %arg6[%dma_wait3A_412] : memref<2048xi32, #tpu.memory_space<vmem>> -> memref<128xi32, #tpu.memory_space<vmem>>
    %dma_wait3A_414 = arith.constant 0 : i32
    %dma_wait3A_415 = arith.constant 0 : i32
    %dma_wait3A_416 = tpu.memref_slice %arg2[%dma_wait3A_414, %dma_wait3A_415] : memref<50000x8xf32, #tpu.memory_space<hbm>> -> memref<50000x8xf32, #tpu.memory_space<hbm>>
    tpu.wait_indirect_dma semaphore(%arg8 : memref<!tpu.dma_semaphore, #tpu.memory_space<semaphore_mem>>) src(%dma_wait3A_416 : memref<50000x8xf32, #tpu.memory_space<hbm>>) dst(%dma_wait3A_411 : memref<128x8xf32, #tpu.memory_space<vmem>>)
    %dma_wait3A_417 = arith.constant 256 : i32
    %dma_wait3A_418 = arith.constant 0 : i32
    %dma_wait3A_419 = tpu.memref_slice %arg7[%dma_wait3A_417, %dma_wait3A_418] : memref<2048x8xf32, #tpu.memory_space<vmem>> -> memref<128x8xf32, #tpu.memory_space<vmem>>
    %dma_wait3A_420 = arith.constant 256 : i32
    %dma_wait3A_421 = tpu.memref_slice %arg6[%dma_wait3A_420] : memref<2048xi32, #tpu.memory_space<vmem>> -> memref<128xi32, #tpu.memory_space<vmem>>
    %dma_wait3A_422 = arith.constant 0 : i32
    %dma_wait3A_423 = arith.constant 0 : i32
    %dma_wait3A_424 = tpu.memref_slice %arg2[%dma_wait3A_422, %dma_wait3A_423] : memref<50000x8xf32, #tpu.memory_space<hbm>> -> memref<50000x8xf32, #tpu.memory_space<hbm>>
    tpu.wait_indirect_dma semaphore(%arg8 : memref<!tpu.dma_semaphore, #tpu.memory_space<semaphore_mem>>) src(%dma_wait3A_424 : memref<50000x8xf32, #tpu.memory_space<hbm>>) dst(%dma_wait3A_419 : memref<128x8xf32, #tpu.memory_space<vmem>>)
    %dma_wait3A_425 = arith.constant 384 : i32
    %dma_wait3A_426 = arith.constant 0 : i32
    %dma_wait3A_427 = tpu.memref_slice %arg7[%dma_wait3A_425, %dma_wait3A_426] : memref<2048x8xf32, #tpu.memory_space<vmem>> -> memref<128x8xf32, #tpu.memory_space<vmem>>
    %dma_wait3A_428 = arith.constant 384 : i32
    %dma_wait3A_429 = tpu.memref_slice %arg6[%dma_wait3A_428] : memref<2048xi32, #tpu.memory_space<vmem>> -> memref<128xi32, #tpu.memory_space<vmem>>
    %dma_wait3A_430 = arith.constant 0 : i32
    %dma_wait3A_431 = arith.constant 0 : i32
    %dma_wait3A_432 = tpu.memref_slice %arg2[%dma_wait3A_430, %dma_wait3A_431] : memref<50000x8xf32, #tpu.memory_space<hbm>> -> memref<50000x8xf32, #tpu.memory_space<hbm>>
    tpu.wait_indirect_dma semaphore(%arg8 : memref<!tpu.dma_semaphore, #tpu.memory_space<semaphore_mem>>) src(%dma_wait3A_432 : memref<50000x8xf32, #tpu.memory_space<hbm>>) dst(%dma_wait3A_427 : memref<128x8xf32, #tpu.memory_space<vmem>>)
    %dma_wait3A_433 = arith.constant 512 : i32
    %dma_wait3A_434 = arith.constant 0 : i32
    %dma_wait3A_435 = tpu.memref_slice %arg7[%dma_wait3A_433, %dma_wait3A_434] : memref<2048x8xf32, #tpu.memory_space<vmem>> -> memref<128x8xf32, #tpu.memory_space<vmem>>
    %dma_wait3A_436 = arith.constant 512 : i32
    %dma_wait3A_437 = tpu.memref_slice %arg6[%dma_wait3A_436] : memref<2048xi32, #tpu.memory_space<vmem>> -> memref<128xi32, #tpu.memory_space<vmem>>
    %dma_wait3A_438 = arith.constant 0 : i32
    %dma_wait3A_439 = arith.constant 0 : i32
    %dma_wait3A_440 = tpu.memref_slice %arg2[%dma_wait3A_438, %dma_wait3A_439] : memref<50000x8xf32, #tpu.memory_space<hbm>> -> memref<50000x8xf32, #tpu.memory_space<hbm>>
    tpu.wait_indirect_dma semaphore(%arg8 : memref<!tpu.dma_semaphore, #tpu.memory_space<semaphore_mem>>) src(%dma_wait3A_440 : memref<50000x8xf32, #tpu.memory_space<hbm>>) dst(%dma_wait3A_435 : memref<128x8xf32, #tpu.memory_space<vmem>>)
    %dma_wait3A_441 = arith.constant 640 : i32
    %dma_wait3A_442 = arith.constant 0 : i32
    %dma_wait3A_443 = tpu.memref_slice %arg7[%dma_wait3A_441, %dma_wait3A_442] : memref<2048x8xf32, #tpu.memory_space<vmem>> -> memref<128x8xf32, #tpu.memory_space<vmem>>
    %dma_wait3A_444 = arith.constant 640 : i32
    %dma_wait3A_445 = tpu.memref_slice %arg6[%dma_wait3A_444] : memref<2048xi32, #tpu.memory_space<vmem>> -> memref<128xi32, #tpu.memory_space<vmem>>
    %dma_wait3A_446 = arith.constant 0 : i32
    %dma_wait3A_447 = arith.constant 0 : i32
    %dma_wait3A_448 = tpu.memref_slice %arg2[%dma_wait3A_446, %dma_wait3A_447] : memref<50000x8xf32, #tpu.memory_space<hbm>> -> memref<50000x8xf32, #tpu.memory_space<hbm>>
    tpu.wait_indirect_dma semaphore(%arg8 : memref<!tpu.dma_semaphore, #tpu.memory_space<semaphore_mem>>) src(%dma_wait3A_448 : memref<50000x8xf32, #tpu.memory_space<hbm>>) dst(%dma_wait3A_443 : memref<128x8xf32, #tpu.memory_space<vmem>>)
    %dma_wait3A_449 = arith.constant 768 : i32
    %dma_wait3A_450 = arith.constant 0 : i32
    %dma_wait3A_451 = tpu.memref_slice %arg7[%dma_wait3A_449, %dma_wait3A_450] : memref<2048x8xf32, #tpu.memory_space<vmem>> -> memref<128x8xf32, #tpu.memory_space<vmem>>
    %dma_wait3A_452 = arith.constant 768 : i32
    %dma_wait3A_453 = tpu.memref_slice %arg6[%dma_wait3A_452] : memref<2048xi32, #tpu.memory_space<vmem>> -> memref<128xi32, #tpu.memory_space<vmem>>
    %dma_wait3A_454 = arith.constant 0 : i32
    %dma_wait3A_455 = arith.constant 0 : i32
    %dma_wait3A_456 = tpu.memref_slice %arg2[%dma_wait3A_454, %dma_wait3A_455] : memref<50000x8xf32, #tpu.memory_space<hbm>> -> memref<50000x8xf32, #tpu.memory_space<hbm>>
    tpu.wait_indirect_dma semaphore(%arg8 : memref<!tpu.dma_semaphore, #tpu.memory_space<semaphore_mem>>) src(%dma_wait3A_456 : memref<50000x8xf32, #tpu.memory_space<hbm>>) dst(%dma_wait3A_451 : memref<128x8xf32, #tpu.memory_space<vmem>>)
    %dma_wait3A_457 = arith.constant 896 : i32
    %dma_wait3A_458 = arith.constant 0 : i32
    %dma_wait3A_459 = tpu.memref_slice %arg7[%dma_wait3A_457, %dma_wait3A_458] : memref<2048x8xf32, #tpu.memory_space<vmem>> -> memref<128x8xf32, #tpu.memory_space<vmem>>
    %dma_wait3A_460 = arith.constant 896 : i32
    %dma_wait3A_461 = tpu.memref_slice %arg6[%dma_wait3A_460] : memref<2048xi32, #tpu.memory_space<vmem>> -> memref<128xi32, #tpu.memory_space<vmem>>
    %dma_wait3A_462 = arith.constant 0 : i32
    %dma_wait3A_463 = arith.constant 0 : i32
    %dma_wait3A_464 = tpu.memref_slice %arg2[%dma_wait3A_462, %dma_wait3A_463] : memref<50000x8xf32, #tpu.memory_space<hbm>> -> memref<50000x8xf32, #tpu.memory_space<hbm>>
    tpu.wait_indirect_dma semaphore(%arg8 : memref<!tpu.dma_semaphore, #tpu.memory_space<semaphore_mem>>) src(%dma_wait3A_464 : memref<50000x8xf32, #tpu.memory_space<hbm>>) dst(%dma_wait3A_459 : memref<128x8xf32, #tpu.memory_space<vmem>>)
    %dma_wait3A_465 = arith.constant 1024 : i32
    %dma_wait3A_466 = arith.constant 0 : i32
    %dma_wait3A_467 = tpu.memref_slice %arg7[%dma_wait3A_465, %dma_wait3A_466] : memref<2048x8xf32, #tpu.memory_space<vmem>> -> memref<128x8xf32, #tpu.memory_space<vmem>>
    %dma_wait3A_468 = arith.constant 1024 : i32
    %dma_wait3A_469 = tpu.memref_slice %arg6[%dma_wait3A_468] : memref<2048xi32, #tpu.memory_space<vmem>> -> memref<128xi32, #tpu.memory_space<vmem>>
    %dma_wait3A_470 = arith.constant 0 : i32
    %dma_wait3A_471 = arith.constant 0 : i32
    %dma_wait3A_472 = tpu.memref_slice %arg2[%dma_wait3A_470, %dma_wait3A_471] : memref<50000x8xf32, #tpu.memory_space<hbm>> -> memref<50000x8xf32, #tpu.memory_space<hbm>>
    tpu.wait_indirect_dma semaphore(%arg8 : memref<!tpu.dma_semaphore, #tpu.memory_space<semaphore_mem>>) src(%dma_wait3A_472 : memref<50000x8xf32, #tpu.memory_space<hbm>>) dst(%dma_wait3A_467 : memref<128x8xf32, #tpu.memory_space<vmem>>)
    %dma_wait3A_473 = arith.constant 1152 : i32
    %dma_wait3A_474 = arith.constant 0 : i32
    %dma_wait3A_475 = tpu.memref_slice %arg7[%dma_wait3A_473, %dma_wait3A_474] : memref<2048x8xf32, #tpu.memory_space<vmem>> -> memref<128x8xf32, #tpu.memory_space<vmem>>
    %dma_wait3A_476 = arith.constant 1152 : i32
    %dma_wait3A_477 = tpu.memref_slice %arg6[%dma_wait3A_476] : memref<2048xi32, #tpu.memory_space<vmem>> -> memref<128xi32, #tpu.memory_space<vmem>>
    %dma_wait3A_478 = arith.constant 0 : i32
    %dma_wait3A_479 = arith.constant 0 : i32
    %dma_wait3A_480 = tpu.memref_slice %arg2[%dma_wait3A_478, %dma_wait3A_479] : memref<50000x8xf32, #tpu.memory_space<hbm>> -> memref<50000x8xf32, #tpu.memory_space<hbm>>
    tpu.wait_indirect_dma semaphore(%arg8 : memref<!tpu.dma_semaphore, #tpu.memory_space<semaphore_mem>>) src(%dma_wait3A_480 : memref<50000x8xf32, #tpu.memory_space<hbm>>) dst(%dma_wait3A_475 : memref<128x8xf32, #tpu.memory_space<vmem>>)
    %dma_wait3A_481 = arith.constant 1280 : i32
    %dma_wait3A_482 = arith.constant 0 : i32
    %dma_wait3A_483 = tpu.memref_slice %arg7[%dma_wait3A_481, %dma_wait3A_482] : memref<2048x8xf32, #tpu.memory_space<vmem>> -> memref<128x8xf32, #tpu.memory_space<vmem>>
    %dma_wait3A_484 = arith.constant 1280 : i32
    %dma_wait3A_485 = tpu.memref_slice %arg6[%dma_wait3A_484] : memref<2048xi32, #tpu.memory_space<vmem>> -> memref<128xi32, #tpu.memory_space<vmem>>
    %dma_wait3A_486 = arith.constant 0 : i32
    %dma_wait3A_487 = arith.constant 0 : i32
    %dma_wait3A_488 = tpu.memref_slice %arg2[%dma_wait3A_486, %dma_wait3A_487] : memref<50000x8xf32, #tpu.memory_space<hbm>> -> memref<50000x8xf32, #tpu.memory_space<hbm>>
    tpu.wait_indirect_dma semaphore(%arg8 : memref<!tpu.dma_semaphore, #tpu.memory_space<semaphore_mem>>) src(%dma_wait3A_488 : memref<50000x8xf32, #tpu.memory_space<hbm>>) dst(%dma_wait3A_483 : memref<128x8xf32, #tpu.memory_space<vmem>>)
    %dma_wait3A_489 = arith.constant 1408 : i32
    %dma_wait3A_490 = arith.constant 0 : i32
    %dma_wait3A_491 = tpu.memref_slice %arg7[%dma_wait3A_489, %dma_wait3A_490] : memref<2048x8xf32, #tpu.memory_space<vmem>> -> memref<128x8xf32, #tpu.memory_space<vmem>>
    %dma_wait3A_492 = arith.constant 1408 : i32
    %dma_wait3A_493 = tpu.memref_slice %arg6[%dma_wait3A_492] : memref<2048xi32, #tpu.memory_space<vmem>> -> memref<128xi32, #tpu.memory_space<vmem>>
    %dma_wait3A_494 = arith.constant 0 : i32
    %dma_wait3A_495 = arith.constant 0 : i32
    %dma_wait3A_496 = tpu.memref_slice %arg2[%dma_wait3A_494, %dma_wait3A_495] : memref<50000x8xf32, #tpu.memory_space<hbm>> -> memref<50000x8xf32, #tpu.memory_space<hbm>>
    tpu.wait_indirect_dma semaphore(%arg8 : memref<!tpu.dma_semaphore, #tpu.memory_space<semaphore_mem>>) src(%dma_wait3A_496 : memref<50000x8xf32, #tpu.memory_space<hbm>>) dst(%dma_wait3A_491 : memref<128x8xf32, #tpu.memory_space<vmem>>)
    %dma_wait3A_497 = arith.constant 1536 : i32
    %dma_wait3A_498 = arith.constant 0 : i32
    %dma_wait3A_499 = tpu.memref_slice %arg7[%dma_wait3A_497, %dma_wait3A_498] : memref<2048x8xf32, #tpu.memory_space<vmem>> -> memref<128x8xf32, #tpu.memory_space<vmem>>
    %dma_wait3A_500 = arith.constant 1536 : i32
    %dma_wait3A_501 = tpu.memref_slice %arg6[%dma_wait3A_500] : memref<2048xi32, #tpu.memory_space<vmem>> -> memref<128xi32, #tpu.memory_space<vmem>>
    %dma_wait3A_502 = arith.constant 0 : i32
    %dma_wait3A_503 = arith.constant 0 : i32
    %dma_wait3A_504 = tpu.memref_slice %arg2[%dma_wait3A_502, %dma_wait3A_503] : memref<50000x8xf32, #tpu.memory_space<hbm>> -> memref<50000x8xf32, #tpu.memory_space<hbm>>
    tpu.wait_indirect_dma semaphore(%arg8 : memref<!tpu.dma_semaphore, #tpu.memory_space<semaphore_mem>>) src(%dma_wait3A_504 : memref<50000x8xf32, #tpu.memory_space<hbm>>) dst(%dma_wait3A_499 : memref<128x8xf32, #tpu.memory_space<vmem>>)
    %dma_wait3A_505 = arith.constant 1664 : i32
    %dma_wait3A_506 = arith.constant 0 : i32
    %dma_wait3A_507 = tpu.memref_slice %arg7[%dma_wait3A_505, %dma_wait3A_506] : memref<2048x8xf32, #tpu.memory_space<vmem>> -> memref<128x8xf32, #tpu.memory_space<vmem>>
    %dma_wait3A_508 = arith.constant 1664 : i32
    %dma_wait3A_509 = tpu.memref_slice %arg6[%dma_wait3A_508] : memref<2048xi32, #tpu.memory_space<vmem>> -> memref<128xi32, #tpu.memory_space<vmem>>
    %dma_wait3A_510 = arith.constant 0 : i32
    %dma_wait3A_511 = arith.constant 0 : i32
    %dma_wait3A_512 = tpu.memref_slice %arg2[%dma_wait3A_510, %dma_wait3A_511] : memref<50000x8xf32, #tpu.memory_space<hbm>> -> memref<50000x8xf32, #tpu.memory_space<hbm>>
    tpu.wait_indirect_dma semaphore(%arg8 : memref<!tpu.dma_semaphore, #tpu.memory_space<semaphore_mem>>) src(%dma_wait3A_512 : memref<50000x8xf32, #tpu.memory_space<hbm>>) dst(%dma_wait3A_507 : memref<128x8xf32, #tpu.memory_space<vmem>>)
    %dma_wait3A_513 = arith.constant 1792 : i32
    %dma_wait3A_514 = arith.constant 0 : i32
    %dma_wait3A_515 = tpu.memref_slice %arg7[%dma_wait3A_513, %dma_wait3A_514] : memref<2048x8xf32, #tpu.memory_space<vmem>> -> memref<128x8xf32, #tpu.memory_space<vmem>>
    %dma_wait3A_516 = arith.constant 1792 : i32
    %dma_wait3A_517 = tpu.memref_slice %arg6[%dma_wait3A_516] : memref<2048xi32, #tpu.memory_space<vmem>> -> memref<128xi32, #tpu.memory_space<vmem>>
    %dma_wait3A_518 = arith.constant 0 : i32
    %dma_wait3A_519 = arith.constant 0 : i32
    %dma_wait3A_520 = tpu.memref_slice %arg2[%dma_wait3A_518, %dma_wait3A_519] : memref<50000x8xf32, #tpu.memory_space<hbm>> -> memref<50000x8xf32, #tpu.memory_space<hbm>>
    tpu.wait_indirect_dma semaphore(%arg8 : memref<!tpu.dma_semaphore, #tpu.memory_space<semaphore_mem>>) src(%dma_wait3A_520 : memref<50000x8xf32, #tpu.memory_space<hbm>>) dst(%dma_wait3A_515 : memref<128x8xf32, #tpu.memory_space<vmem>>)
    %dma_wait3A_521 = arith.constant 1920 : i32
    %dma_wait3A_522 = arith.constant 0 : i32
    %dma_wait3A_523 = tpu.memref_slice %arg7[%dma_wait3A_521, %dma_wait3A_522] : memref<2048x8xf32, #tpu.memory_space<vmem>> -> memref<128x8xf32, #tpu.memory_space<vmem>>
    %dma_wait3A_524 = arith.constant 1920 : i32
    %dma_wait3A_525 = tpu.memref_slice %arg6[%dma_wait3A_524] : memref<2048xi32, #tpu.memory_space<vmem>> -> memref<128xi32, #tpu.memory_space<vmem>>
    %dma_wait3A_526 = arith.constant 0 : i32
    %dma_wait3A_527 = arith.constant 0 : i32
    %dma_wait3A_528 = tpu.memref_slice %arg2[%dma_wait3A_526, %dma_wait3A_527] : memref<50000x8xf32, #tpu.memory_space<hbm>> -> memref<50000x8xf32, #tpu.memory_space<hbm>>
    tpu.wait_indirect_dma semaphore(%arg8 : memref<!tpu.dma_semaphore, #tpu.memory_space<semaphore_mem>>) src(%dma_wait3A_528 : memref<50000x8xf32, #tpu.memory_space<hbm>>) dst(%dma_wait3A_523 : memref<128x8xf32, #tpu.memory_space<vmem>>)
    "tpu.region"() ({
      %run_scoped3A = tpu.sem_alloc : memref<!tpu.dma_semaphore, #tpu.memory_space<semaphore_mem>>
      %dma_start3A_529 = arith.constant 0 : i32
      %dma_start3A_530 = tpu.memref_slice %arg5[%sub3A_270, %dma_start3A_529] : memref<800000x8xf32, #tpu.memory_space<hbm>> -> memref<2048x8xf32, #tpu.memory_space<hbm>>
      %dma_start3A_531 = arith.constant 0 : i32
      %dma_start3A_532 = tpu.memref_slice %arg5[%sub3A_270, %dma_start3A_531] : memref<800000x8xf32, #tpu.memory_space<hbm>> -> memref<2048x8xf32, #tpu.memory_space<hbm>>
      tpu.enqueue_dma source(%arg7 : memref<2048x8xf32, #tpu.memory_space<vmem>>) target(%dma_start3A_532 : memref<2048x8xf32, #tpu.memory_space<hbm>>) target_semaphore(%run_scoped3A : memref<!tpu.dma_semaphore, #tpu.memory_space<semaphore_mem>>)
      %dma_wait3A_533 = arith.constant 0 : i32
      %dma_wait3A_534 = tpu.memref_slice %arg5[%sub3A_270, %dma_wait3A_533] : memref<800000x8xf32, #tpu.memory_space<hbm>> -> memref<2048x8xf32, #tpu.memory_space<hbm>>
      %dma_wait3A_535 = arith.constant 0 : i32
      %dma_wait3A_536 = tpu.memref_slice %arg5[%sub3A_270, %dma_wait3A_535] : memref<800000x8xf32, #tpu.memory_space<hbm>> -> memref<2048x8xf32, #tpu.memory_space<hbm>>
      tpu.wait_dma2 semaphore(%run_scoped3A : memref<!tpu.dma_semaphore, #tpu.memory_space<semaphore_mem>>) src(%arg7 : memref<2048x8xf32, #tpu.memory_space<vmem>>) dst(%dma_wait3A_536 : memref<2048x8xf32, #tpu.memory_space<hbm>>)
      tpu.yield
    }) : () -> ()
    return
  }
}

#map = affine_map<(d0, d1) -> (0, 0)>
#map1 = affine_map<(d0, d1) -> (0)>
module attributes {stable_mosaic.version = 14 : i64} {
  func.func @body(%arg0: i32, %arg1: i32, %arg2: memref<800000x32xf32, #tpu.memory_space<hbm>>, %arg3: memref<800000x32xf32, #tpu.memory_space<hbm>>, %arg4: memref<1600000xi32, #tpu.memory_space<hbm>>, %arg5: memref<125x32xf32, #tpu.memory_space<hbm>>, %arg6: memref<50000x32xf32, #tpu.memory_space<hbm>>, %arg7: memref<50000x32xf32, #tpu.memory_space<hbm>>, %arg8: memref<50000x32xf32, #tpu.memory_space<vmem_shared>>, %arg9: memref<128xi32, #tpu.memory_space<vmem>>, %arg10: memref<128x32xf32, #tpu.memory_space<vmem>>, %arg11: memref<80xi32, #tpu.memory_space<vmem>>, %arg12: memref<80x32xf32, #tpu.memory_space<vmem>>, %arg13: memref<125x32xf32, #tpu.memory_space<vmem>>, %arg14: memref<!tpu.dma_semaphore, #tpu.memory_space<semaphore_mem>>) attributes {dimension_semantics = [#tpu.dimension_semantics<core_parallel>, #tpu.dimension_semantics<subcore_parallel>], iteration_bounds = array<i64: 2, 16>, scalar_prefetch = 0 : i64, scratch_operands = 7 : i64, tpu.core_type = #tpu.core_type<sc_vector_subcore>, window_params = [{transform_indices = #map}, {transform_indices = #map}, {transform_indices = #map1}, {transform_indices = #map}, {transform_indices = #map}, {transform_indices = #map}]} {
    %mul3A = arith.constant 50000 : i32
    %mul3A_0 = arith.muli %arg1, %mul3A : i32
    %mul3A_1 = arith.constant 3125 : i32
    %mul3A_2 = arith.muli %arg1, %mul3A_1 : i32
    "tpu.region"() ({
      %run_scoped3A = tpu.sem_alloc : memref<!tpu.dma_semaphore, #tpu.memory_space<semaphore_mem>>
      tpu.enqueue_dma source(%arg5 : memref<125x32xf32, #tpu.memory_space<hbm>>) target(%arg13 : memref<125x32xf32, #tpu.memory_space<vmem>>) target_semaphore(%run_scoped3A : memref<!tpu.dma_semaphore, #tpu.memory_space<semaphore_mem>>)
      tpu.wait_dma2 semaphore(%run_scoped3A : memref<!tpu.dma_semaphore, #tpu.memory_space<semaphore_mem>>) src(%arg5 : memref<125x32xf32, #tpu.memory_space<hbm>>) dst(%arg13 : memref<125x32xf32, #tpu.memory_space<vmem>>)
      tpu.yield
    }) : () -> ()
    %scan3A = arith.constant 0 : i32
    %scan3A_3 = arith.constant 0 : i32
    %scan3A_4 = arith.constant 25 : i32
    %scan3A_5 = arith.addi %scan3A_3, %scan3A_4 : i32
    %scan3A_6 = arith.constant 1 : i32
    scf.for %scan3A_31 = %scan3A_3 to %scan3A_5 step %scan3A_6  : i32 {
      %mul3A_32 = arith.constant 125 : i32
      %mul3A_33 = arith.muli %scan3A_31, %mul3A_32 : i32
      %add3A_34 = arith.addi %mul3A_2, %mul3A_33 : i32
      "tpu.region"() ({
        %run_scoped3A = tpu.sem_alloc : memref<!tpu.dma_semaphore, #tpu.memory_space<semaphore_mem>>
        %dma_start3A = arith.constant 0 : i32
        %dma_start3A_35 = tpu.memref_slice %arg8[%add3A_34, %dma_start3A] : memref<50000x32xf32, #tpu.memory_space<vmem_shared>> -> memref<125x32xf32, #tpu.memory_space<vmem_shared>>
        %dma_start3A_36 = arith.constant 0 : i32
        %dma_start3A_37 = tpu.memref_slice %arg8[%add3A_34, %dma_start3A_36] : memref<50000x32xf32, #tpu.memory_space<vmem_shared>> -> memref<125x32xf32, #tpu.memory_space<vmem_shared>>
        tpu.enqueue_dma source(%arg13 : memref<125x32xf32, #tpu.memory_space<vmem>>) target(%dma_start3A_37 : memref<125x32xf32, #tpu.memory_space<vmem_shared>>) target_semaphore(%run_scoped3A : memref<!tpu.dma_semaphore, #tpu.memory_space<semaphore_mem>>)
        %dma_wait3A = arith.constant 0 : i32
        %dma_wait3A_38 = tpu.memref_slice %arg8[%add3A_34, %dma_wait3A] : memref<50000x32xf32, #tpu.memory_space<vmem_shared>> -> memref<125x32xf32, #tpu.memory_space<vmem_shared>>
        %dma_wait3A_39 = arith.constant 0 : i32
        %dma_wait3A_40 = tpu.memref_slice %arg8[%add3A_34, %dma_wait3A_39] : memref<50000x32xf32, #tpu.memory_space<vmem_shared>> -> memref<125x32xf32, #tpu.memory_space<vmem_shared>>
        tpu.wait_dma2 semaphore(%run_scoped3A : memref<!tpu.dma_semaphore, #tpu.memory_space<semaphore_mem>>) src(%arg13 : memref<125x32xf32, #tpu.memory_space<vmem>>) dst(%dma_wait3A_40 : memref<125x32xf32, #tpu.memory_space<vmem_shared>>)
        tpu.yield
      }) : () -> ()
    }
    %scan3A_7 = arith.constant 25 : i32
    %barrier3A = arith.constant 0 : index
    tpu.barrier barrier_id(%barrier3A)
    %scan3A_8 = arith.constant 0 : i32
    %scan3A_9 = arith.constant 0 : i32
    %scan3A_10 = arith.constant 390 : i32
    %scan3A_11 = arith.addi %scan3A_9, %scan3A_10 : i32
    %scan3A_12 = arith.constant 1 : i32
    scf.for %scan3A_31 = %scan3A_9 to %scan3A_11 step %scan3A_12  : i32 {
      %mul3A_32 = arith.constant 128 : i32
      %mul3A_33 = arith.muli %scan3A_31, %mul3A_32 : i32
      %add3A_34 = arith.addi %mul3A_0, %mul3A_33 : i32
      %add3A_35 = arith.constant 800000 : i32
      %add3A_36 = arith.addi %add3A_35, %add3A_34 : i32
      "tpu.region"() ({
        %run_scoped3A = tpu.sem_alloc : memref<!tpu.dma_semaphore, #tpu.memory_space<semaphore_mem>>
        %dma_start3A = tpu.memref_slice %arg4[%add3A_36] : memref<1600000xi32, #tpu.memory_space<hbm>> -> memref<128xi32, #tpu.memory_space<hbm>>
        %dma_start3A_47 = tpu.memref_slice %arg4[%add3A_36] : memref<1600000xi32, #tpu.memory_space<hbm>> -> memref<128xi32, #tpu.memory_space<hbm>>
        tpu.enqueue_dma source(%dma_start3A_47 : memref<128xi32, #tpu.memory_space<hbm>>) target(%arg9 : memref<128xi32, #tpu.memory_space<vmem>>) target_semaphore(%run_scoped3A : memref<!tpu.dma_semaphore, #tpu.memory_space<semaphore_mem>>)
        %dma_wait3A = tpu.memref_slice %arg4[%add3A_36] : memref<1600000xi32, #tpu.memory_space<hbm>> -> memref<128xi32, #tpu.memory_space<hbm>>
        %dma_wait3A_48 = tpu.memref_slice %arg4[%add3A_36] : memref<1600000xi32, #tpu.memory_space<hbm>> -> memref<128xi32, #tpu.memory_space<hbm>>
        tpu.wait_dma2 semaphore(%run_scoped3A : memref<!tpu.dma_semaphore, #tpu.memory_space<semaphore_mem>>) src(%dma_wait3A_48 : memref<128xi32, #tpu.memory_space<hbm>>) dst(%arg9 : memref<128xi32, #tpu.memory_space<vmem>>)
        tpu.yield
      }) : () -> ()
      %eq3A_37 = arith.constant 0 : i32
      %eq3A_38 = arith.cmpi eq, %arg0, %eq3A_37 : i32
      %convert_element_type3A_39 = arith.extui %eq3A_38 : i1 to i32
      %cond3A_40 = arith.constant 0 : i32
      %cond3A_41 = arith.cmpi ne, %convert_element_type3A_39, %cond3A_40 : i32
      scf.if %cond3A_41 {
        "tpu.region"() ({
          %run_scoped3A = tpu.sem_alloc : memref<!tpu.dma_semaphore, #tpu.memory_space<semaphore_mem>>
          %dma_start3A = arith.constant 0 : i32
          %dma_start3A_47 = tpu.memref_slice %arg2[%add3A_34, %dma_start3A] : memref<800000x32xf32, #tpu.memory_space<hbm>> -> memref<128x32xf32, #tpu.memory_space<hbm>>
          %dma_start3A_48 = arith.constant 0 : i32
          %dma_start3A_49 = tpu.memref_slice %arg2[%add3A_34, %dma_start3A_48] : memref<800000x32xf32, #tpu.memory_space<hbm>> -> memref<128x32xf32, #tpu.memory_space<hbm>>
          tpu.enqueue_dma source(%dma_start3A_49 : memref<128x32xf32, #tpu.memory_space<hbm>>) target(%arg10 : memref<128x32xf32, #tpu.memory_space<vmem>>) target_semaphore(%run_scoped3A : memref<!tpu.dma_semaphore, #tpu.memory_space<semaphore_mem>>)
          %dma_wait3A = arith.constant 0 : i32
          %dma_wait3A_50 = tpu.memref_slice %arg2[%add3A_34, %dma_wait3A] : memref<800000x32xf32, #tpu.memory_space<hbm>> -> memref<128x32xf32, #tpu.memory_space<hbm>>
          %dma_wait3A_51 = arith.constant 0 : i32
          %dma_wait3A_52 = tpu.memref_slice %arg2[%add3A_34, %dma_wait3A_51] : memref<800000x32xf32, #tpu.memory_space<hbm>> -> memref<128x32xf32, #tpu.memory_space<hbm>>
          tpu.wait_dma2 semaphore(%run_scoped3A : memref<!tpu.dma_semaphore, #tpu.memory_space<semaphore_mem>>) src(%dma_wait3A_52 : memref<128x32xf32, #tpu.memory_space<hbm>>) dst(%arg10 : memref<128x32xf32, #tpu.memory_space<vmem>>)
          tpu.yield
        }) : () -> ()
      } else {
      }
      %eq3A_42 = arith.constant 1 : i32
      %eq3A_43 = arith.cmpi eq, %arg0, %eq3A_42 : i32
      %convert_element_type3A_44 = arith.extui %eq3A_43 : i1 to i32
      %cond3A_45 = arith.constant 0 : i32
      %cond3A_46 = arith.cmpi ne, %convert_element_type3A_44, %cond3A_45 : i32
      scf.if %cond3A_46 {
        "tpu.region"() ({
          %run_scoped3A = tpu.sem_alloc : memref<!tpu.dma_semaphore, #tpu.memory_space<semaphore_mem>>
          %dma_start3A = arith.constant 0 : i32
          %dma_start3A_47 = tpu.memref_slice %arg3[%add3A_34, %dma_start3A] : memref<800000x32xf32, #tpu.memory_space<hbm>> -> memref<128x32xf32, #tpu.memory_space<hbm>>
          %dma_start3A_48 = arith.constant 0 : i32
          %dma_start3A_49 = tpu.memref_slice %arg3[%add3A_34, %dma_start3A_48] : memref<800000x32xf32, #tpu.memory_space<hbm>> -> memref<128x32xf32, #tpu.memory_space<hbm>>
          tpu.enqueue_dma source(%dma_start3A_49 : memref<128x32xf32, #tpu.memory_space<hbm>>) target(%arg10 : memref<128x32xf32, #tpu.memory_space<vmem>>) target_semaphore(%run_scoped3A : memref<!tpu.dma_semaphore, #tpu.memory_space<semaphore_mem>>)
          %dma_wait3A = arith.constant 0 : i32
          %dma_wait3A_50 = tpu.memref_slice %arg3[%add3A_34, %dma_wait3A] : memref<800000x32xf32, #tpu.memory_space<hbm>> -> memref<128x32xf32, #tpu.memory_space<hbm>>
          %dma_wait3A_51 = arith.constant 0 : i32
          %dma_wait3A_52 = tpu.memref_slice %arg3[%add3A_34, %dma_wait3A_51] : memref<800000x32xf32, #tpu.memory_space<hbm>> -> memref<128x32xf32, #tpu.memory_space<hbm>>
          tpu.wait_dma2 semaphore(%run_scoped3A : memref<!tpu.dma_semaphore, #tpu.memory_space<semaphore_mem>>) src(%dma_wait3A_52 : memref<128x32xf32, #tpu.memory_space<hbm>>) dst(%arg10 : memref<128x32xf32, #tpu.memory_space<vmem>>)
          tpu.yield
        }) : () -> ()
      } else {
      }
      "tpu.region"() ({
        %run_scoped3A = tpu.sem_alloc : memref<!tpu.dma_semaphore, #tpu.memory_space<semaphore_mem>>
        %dma_start3A = arith.constant 0 : i32
        %dma_start3A_47 = arith.constant 0 : i32
        %dma_start3A_48 = tpu.memref_slice %arg8[%dma_start3A, %dma_start3A_47] : memref<50000x32xf32, #tpu.memory_space<vmem_shared>> -> memref<50000x32xf32, #tpu.memory_space<vmem_shared>>
        tpu.enqueue_indirect_dma source(%arg10 : memref<128x32xf32, #tpu.memory_space<vmem>>) target(%dma_start3A_48 : memref<50000x32xf32, #tpu.memory_space<vmem_shared>>) offsets(%arg9 : memref<128xi32, #tpu.memory_space<vmem>>) semaphore(%run_scoped3A : memref<!tpu.dma_semaphore, #tpu.memory_space<semaphore_mem>>) {add = true}
        %dma_wait3A = arith.constant 0 : i32
        %dma_wait3A_49 = arith.constant 0 : i32
        %dma_wait3A_50 = tpu.memref_slice %arg8[%dma_wait3A, %dma_wait3A_49] : memref<50000x32xf32, #tpu.memory_space<vmem_shared>> -> memref<50000x32xf32, #tpu.memory_space<vmem_shared>>
        tpu.wait_indirect_dma semaphore(%run_scoped3A : memref<!tpu.dma_semaphore, #tpu.memory_space<semaphore_mem>>) src(%arg10 : memref<128x32xf32, #tpu.memory_space<vmem>>) dst(%dma_wait3A_50 : memref<50000x32xf32, #tpu.memory_space<vmem_shared>>)
        tpu.yield
      }) : () -> ()
    }
    %scan3A_13 = arith.constant 390 : i32
    %add3A = arith.constant 49920 : i32
    %add3A_14 = arith.addi %mul3A_0, %add3A : i32
    %add3A_15 = arith.constant 800000 : i32
    %add3A_16 = arith.addi %add3A_15, %add3A_14 : i32
    "tpu.region"() ({
      %run_scoped3A = tpu.sem_alloc : memref<!tpu.dma_semaphore, #tpu.memory_space<semaphore_mem>>
      %dma_start3A = tpu.memref_slice %arg4[%add3A_16] : memref<1600000xi32, #tpu.memory_space<hbm>> -> memref<80xi32, #tpu.memory_space<hbm>>
      %dma_start3A_31 = tpu.memref_slice %arg4[%add3A_16] : memref<1600000xi32, #tpu.memory_space<hbm>> -> memref<80xi32, #tpu.memory_space<hbm>>
      tpu.enqueue_dma source(%dma_start3A_31 : memref<80xi32, #tpu.memory_space<hbm>>) target(%arg11 : memref<80xi32, #tpu.memory_space<vmem>>) target_semaphore(%run_scoped3A : memref<!tpu.dma_semaphore, #tpu.memory_space<semaphore_mem>>)
      %dma_wait3A = tpu.memref_slice %arg4[%add3A_16] : memref<1600000xi32, #tpu.memory_space<hbm>> -> memref<80xi32, #tpu.memory_space<hbm>>
      %dma_wait3A_32 = tpu.memref_slice %arg4[%add3A_16] : memref<1600000xi32, #tpu.memory_space<hbm>> -> memref<80xi32, #tpu.memory_space<hbm>>
      tpu.wait_dma2 semaphore(%run_scoped3A : memref<!tpu.dma_semaphore, #tpu.memory_space<semaphore_mem>>) src(%dma_wait3A_32 : memref<80xi32, #tpu.memory_space<hbm>>) dst(%arg11 : memref<80xi32, #tpu.memory_space<vmem>>)
      tpu.yield
    }) : () -> ()
    %eq3A = arith.constant 0 : i32
    %eq3A_17 = arith.cmpi eq, %arg0, %eq3A : i32
    %convert_element_type3A = arith.extui %eq3A_17 : i1 to i32
    %cond3A = arith.constant 0 : i32
    %cond3A_18 = arith.cmpi ne, %convert_element_type3A, %cond3A : i32
    scf.if %cond3A_18 {
      "tpu.region"() ({
        %run_scoped3A = tpu.sem_alloc : memref<!tpu.dma_semaphore, #tpu.memory_space<semaphore_mem>>
        %dma_start3A = arith.constant 0 : i32
        %dma_start3A_31 = tpu.memref_slice %arg2[%add3A_14, %dma_start3A] : memref<800000x32xf32, #tpu.memory_space<hbm>> -> memref<80x32xf32, #tpu.memory_space<hbm>>
        %dma_start3A_32 = arith.constant 0 : i32
        %dma_start3A_33 = tpu.memref_slice %arg2[%add3A_14, %dma_start3A_32] : memref<800000x32xf32, #tpu.memory_space<hbm>> -> memref<80x32xf32, #tpu.memory_space<hbm>>
        tpu.enqueue_dma source(%dma_start3A_33 : memref<80x32xf32, #tpu.memory_space<hbm>>) target(%arg12 : memref<80x32xf32, #tpu.memory_space<vmem>>) target_semaphore(%run_scoped3A : memref<!tpu.dma_semaphore, #tpu.memory_space<semaphore_mem>>)
        %dma_wait3A = arith.constant 0 : i32
        %dma_wait3A_34 = tpu.memref_slice %arg2[%add3A_14, %dma_wait3A] : memref<800000x32xf32, #tpu.memory_space<hbm>> -> memref<80x32xf32, #tpu.memory_space<hbm>>
        %dma_wait3A_35 = arith.constant 0 : i32
        %dma_wait3A_36 = tpu.memref_slice %arg2[%add3A_14, %dma_wait3A_35] : memref<800000x32xf32, #tpu.memory_space<hbm>> -> memref<80x32xf32, #tpu.memory_space<hbm>>
        tpu.wait_dma2 semaphore(%run_scoped3A : memref<!tpu.dma_semaphore, #tpu.memory_space<semaphore_mem>>) src(%dma_wait3A_36 : memref<80x32xf32, #tpu.memory_space<hbm>>) dst(%arg12 : memref<80x32xf32, #tpu.memory_space<vmem>>)
        tpu.yield
      }) : () -> ()
    } else {
    }
    %eq3A_19 = arith.constant 1 : i32
    %eq3A_20 = arith.cmpi eq, %arg0, %eq3A_19 : i32
    %convert_element_type3A_21 = arith.extui %eq3A_20 : i1 to i32
    %cond3A_22 = arith.constant 0 : i32
    %cond3A_23 = arith.cmpi ne, %convert_element_type3A_21, %cond3A_22 : i32
    scf.if %cond3A_23 {
      "tpu.region"() ({
        %run_scoped3A = tpu.sem_alloc : memref<!tpu.dma_semaphore, #tpu.memory_space<semaphore_mem>>
        %dma_start3A = arith.constant 0 : i32
        %dma_start3A_31 = tpu.memref_slice %arg3[%add3A_14, %dma_start3A] : memref<800000x32xf32, #tpu.memory_space<hbm>> -> memref<80x32xf32, #tpu.memory_space<hbm>>
        %dma_start3A_32 = arith.constant 0 : i32
        %dma_start3A_33 = tpu.memref_slice %arg3[%add3A_14, %dma_start3A_32] : memref<800000x32xf32, #tpu.memory_space<hbm>> -> memref<80x32xf32, #tpu.memory_space<hbm>>
        tpu.enqueue_dma source(%dma_start3A_33 : memref<80x32xf32, #tpu.memory_space<hbm>>) target(%arg12 : memref<80x32xf32, #tpu.memory_space<vmem>>) target_semaphore(%run_scoped3A : memref<!tpu.dma_semaphore, #tpu.memory_space<semaphore_mem>>)
        %dma_wait3A = arith.constant 0 : i32
        %dma_wait3A_34 = tpu.memref_slice %arg3[%add3A_14, %dma_wait3A] : memref<800000x32xf32, #tpu.memory_space<hbm>> -> memref<80x32xf32, #tpu.memory_space<hbm>>
        %dma_wait3A_35 = arith.constant 0 : i32
        %dma_wait3A_36 = tpu.memref_slice %arg3[%add3A_14, %dma_wait3A_35] : memref<800000x32xf32, #tpu.memory_space<hbm>> -> memref<80x32xf32, #tpu.memory_space<hbm>>
        tpu.wait_dma2 semaphore(%run_scoped3A : memref<!tpu.dma_semaphore, #tpu.memory_space<semaphore_mem>>) src(%dma_wait3A_36 : memref<80x32xf32, #tpu.memory_space<hbm>>) dst(%arg12 : memref<80x32xf32, #tpu.memory_space<vmem>>)
        tpu.yield
      }) : () -> ()
    } else {
    }
    "tpu.region"() ({
      %run_scoped3A = tpu.sem_alloc : memref<!tpu.dma_semaphore, #tpu.memory_space<semaphore_mem>>
      %dma_start3A = arith.constant 0 : i32
      %dma_start3A_31 = arith.constant 0 : i32
      %dma_start3A_32 = tpu.memref_slice %arg8[%dma_start3A, %dma_start3A_31] : memref<50000x32xf32, #tpu.memory_space<vmem_shared>> -> memref<50000x32xf32, #tpu.memory_space<vmem_shared>>
      tpu.enqueue_indirect_dma source(%arg12 : memref<80x32xf32, #tpu.memory_space<vmem>>) target(%dma_start3A_32 : memref<50000x32xf32, #tpu.memory_space<vmem_shared>>) offsets(%arg11 : memref<80xi32, #tpu.memory_space<vmem>>) semaphore(%run_scoped3A : memref<!tpu.dma_semaphore, #tpu.memory_space<semaphore_mem>>) {add = true}
      %dma_wait3A = arith.constant 0 : i32
      %dma_wait3A_33 = arith.constant 0 : i32
      %dma_wait3A_34 = tpu.memref_slice %arg8[%dma_wait3A, %dma_wait3A_33] : memref<50000x32xf32, #tpu.memory_space<vmem_shared>> -> memref<50000x32xf32, #tpu.memory_space<vmem_shared>>
      tpu.wait_indirect_dma semaphore(%run_scoped3A : memref<!tpu.dma_semaphore, #tpu.memory_space<semaphore_mem>>) src(%arg12 : memref<80x32xf32, #tpu.memory_space<vmem>>) dst(%dma_wait3A_34 : memref<50000x32xf32, #tpu.memory_space<vmem_shared>>)
      tpu.yield
    }) : () -> ()
    %barrier3A_24 = arith.constant 0 : index
    tpu.barrier barrier_id(%barrier3A_24)
    %scan3A_25 = arith.constant 0 : i32
    %scan3A_26 = arith.constant 0 : i32
    %scan3A_27 = arith.constant 25 : i32
    %scan3A_28 = arith.addi %scan3A_26, %scan3A_27 : i32
    %scan3A_29 = arith.constant 1 : i32
    scf.for %scan3A_31 = %scan3A_26 to %scan3A_28 step %scan3A_29  : i32 {
      %mul3A_32 = arith.constant 125 : i32
      %mul3A_33 = arith.muli %scan3A_31, %mul3A_32 : i32
      %add3A_34 = arith.addi %mul3A_2, %mul3A_33 : i32
      "tpu.region"() ({
        %run_scoped3A = tpu.sem_alloc : memref<!tpu.dma_semaphore, #tpu.memory_space<semaphore_mem>>
        %dma_start3A = arith.constant 0 : i32
        %dma_start3A_45 = tpu.memref_slice %arg8[%add3A_34, %dma_start3A] : memref<50000x32xf32, #tpu.memory_space<vmem_shared>> -> memref<125x32xf32, #tpu.memory_space<vmem_shared>>
        %dma_start3A_46 = arith.constant 0 : i32
        %dma_start3A_47 = tpu.memref_slice %arg8[%add3A_34, %dma_start3A_46] : memref<50000x32xf32, #tpu.memory_space<vmem_shared>> -> memref<125x32xf32, #tpu.memory_space<vmem_shared>>
        tpu.enqueue_dma source(%dma_start3A_47 : memref<125x32xf32, #tpu.memory_space<vmem_shared>>) target(%arg13 : memref<125x32xf32, #tpu.memory_space<vmem>>) target_semaphore(%run_scoped3A : memref<!tpu.dma_semaphore, #tpu.memory_space<semaphore_mem>>)
        %dma_wait3A = arith.constant 0 : i32
        %dma_wait3A_48 = tpu.memref_slice %arg8[%add3A_34, %dma_wait3A] : memref<50000x32xf32, #tpu.memory_space<vmem_shared>> -> memref<125x32xf32, #tpu.memory_space<vmem_shared>>
        %dma_wait3A_49 = arith.constant 0 : i32
        %dma_wait3A_50 = tpu.memref_slice %arg8[%add3A_34, %dma_wait3A_49] : memref<50000x32xf32, #tpu.memory_space<vmem_shared>> -> memref<125x32xf32, #tpu.memory_space<vmem_shared>>
        tpu.wait_dma2 semaphore(%run_scoped3A : memref<!tpu.dma_semaphore, #tpu.memory_space<semaphore_mem>>) src(%dma_wait3A_50 : memref<125x32xf32, #tpu.memory_space<vmem_shared>>) dst(%arg13 : memref<125x32xf32, #tpu.memory_space<vmem>>)
        tpu.yield
      }) : () -> ()
      %eq3A_35 = arith.constant 0 : i32
      %eq3A_36 = arith.cmpi eq, %arg0, %eq3A_35 : i32
      %convert_element_type3A_37 = arith.extui %eq3A_36 : i1 to i32
      %cond3A_38 = arith.constant 0 : i32
      %cond3A_39 = arith.cmpi ne, %convert_element_type3A_37, %cond3A_38 : i32
      scf.if %cond3A_39 {
        "tpu.region"() ({
          %run_scoped3A = tpu.sem_alloc : memref<!tpu.dma_semaphore, #tpu.memory_space<semaphore_mem>>
          %dma_start3A = arith.constant 0 : i32
          %dma_start3A_45 = tpu.memref_slice %arg6[%add3A_34, %dma_start3A] : memref<50000x32xf32, #tpu.memory_space<hbm>> -> memref<125x32xf32, #tpu.memory_space<hbm>>
          %dma_start3A_46 = arith.constant 0 : i32
          %dma_start3A_47 = tpu.memref_slice %arg6[%add3A_34, %dma_start3A_46] : memref<50000x32xf32, #tpu.memory_space<hbm>> -> memref<125x32xf32, #tpu.memory_space<hbm>>
          tpu.enqueue_dma source(%arg13 : memref<125x32xf32, #tpu.memory_space<vmem>>) target(%dma_start3A_47 : memref<125x32xf32, #tpu.memory_space<hbm>>) target_semaphore(%run_scoped3A : memref<!tpu.dma_semaphore, #tpu.memory_space<semaphore_mem>>)
          %dma_wait3A = arith.constant 0 : i32
          %dma_wait3A_48 = tpu.memref_slice %arg6[%add3A_34, %dma_wait3A] : memref<50000x32xf32, #tpu.memory_space<hbm>> -> memref<125x32xf32, #tpu.memory_space<hbm>>
          %dma_wait3A_49 = arith.constant 0 : i32
          %dma_wait3A_50 = tpu.memref_slice %arg6[%add3A_34, %dma_wait3A_49] : memref<50000x32xf32, #tpu.memory_space<hbm>> -> memref<125x32xf32, #tpu.memory_space<hbm>>
          tpu.wait_dma2 semaphore(%run_scoped3A : memref<!tpu.dma_semaphore, #tpu.memory_space<semaphore_mem>>) src(%arg13 : memref<125x32xf32, #tpu.memory_space<vmem>>) dst(%dma_wait3A_50 : memref<125x32xf32, #tpu.memory_space<hbm>>)
          tpu.yield
        }) : () -> ()
      } else {
      }
      %eq3A_40 = arith.constant 1 : i32
      %eq3A_41 = arith.cmpi eq, %arg0, %eq3A_40 : i32
      %convert_element_type3A_42 = arith.extui %eq3A_41 : i1 to i32
      %cond3A_43 = arith.constant 0 : i32
      %cond3A_44 = arith.cmpi ne, %convert_element_type3A_42, %cond3A_43 : i32
      scf.if %cond3A_44 {
        "tpu.region"() ({
          %run_scoped3A = tpu.sem_alloc : memref<!tpu.dma_semaphore, #tpu.memory_space<semaphore_mem>>
          %dma_start3A = arith.constant 0 : i32
          %dma_start3A_45 = tpu.memref_slice %arg7[%add3A_34, %dma_start3A] : memref<50000x32xf32, #tpu.memory_space<hbm>> -> memref<125x32xf32, #tpu.memory_space<hbm>>
          %dma_start3A_46 = arith.constant 0 : i32
          %dma_start3A_47 = tpu.memref_slice %arg7[%add3A_34, %dma_start3A_46] : memref<50000x32xf32, #tpu.memory_space<hbm>> -> memref<125x32xf32, #tpu.memory_space<hbm>>
          tpu.enqueue_dma source(%arg13 : memref<125x32xf32, #tpu.memory_space<vmem>>) target(%dma_start3A_47 : memref<125x32xf32, #tpu.memory_space<hbm>>) target_semaphore(%run_scoped3A : memref<!tpu.dma_semaphore, #tpu.memory_space<semaphore_mem>>)
          %dma_wait3A = arith.constant 0 : i32
          %dma_wait3A_48 = tpu.memref_slice %arg7[%add3A_34, %dma_wait3A] : memref<50000x32xf32, #tpu.memory_space<hbm>> -> memref<125x32xf32, #tpu.memory_space<hbm>>
          %dma_wait3A_49 = arith.constant 0 : i32
          %dma_wait3A_50 = tpu.memref_slice %arg7[%add3A_34, %dma_wait3A_49] : memref<50000x32xf32, #tpu.memory_space<hbm>> -> memref<125x32xf32, #tpu.memory_space<hbm>>
          tpu.wait_dma2 semaphore(%run_scoped3A : memref<!tpu.dma_semaphore, #tpu.memory_space<semaphore_mem>>) src(%arg13 : memref<125x32xf32, #tpu.memory_space<vmem>>) dst(%dma_wait3A_50 : memref<125x32xf32, #tpu.memory_space<hbm>>)
          tpu.yield
        }) : () -> ()
      } else {
      }
    }
    %scan3A_30 = arith.constant 25 : i32
    return
  }
}

module attributes {stable_mosaic.version = 14 : i64} {
  func.func @_edge_body(%arg0: i32, %arg1: memref<6400x8xf32, #tpu.memory_space<vmem>>, %arg2: memref<6400x8xf32, #tpu.memory_space<vmem>>, %arg3: memref<32x4xf32, #tpu.memory_space<vmem>>, %arg4: memref<64x8xf32, #tpu.memory_space<vmem>>, %arg5: memref<64x64xf32, #tpu.memory_space<vmem>>, %arg6: memref<40x64xf32, #tpu.memory_space<vmem>>, %arg7: memref<6400x32xf32, #tpu.memory_space<vmem>>, %arg8: memref<6400x32xf32, #tpu.memory_space<vmem>>) attributes {dimension_semantics = [#tpu.dimension_semantics<arbitrary>], iteration_bounds = array<i64: 125>, scalar_prefetch = 0 : i64, scratch_operands = 0 : i64, tpu.core_type = #tpu.core_type<tc>, window_params = [{transform_indices = @transform_0, window_bounds = array<i64: 6400, 8>}, {transform_indices = @transform_1, window_bounds = array<i64: 6400, 8>}, {pipeline_mode = #tpu.pipeline_mode<synchronous>, transform_indices = @transform_2, window_bounds = array<i64: 32, 4>}, {pipeline_mode = #tpu.pipeline_mode<synchronous>, transform_indices = @transform_3, window_bounds = array<i64: 64, 8>}, {pipeline_mode = #tpu.pipeline_mode<synchronous>, transform_indices = @transform_4, window_bounds = array<i64: 64, 64>}, {pipeline_mode = #tpu.pipeline_mode<synchronous>, transform_indices = @transform_5, window_bounds = array<i64: 40, 64>}, {transform_indices = @transform_6, window_bounds = array<i64: 6400, 32>}, {transform_indices = @transform_7, window_bounds = array<i64: 6400, 32>}]} {
    %get3A = arith.constant 0 : index
    %get3A_0 = arith.constant 0 : index
    %get3A_1 = vector.load %arg1[%get3A, %get3A_0] : memref<6400x8xf32, #tpu.memory_space<vmem>>, vector<6400x8xf32>
    %slice3A = vector.extract_strided_slice %get3A_1 {offsets = [0, 0], sizes = [6400, 4], strides = [1, 1]} : vector<6400x8xf32> to vector<6400x4xf32>
    %transpose3A = tpu.transpose %slice3A, [1, 0] : vector<6400x4xf32> -> vector<4x6400xf32>
    %get3A_2 = arith.constant 0 : index
    %get3A_3 = arith.constant 0 : index
    %get3A_4 = vector.load %arg2[%get3A_2, %get3A_3] : memref<6400x8xf32, #tpu.memory_space<vmem>>, vector<6400x8xf32>
    %slice3A_5 = vector.extract_strided_slice %get3A_4 {offsets = [0, 0], sizes = [6400, 4], strides = [1, 1]} : vector<6400x8xf32> to vector<6400x4xf32>
    %transpose3A_6 = tpu.transpose %slice3A_5, [1, 0] : vector<6400x4xf32> -> vector<4x6400xf32>
    %slice3A_7 = vector.extract_strided_slice %transpose3A_6 {offsets = [0, 0], sizes = [3, 6400], strides = [1, 1]} : vector<4x6400xf32> to vector<3x6400xf32>
    %slice3A_8 = vector.extract_strided_slice %transpose3A {offsets = [0, 0], sizes = [3, 6400], strides = [1, 1]} : vector<4x6400xf32> to vector<3x6400xf32>
    %sub3A = arith.subf %slice3A_7, %slice3A_8 : vector<3x6400xf32>
    %slice3A_9 = vector.extract_strided_slice %sub3A {offsets = [0, 0], sizes = [1, 6400], strides = [1, 1]} : vector<3x6400xf32> to vector<1x6400xf32>
    %integer_pow3A = arith.mulf %slice3A_9, %slice3A_9 : vector<1x6400xf32>
    %slice3A_10 = vector.extract_strided_slice %sub3A {offsets = [1, 0], sizes = [1, 6400], strides = [1, 1]} : vector<3x6400xf32> to vector<1x6400xf32>
    %integer_pow3A_11 = arith.mulf %slice3A_10, %slice3A_10 : vector<1x6400xf32>
    %add3A = arith.addf %integer_pow3A, %integer_pow3A_11 : vector<1x6400xf32>
    %slice3A_12 = vector.extract_strided_slice %sub3A {offsets = [2, 0], sizes = [1, 6400], strides = [1, 1]} : vector<3x6400xf32> to vector<1x6400xf32>
    %integer_pow3A_13 = arith.mulf %slice3A_12, %slice3A_12 : vector<1x6400xf32>
    %add3A_14 = arith.addf %add3A, %integer_pow3A_13 : vector<1x6400xf32>
    %add3A_15 = arith.constant 9.99999996E-13 : f32
    %add3A_16 = vector.broadcast %add3A_15 : f32 to vector<1x6400xf32>
    %add3A_17 = arith.addf %add3A_14, %add3A_16 : vector<1x6400xf32>
    %sqrt3A = math.sqrt %add3A_17 : vector<1x6400xf32>
    %sqrt3A_18 = arith.constant 3.000000e+00 : f32
    %sqrt3A_19 = math.sqrt %sqrt3A_18 : f32
    %add3A_20 = arith.constant 9.99999993E-9 : f32
    %add3A_21 = vector.broadcast %add3A_20 : f32 to vector<1x6400xf32>
    %add3A_22 = arith.addf %sqrt3A, %add3A_21 : vector<1x6400xf32>
    %div3A = vector.broadcast %sqrt3A_19 : f32 to vector<1x6400xf32>
    %div3A_23 = arith.divf %div3A, %add3A_22 : vector<1x6400xf32>
    %mul3A = vector.broadcast %div3A_23 : vector<1x6400xf32> to vector<3x6400xf32>
    %mul3A_24 = arith.mulf %sub3A, %mul3A : vector<3x6400xf32>
    %add3A_25 = arith.constant 9.99999993E-9 : f32
    %add3A_26 = vector.broadcast %add3A_25 : f32 to vector<1x6400xf32>
    %add3A_27 = arith.addf %sqrt3A, %add3A_26 : vector<1x6400xf32>
    %iota3A = tpu.iota {dimensions = array<i32: 0>} : vector<8x1xi32>
    %convert_element_type3A = arith.sitofp %iota3A : vector<8x1xi32> to vector<8x1xf32>
    %add3A_28 = arith.constant 1.000000e+00 : f32
    %add3A_29 = vector.broadcast %add3A_28 : f32 to vector<8x1xf32>
    %add3A_30 = arith.addf %convert_element_type3A, %add3A_29 : vector<8x1xf32>
    %sqrt3A_31 = arith.constant 4.000000e-01 : f32
    %sqrt3A_32 = math.sqrt %sqrt3A_31 : f32
    %mul3A_33 = arith.constant 0.628318548 : f32
    %mul3A_34 = vector.broadcast %mul3A_33 : f32 to vector<8x1xf32>
    %mul3A_35 = arith.mulf %add3A_30, %mul3A_34 : vector<8x1xf32>
    %mul3A_36 = vector.broadcast %mul3A_35 : vector<8x1xf32> to vector<8x6400xf32>
    %mul3A_37 = vector.broadcast %add3A_27 : vector<1x6400xf32> to vector<8x6400xf32>
    %mul3A_38 = arith.mulf %mul3A_36, %mul3A_37 : vector<8x6400xf32>
    %sin3A = math.sin %mul3A_38 : vector<8x6400xf32>
    %mul3A_39 = vector.broadcast %sqrt3A_32 : f32 to vector<8x6400xf32>
    %mul3A_40 = arith.mulf %mul3A_39, %sin3A : vector<8x6400xf32>
    %div3A_41 = vector.broadcast %add3A_27 : vector<1x6400xf32> to vector<8x6400xf32>
    %div3A_42 = arith.divf %mul3A_40, %div3A_41 : vector<8x6400xf32>
    %mul3A_43 = arith.constant 2.000000e-01 : f32
    %mul3A_44 = vector.broadcast %mul3A_43 : f32 to vector<1x6400xf32>
    %mul3A_45 = arith.mulf %sqrt3A, %mul3A_44 : vector<1x6400xf32>
    %jit3A = arith.constant 0.000000e+00 : f32
    %jit3A_46 = arith.constant 1.000000e+00 : f32
    %max3A = vector.broadcast %jit3A : f32 to vector<1x6400xf32>
    %max3A_47 = arith.maximumf %max3A, %mul3A_45 : vector<1x6400xf32>
    %min3A = vector.broadcast %jit3A_46 : f32 to vector<1x6400xf32>
    %min3A_48 = arith.minimumf %min3A, %max3A_47 : vector<1x6400xf32>
    %integer_pow3A_49 = arith.mulf %min3A_48, %min3A_48 : vector<1x6400xf32>
    %integer_pow3A_50 = arith.mulf %integer_pow3A_49, %integer_pow3A_49 : vector<1x6400xf32>
    %integer_pow3A_51 = arith.mulf %integer_pow3A_49, %integer_pow3A_50 : vector<1x6400xf32>
    %mul3A_52 = arith.constant 2.800000e+01 : f32
    %mul3A_53 = vector.broadcast %mul3A_52 : f32 to vector<1x6400xf32>
    %mul3A_54 = arith.mulf %mul3A_53, %integer_pow3A_51 : vector<1x6400xf32>
    %sub3A_55 = arith.constant 1.000000e+00 : f32
    %sub3A_56 = vector.broadcast %sub3A_55 : f32 to vector<1x6400xf32>
    %sub3A_57 = arith.subf %sub3A_56, %mul3A_54 : vector<1x6400xf32>
    %integer_pow3A_58 = arith.mulf %min3A_48, %min3A_48 : vector<1x6400xf32>
    %integer_pow3A_59 = arith.mulf %min3A_48, %integer_pow3A_58 : vector<1x6400xf32>
    %integer_pow3A_60 = arith.mulf %integer_pow3A_58, %integer_pow3A_58 : vector<1x6400xf32>
    %integer_pow3A_61 = arith.mulf %integer_pow3A_59, %integer_pow3A_60 : vector<1x6400xf32>
    %mul3A_62 = arith.constant 4.800000e+01 : f32
    %mul3A_63 = vector.broadcast %mul3A_62 : f32 to vector<1x6400xf32>
    %mul3A_64 = arith.mulf %mul3A_63, %integer_pow3A_61 : vector<1x6400xf32>
    %add3A_65 = arith.addf %sub3A_57, %mul3A_64 : vector<1x6400xf32>
    %integer_pow3A_66 = arith.mulf %min3A_48, %min3A_48 : vector<1x6400xf32>
    %integer_pow3A_67 = arith.mulf %integer_pow3A_66, %integer_pow3A_66 : vector<1x6400xf32>
    %integer_pow3A_68 = arith.mulf %integer_pow3A_67, %integer_pow3A_67 : vector<1x6400xf32>
    %mul3A_69 = arith.constant 2.100000e+01 : f32
    %mul3A_70 = vector.broadcast %mul3A_69 : f32 to vector<1x6400xf32>
    %mul3A_71 = arith.mulf %mul3A_70, %integer_pow3A_68 : vector<1x6400xf32>
    %sub3A_72 = arith.subf %add3A_65, %mul3A_71 : vector<1x6400xf32>
    %lt3A = arith.constant 1.000000e+00 : f32
    %lt3A_73 = vector.broadcast %lt3A : f32 to vector<1x6400xf32>
    %lt3A_74 = arith.cmpf olt, %min3A_48, %lt3A_73 : vector<1x6400xf32>
    %jit3A_75 = arith.constant 0.000000e+00 : f32
    %broadcast_in_dim3A = vector.broadcast %jit3A_75 : f32 to vector<1x6400xf32>
    %select_n3A = arith.select %lt3A_74, %sub3A_72, %broadcast_in_dim3A : vector<1x6400xi1>, vector<1x6400xf32>
    %mul3A_76 = vector.broadcast %select_n3A : vector<1x6400xf32> to vector<8x6400xf32>
    %mul3A_77 = arith.mulf %div3A_42, %mul3A_76 : vector<8x6400xf32>
    %get3A_78 = arith.constant 0 : index
    %get3A_79 = arith.constant 0 : index
    %get3A_80 = vector.load %arg4[%get3A_78, %get3A_79] : memref<64x8xf32, #tpu.memory_space<vmem>>, vector<64x8xf32>
    %dot_general3A = arith.constant dense<0.000000e+00> : vector<64x6400xf32>
    %dot_general3A_81 = tpu.matmul %get3A_80, %mul3A_77, %dot_general3A {dimension_numbers = #tpu.dot_dimension_numbers<[1], [0], [0], [1], [0, 0, 1, 1], [], []>, transpose_lhs_hint = false} : vector<64x8xf32>, vector<8x6400xf32>, vector<64x6400xf32> -> vector<64x6400xf32>
    %tanh3A = math.tanh %dot_general3A_81 : vector<64x6400xf32>
    %get3A_82 = arith.constant 0 : index
    %get3A_83 = arith.constant 0 : index
    %get3A_84 = vector.load %arg5[%get3A_82, %get3A_83] : memref<64x64xf32, #tpu.memory_space<vmem>>, vector<64x64xf32>
    %dot_general3A_85 = arith.constant dense<0.000000e+00> : vector<64x6400xf32>
    %dot_general3A_86 = tpu.matmul %get3A_84, %tanh3A, %dot_general3A_85 {dimension_numbers = #tpu.dot_dimension_numbers<[1], [0], [0], [1], [0, 0, 1, 1], [], []>, transpose_lhs_hint = false} : vector<64x64xf32>, vector<64x6400xf32>, vector<64x6400xf32> -> vector<64x6400xf32>
    %tanh3A_87 = math.tanh %dot_general3A_86 : vector<64x6400xf32>
    %get3A_88 = arith.constant 0 : index
    %get3A_89 = arith.constant 0 : index
    %get3A_90 = vector.load %arg6[%get3A_88, %get3A_89] : memref<40x64xf32, #tpu.memory_space<vmem>>, vector<40x64xf32>
    %dot_general3A_91 = arith.constant dense<0.000000e+00> : vector<40x6400xf32>
    %dot_general3A_92 = tpu.matmul %get3A_90, %tanh3A_87, %dot_general3A_91 {dimension_numbers = #tpu.dot_dimension_numbers<[1], [0], [0], [1], [0, 0, 1, 1], [], []>, transpose_lhs_hint = false} : vector<40x64xf32>, vector<64x6400xf32>, vector<40x6400xf32> -> vector<40x6400xf32>
    %slice3A_93 = vector.extract_strided_slice %transpose3A {offsets = [3, 0], sizes = [1, 6400], strides = [1, 1]} : vector<4x6400xf32> to vector<1x6400xf32>
    %iota3A_94 = tpu.iota {dimensions = array<i32: 0>} : vector<4x1xi32>
    %convert_element_type3A_95 = arith.sitofp %iota3A_94 : vector<4x1xi32> to vector<4x1xf32>
    %eq3A = vector.broadcast %slice3A_93 : vector<1x6400xf32> to vector<4x6400xf32>
    %eq3A_96 = vector.broadcast %convert_element_type3A_95 : vector<4x1xf32> to vector<4x6400xf32>
    %eq3A_97 = arith.cmpf oeq, %eq3A, %eq3A_96 : vector<4x6400xf32>
    %convert_element_type3A_98 = arith.extui %eq3A_97 : vector<4x6400xi1> to vector<4x6400xi32>
    %convert_element_type3A_99 = arith.sitofp %convert_element_type3A_98 : vector<4x6400xi32> to vector<4x6400xf32>
    %get3A_100 = arith.constant 0 : index
    %get3A_101 = arith.constant 0 : index
    %get3A_102 = vector.load %arg3[%get3A_100, %get3A_101] : memref<32x4xf32, #tpu.memory_space<vmem>>, vector<32x4xf32>
    %dot_general3A_103 = arith.constant dense<0.000000e+00> : vector<32x6400xf32>
    %dot_general3A_104 = tpu.matmul %get3A_102, %convert_element_type3A_99, %dot_general3A_103 {dimension_numbers = #tpu.dot_dimension_numbers<[1], [0], [0], [1], [0, 0, 1, 1], [], []>, transpose_lhs_hint = false} : vector<32x4xf32>, vector<4x6400xf32>, vector<32x6400xf32> -> vector<32x6400xf32>
    %slice3A_105 = vector.extract_strided_slice %dot_general3A_92 {offsets = [0, 0], sizes = [32, 6400], strides = [1, 1]} : vector<40x6400xf32> to vector<32x6400xf32>
    %mul3A_106 = arith.mulf %slice3A_105, %dot_general3A_104 : vector<32x6400xf32>
    %mul3A_107 = arith.constant 2.500000e-01 : f32
    %mul3A_108 = vector.broadcast %mul3A_107 : f32 to vector<32x6400xf32>
    %mul3A_109 = arith.mulf %mul3A_106, %mul3A_108 : vector<32x6400xf32>
    %slice3A_110 = vector.extract_strided_slice %dot_general3A_92 {offsets = [32, 0], sizes = [8, 6400], strides = [1, 1]} : vector<40x6400xf32> to vector<8x6400xf32>
    %slice3A_111 = vector.extract_strided_slice %dot_general3A_104 {offsets = [0, 0], sizes = [8, 6400], strides = [1, 1]} : vector<32x6400xf32> to vector<8x6400xf32>
    %mul3A_112 = arith.mulf %slice3A_110, %slice3A_111 : vector<8x6400xf32>
    %mul3A_113 = arith.constant 2.500000e-01 : f32
    %mul3A_114 = vector.broadcast %mul3A_113 : f32 to vector<8x6400xf32>
    %mul3A_115 = arith.mulf %mul3A_112, %mul3A_114 : vector<8x6400xf32>
    %slice3A_116 = vector.extract_strided_slice %mul3A_24 {offsets = [0, 0], sizes = [1, 6400], strides = [1, 1]} : vector<3x6400xf32> to vector<1x6400xf32>
    %mul3A_117 = vector.broadcast %slice3A_116 : vector<1x6400xf32> to vector<8x6400xf32>
    %mul3A_118 = arith.mulf %mul3A_115, %mul3A_117 : vector<8x6400xf32>
    %slice3A_119 = vector.extract_strided_slice %mul3A_24 {offsets = [1, 0], sizes = [1, 6400], strides = [1, 1]} : vector<3x6400xf32> to vector<1x6400xf32>
    %mul3A_120 = vector.broadcast %slice3A_119 : vector<1x6400xf32> to vector<8x6400xf32>
    %mul3A_121 = arith.mulf %mul3A_115, %mul3A_120 : vector<8x6400xf32>
    %slice3A_122 = vector.extract_strided_slice %mul3A_24 {offsets = [2, 0], sizes = [1, 6400], strides = [1, 1]} : vector<3x6400xf32> to vector<1x6400xf32>
    %mul3A_123 = vector.broadcast %slice3A_122 : vector<1x6400xf32> to vector<8x6400xf32>
    %mul3A_124 = arith.mulf %mul3A_115, %mul3A_123 : vector<8x6400xf32>
    %broadcast_in_dim3A_125 = arith.constant 0.000000e+00 : f32
    %broadcast_in_dim3A_126 = vector.broadcast %broadcast_in_dim3A_125 : f32 to vector<8x6400xf32>
    %concatenate3A = tpu.concatenate %mul3A_118, %mul3A_121, %mul3A_124, %broadcast_in_dim3A_126 in 0 : vector<8x6400xf32>, vector<8x6400xf32>, vector<8x6400xf32>, vector<8x6400xf32> -> vector<32x6400xf32>
    %transpose3A_127 = tpu.transpose %mul3A_109, [1, 0] : vector<32x6400xf32> -> vector<6400x32xf32>
    %swap3A = arith.constant 0 : index
    %swap3A_128 = arith.constant 0 : index
    %swap3A_129 = vector.load %arg7[%swap3A, %swap3A_128] : memref<6400x32xf32, #tpu.memory_space<vmem>>, vector<6400x32xf32>
    tpu.vector_store %arg7[%swap3A, %swap3A_128], %transpose3A_127 {strides = array<i32>} : memref<6400x32xf32, #tpu.memory_space<vmem>>, vector<6400x32xf32>,
    %transpose3A_130 = tpu.transpose %concatenate3A, [1, 0] : vector<32x6400xf32> -> vector<6400x32xf32>
    %swap3A_131 = arith.constant 0 : index
    %swap3A_132 = arith.constant 0 : index
    %swap3A_133 = vector.load %arg8[%swap3A_131, %swap3A_132] : memref<6400x32xf32, #tpu.memory_space<vmem>>, vector<6400x32xf32>
    tpu.vector_store %arg8[%swap3A_131, %swap3A_132], %transpose3A_130 {strides = array<i32>} : memref<6400x32xf32, #tpu.memory_space<vmem>>, vector<6400x32xf32>,
    return
  }
  func.func @transform_0(%arg0: i32) -> (i32, i32) {
    %c0_i32 = arith.constant 0 : i32
    %c0_i32_0 = arith.constant 0 : i32
    return %arg0, %c0_i32 : i32, i32
  }
  func.func @transform_1(%arg0: i32) -> (i32, i32) {
    %c0_i32 = arith.constant 0 : i32
    %c0_i32_0 = arith.constant 0 : i32
    return %arg0, %c0_i32 : i32, i32
  }
  func.func @transform_2(%arg0: i32) -> (i32, i32) {
    %c0_i32 = arith.constant 0 : i32
    %c0_i32_0 = arith.constant 0 : i32
    %c0_i32_1 = arith.constant 0 : i32
    return %c0_i32, %c0_i32_0 : i32, i32
  }
  func.func @transform_3(%arg0: i32) -> (i32, i32) {
    %c0_i32 = arith.constant 0 : i32
    %c0_i32_0 = arith.constant 0 : i32
    %c0_i32_1 = arith.constant 0 : i32
    return %c0_i32, %c0_i32_0 : i32, i32
  }
  func.func @transform_4(%arg0: i32) -> (i32, i32) {
    %c0_i32 = arith.constant 0 : i32
    %c0_i32_0 = arith.constant 0 : i32
    %c0_i32_1 = arith.constant 0 : i32
    return %c0_i32, %c0_i32_0 : i32, i32
  }
  func.func @transform_5(%arg0: i32) -> (i32, i32) {
    %c0_i32 = arith.constant 0 : i32
    %c0_i32_0 = arith.constant 0 : i32
    %c0_i32_1 = arith.constant 0 : i32
    return %c0_i32, %c0_i32_0 : i32, i32
  }
  func.func @transform_6(%arg0: i32) -> (i32, i32) {
    %c0_i32 = arith.constant 0 : i32
    %c0_i32_0 = arith.constant 0 : i32
    return %arg0, %c0_i32 : i32, i32
  }
  func.func @transform_7(%arg0: i32) -> (i32, i32) {
    %c0_i32 = arith.constant 0 : i32
    %c0_i32_0 = arith.constant 0 : i32
    return %arg0, %c0_i32 : i32, i32
  }
}

module attributes {stable_mosaic.version = 14 : i64} {
  func.func @_node_body(%arg0: i32, %arg1: memref<2000x1xi32, #tpu.memory_space<vmem>>, %arg2: memref<2000x32xf32, #tpu.memory_space<vmem>>, %arg3: memref<2000x32xf32, #tpu.memory_space<vmem>>, %arg4: memref<4x32xf32, #tpu.memory_space<vmem>>, %arg5: memref<4x32xf32, #tpu.memory_space<vmem>>, %arg6: memref<32x32xf32, #tpu.memory_space<vmem>>, %arg7: memref<32x32xf32, #tpu.memory_space<vmem>>, %arg8: memref<8x32xf32, #tpu.memory_space<vmem>>, %arg9: memref<32x32xf32, #tpu.memory_space<vmem>>, %arg10: memref<32x32xf32, #tpu.memory_space<vmem>>, %arg11: memref<32x64xf32, #tpu.memory_space<vmem>>, %arg12: memref<64x32xf32, #tpu.memory_space<vmem>>, %arg13: memref<32x1xf32, #tpu.memory_space<vmem>>, %arg14: memref<2000x1xf32, #tpu.memory_space<vmem>>) attributes {dimension_semantics = [#tpu.dimension_semantics<arbitrary>], iteration_bounds = array<i64: 25>, scalar_prefetch = 0 : i64, scratch_operands = 0 : i64, tpu.core_type = #tpu.core_type<tc>, window_params = [{transform_indices = @transform_0, window_bounds = array<i64: 2000, 1>}, {transform_indices = @transform_1, window_bounds = array<i64: 2000, 32>}, {transform_indices = @transform_2, window_bounds = array<i64: 2000, 32>}, {pipeline_mode = #tpu.pipeline_mode<synchronous>, transform_indices = @transform_3, window_bounds = array<i64: 4, 32>}, {pipeline_mode = #tpu.pipeline_mode<synchronous>, transform_indices = @transform_4, window_bounds = array<i64: 4, 32>}, {pipeline_mode = #tpu.pipeline_mode<synchronous>, transform_indices = @transform_5, window_bounds = array<i64: 32, 32>}, {pipeline_mode = #tpu.pipeline_mode<synchronous>, transform_indices = @transform_6, window_bounds = array<i64: 32, 32>}, {pipeline_mode = #tpu.pipeline_mode<synchronous>, transform_indices = @transform_7, window_bounds = array<i64: 8, 32>}, {pipeline_mode = #tpu.pipeline_mode<synchronous>, transform_indices = @transform_8, window_bounds = array<i64: 32, 32>}, {pipeline_mode = #tpu.pipeline_mode<synchronous>, transform_indices = @transform_9, window_bounds = array<i64: 32, 32>}, {pipeline_mode = #tpu.pipeline_mode<synchronous>, transform_indices = @transform_10, window_bounds = array<i64: 32, 64>}, {pipeline_mode = #tpu.pipeline_mode<synchronous>, transform_indices = @transform_11, window_bounds = array<i64: 64, 32>}, {pipeline_mode = #tpu.pipeline_mode<synchronous>, transform_indices = @transform_12, window_bounds = array<i64: 32, 1>}, {transform_indices = @transform_13, window_bounds = array<i64: 2000, 1>}]} {
    %get3A = arith.constant 0 : index
    %get3A_0 = arith.constant 0 : index
    %get3A_1 = vector.load %arg1[%get3A, %get3A_0] : memref<2000x1xi32, #tpu.memory_space<vmem>>, vector<2000x1xi32>
    %iota3A = tpu.iota {dimensions = array<i32: 1>} : vector<1x4xi32>
    %eq3A = vector.broadcast %get3A_1 : vector<2000x1xi32> to vector<2000x4xi32>
    %eq3A_2 = vector.broadcast %iota3A : vector<1x4xi32> to vector<2000x4xi32>
    %eq3A_3 = arith.cmpi eq, %eq3A, %eq3A_2 : vector<2000x4xi32>
    %convert_element_type3A = arith.extui %eq3A_3 : vector<2000x4xi1> to vector<2000x4xi32>
    %convert_element_type3A_4 = arith.sitofp %convert_element_type3A : vector<2000x4xi32> to vector<2000x4xf32>
    %get3A_5 = arith.constant 0 : index
    %get3A_6 = arith.constant 0 : index
    %get3A_7 = vector.load %arg5[%get3A_5, %get3A_6] : memref<4x32xf32, #tpu.memory_space<vmem>>, vector<4x32xf32>
    %dot_general3A = arith.constant dense<0.000000e+00> : vector<2000x32xf32>
    %dot_general3A_8 = tpu.matmul %convert_element_type3A_4, %get3A_7, %dot_general3A {dimension_numbers = #tpu.dot_dimension_numbers<[1], [0], [0], [1], [0, 0, 1, 1], [], []>, transpose_lhs_hint = false} : vector<2000x4xf32>, vector<4x32xf32>, vector<2000x32xf32> -> vector<2000x32xf32>
    %get3A_9 = arith.constant 0 : index
    %get3A_10 = arith.constant 0 : index
    %get3A_11 = vector.load %arg4[%get3A_9, %get3A_10] : memref<4x32xf32, #tpu.memory_space<vmem>>, vector<4x32xf32>
    %dot_general3A_12 = arith.constant dense<0.000000e+00> : vector<2000x32xf32>
    %dot_general3A_13 = tpu.matmul %convert_element_type3A_4, %get3A_11, %dot_general3A_12 {dimension_numbers = #tpu.dot_dimension_numbers<[1], [0], [0], [1], [0, 0, 1, 1], [], []>, transpose_lhs_hint = false} : vector<2000x4xf32>, vector<4x32xf32>, vector<2000x32xf32> -> vector<2000x32xf32>
    %mul3A = arith.mulf %dot_general3A_8, %dot_general3A_13 : vector<2000x32xf32>
    %get3A_14 = arith.constant 0 : index
    %get3A_15 = arith.constant 0 : index
    %get3A_16 = vector.load %arg6[%get3A_14, %get3A_15] : memref<32x32xf32, #tpu.memory_space<vmem>>, vector<32x32xf32>
    %dot_general3A_17 = arith.constant dense<0.000000e+00> : vector<2000x32xf32>
    %dot_general3A_18 = tpu.matmul %mul3A, %get3A_16, %dot_general3A_17 {dimension_numbers = #tpu.dot_dimension_numbers<[1], [0], [0], [1], [0, 0, 1, 1], [], []>, transpose_lhs_hint = false} : vector<2000x32xf32>, vector<32x32xf32>, vector<2000x32xf32> -> vector<2000x32xf32>
    %get3A_19 = arith.constant 0 : index
    %get3A_20 = arith.constant 0 : index
    %get3A_21 = vector.load %arg3[%get3A_19, %get3A_20] : memref<2000x32xf32, #tpu.memory_space<vmem>>, vector<2000x32xf32>
    %slice3A = vector.extract_strided_slice %get3A_21 {offsets = [0, 0], sizes = [2000, 8], strides = [1, 1]} : vector<2000x32xf32> to vector<2000x8xf32>
    %integer_pow3A = arith.mulf %slice3A, %slice3A : vector<2000x8xf32>
    %slice3A_22 = vector.extract_strided_slice %get3A_21 {offsets = [0, 8], sizes = [2000, 8], strides = [1, 1]} : vector<2000x32xf32> to vector<2000x8xf32>
    %integer_pow3A_23 = arith.mulf %slice3A_22, %slice3A_22 : vector<2000x8xf32>
    %add3A = arith.addf %integer_pow3A, %integer_pow3A_23 : vector<2000x8xf32>
    %slice3A_24 = vector.extract_strided_slice %get3A_21 {offsets = [0, 16], sizes = [2000, 8], strides = [1, 1]} : vector<2000x32xf32> to vector<2000x8xf32>
    %integer_pow3A_25 = arith.mulf %slice3A_24, %slice3A_24 : vector<2000x8xf32>
    %add3A_26 = arith.addf %add3A, %integer_pow3A_25 : vector<2000x8xf32>
    %add3A_27 = arith.constant 9.99999993E-9 : f32
    %add3A_28 = vector.broadcast %add3A_27 : f32 to vector<2000x8xf32>
    %add3A_29 = arith.addf %add3A_26, %add3A_28 : vector<2000x8xf32>
    %sqrt3A = math.sqrt %add3A_29 : vector<2000x8xf32>
    %get3A_30 = arith.constant 0 : index
    %get3A_31 = arith.constant 0 : index
    %get3A_32 = vector.load %arg2[%get3A_30, %get3A_31] : memref<2000x32xf32, #tpu.memory_space<vmem>>, vector<2000x32xf32>
    %get3A_33 = arith.constant 0 : index
    %get3A_34 = arith.constant 0 : index
    %get3A_35 = vector.load %arg7[%get3A_33, %get3A_34] : memref<32x32xf32, #tpu.memory_space<vmem>>, vector<32x32xf32>
    %dot_general3A_36 = arith.constant dense<0.000000e+00> : vector<2000x32xf32>
    %dot_general3A_37 = tpu.matmul %get3A_32, %get3A_35, %dot_general3A_36 {dimension_numbers = #tpu.dot_dimension_numbers<[1], [0], [0], [1], [0, 0, 1, 1], [], []>, transpose_lhs_hint = false} : vector<2000x32xf32>, vector<32x32xf32>, vector<2000x32xf32> -> vector<2000x32xf32>
    %add3A_38 = arith.addf %dot_general3A_18, %dot_general3A_37 : vector<2000x32xf32>
    %get3A_39 = arith.constant 0 : index
    %get3A_40 = arith.constant 0 : index
    %get3A_41 = vector.load %arg8[%get3A_39, %get3A_40] : memref<8x32xf32, #tpu.memory_space<vmem>>, vector<8x32xf32>
    %dot_general3A_42 = arith.constant dense<0.000000e+00> : vector<2000x32xf32>
    %dot_general3A_43 = tpu.matmul %sqrt3A, %get3A_41, %dot_general3A_42 {dimension_numbers = #tpu.dot_dimension_numbers<[1], [0], [0], [1], [0, 0, 1, 1], [], []>, transpose_lhs_hint = false} : vector<2000x8xf32>, vector<8x32xf32>, vector<2000x32xf32> -> vector<2000x32xf32>
    %add3A_44 = arith.addf %add3A_38, %dot_general3A_43 : vector<2000x32xf32>
    %abs3A = math.absf %add3A_44 : vector<2000x32xf32>
    %tanh3A = math.tanh %abs3A : vector<2000x32xf32>
    %mul3A_45 = arith.mulf %add3A_44, %tanh3A : vector<2000x32xf32>
    %add3A_46 = arith.constant 9.99999993E-9 : f32
    %add3A_47 = vector.broadcast %add3A_46 : f32 to vector<2000x32xf32>
    %add3A_48 = arith.addf %abs3A, %add3A_47 : vector<2000x32xf32>
    %div3A = arith.divf %mul3A_45, %add3A_48 : vector<2000x32xf32>
    %get3A_49 = arith.constant 0 : index
    %get3A_50 = arith.constant 0 : index
    %get3A_51 = vector.load %arg9[%get3A_49, %get3A_50] : memref<32x32xf32, #tpu.memory_space<vmem>>, vector<32x32xf32>
    %dot_general3A_52 = arith.constant dense<0.000000e+00> : vector<2000x32xf32>
    %dot_general3A_53 = tpu.matmul %div3A, %get3A_51, %dot_general3A_52 {dimension_numbers = #tpu.dot_dimension_numbers<[1], [0], [0], [1], [0, 0, 1, 1], [], []>, transpose_lhs_hint = false} : vector<2000x32xf32>, vector<32x32xf32>, vector<2000x32xf32> -> vector<2000x32xf32>
    %abs3A_54 = math.absf %dot_general3A_53 : vector<2000x32xf32>
    %tanh3A_55 = math.tanh %abs3A_54 : vector<2000x32xf32>
    %mul3A_56 = arith.mulf %dot_general3A_53, %tanh3A_55 : vector<2000x32xf32>
    %add3A_57 = arith.constant 9.99999993E-9 : f32
    %add3A_58 = vector.broadcast %add3A_57 : f32 to vector<2000x32xf32>
    %add3A_59 = arith.addf %abs3A_54, %add3A_58 : vector<2000x32xf32>
    %div3A_60 = arith.divf %mul3A_56, %add3A_59 : vector<2000x32xf32>
    %get3A_61 = arith.constant 0 : index
    %get3A_62 = arith.constant 0 : index
    %get3A_63 = vector.load %arg10[%get3A_61, %get3A_62] : memref<32x32xf32, #tpu.memory_space<vmem>>, vector<32x32xf32>
    %dot_general3A_64 = arith.constant dense<0.000000e+00> : vector<2000x32xf32>
    %dot_general3A_65 = tpu.matmul %div3A_60, %get3A_63, %dot_general3A_64 {dimension_numbers = #tpu.dot_dimension_numbers<[1], [0], [0], [1], [0, 0, 1, 1], [], []>, transpose_lhs_hint = false} : vector<2000x32xf32>, vector<32x32xf32>, vector<2000x32xf32> -> vector<2000x32xf32>
    %abs3A_66 = math.absf %dot_general3A_65 : vector<2000x32xf32>
    %tanh3A_67 = math.tanh %abs3A_66 : vector<2000x32xf32>
    %mul3A_68 = arith.mulf %dot_general3A_65, %tanh3A_67 : vector<2000x32xf32>
    %add3A_69 = arith.constant 9.99999993E-9 : f32
    %add3A_70 = vector.broadcast %add3A_69 : f32 to vector<2000x32xf32>
    %add3A_71 = arith.addf %abs3A_66, %add3A_70 : vector<2000x32xf32>
    %div3A_72 = arith.divf %mul3A_68, %add3A_71 : vector<2000x32xf32>
    %add3A_73 = arith.addf %div3A_60, %div3A_72 : vector<2000x32xf32>
    %get3A_74 = arith.constant 0 : index
    %get3A_75 = arith.constant 0 : index
    %get3A_76 = vector.load %arg11[%get3A_74, %get3A_75] : memref<32x64xf32, #tpu.memory_space<vmem>>, vector<32x64xf32>
    %dot_general3A_77 = arith.constant dense<0.000000e+00> : vector<2000x64xf32>
    %dot_general3A_78 = tpu.matmul %add3A_73, %get3A_76, %dot_general3A_77 {dimension_numbers = #tpu.dot_dimension_numbers<[1], [0], [0], [1], [0, 0, 1, 1], [], []>, transpose_lhs_hint = false} : vector<2000x32xf32>, vector<32x64xf32>, vector<2000x64xf32> -> vector<2000x64xf32>
    %sqrt3A_79 = arith.constant 3.200000e+01 : f32
    %sqrt3A_80 = math.sqrt %sqrt3A_79 : f32
    %div3A_81 = arith.constant 1.000000e+00 : f32
    %div3A_82 = arith.divf %div3A_81, %sqrt3A_80 : f32
    %mul3A_83 = vector.broadcast %div3A_82 : f32 to vector<2000x64xf32>
    %mul3A_84 = arith.mulf %dot_general3A_78, %mul3A_83 : vector<2000x64xf32>
    %tanh3A_85 = math.tanh %mul3A_84 : vector<2000x64xf32>
    %get3A_86 = arith.constant 0 : index
    %get3A_87 = arith.constant 0 : index
    %get3A_88 = vector.load %arg12[%get3A_86, %get3A_87] : memref<64x32xf32, #tpu.memory_space<vmem>>, vector<64x32xf32>
    %dot_general3A_89 = arith.constant dense<0.000000e+00> : vector<2000x32xf32>
    %dot_general3A_90 = tpu.matmul %tanh3A_85, %get3A_88, %dot_general3A_89 {dimension_numbers = #tpu.dot_dimension_numbers<[1], [0], [0], [1], [0, 0, 1, 1], [], []>, transpose_lhs_hint = false} : vector<2000x64xf32>, vector<64x32xf32>, vector<2000x32xf32> -> vector<2000x32xf32>
    %sqrt3A_91 = arith.constant 6.400000e+01 : f32
    %sqrt3A_92 = math.sqrt %sqrt3A_91 : f32
    %div3A_93 = arith.constant 1.000000e+00 : f32
    %div3A_94 = arith.divf %div3A_93, %sqrt3A_92 : f32
    %mul3A_95 = vector.broadcast %div3A_94 : f32 to vector<2000x32xf32>
    %mul3A_96 = arith.mulf %dot_general3A_90, %mul3A_95 : vector<2000x32xf32>
    %tanh3A_97 = math.tanh %mul3A_96 : vector<2000x32xf32>
    %get3A_98 = arith.constant 0 : index
    %get3A_99 = arith.constant 0 : index
    %get3A_100 = vector.load %arg13[%get3A_98, %get3A_99] : memref<32x1xf32, #tpu.memory_space<vmem>>, vector<32x1xf32>
    %dot_general3A_101 = arith.constant dense<0.000000e+00> : vector<2000x1xf32>
    %dot_general3A_102 = tpu.matmul %tanh3A_97, %get3A_100, %dot_general3A_101 {dimension_numbers = #tpu.dot_dimension_numbers<[1], [0], [0], [1], [0, 0, 1, 1], [], []>, transpose_lhs_hint = false} : vector<2000x32xf32>, vector<32x1xf32>, vector<2000x1xf32> -> vector<2000x1xf32>
    %sqrt3A_103 = arith.constant 3.200000e+01 : f32
    %sqrt3A_104 = math.sqrt %sqrt3A_103 : f32
    %div3A_105 = arith.constant 1.000000e+00 : f32
    %div3A_106 = arith.divf %div3A_105, %sqrt3A_104 : f32
    %mul3A_107 = vector.broadcast %div3A_106 : f32 to vector<2000x1xf32>
    %mul3A_108 = arith.mulf %dot_general3A_102, %mul3A_107 : vector<2000x1xf32>
    %swap3A = arith.constant 0 : index
    %swap3A_109 = arith.constant 0 : index
    %swap3A_110 = vector.load %arg14[%swap3A, %swap3A_109] : memref<2000x1xf32, #tpu.memory_space<vmem>>, vector<2000x1xf32>
    tpu.vector_store %arg14[%swap3A, %swap3A_109], %mul3A_108 {strides = array<i32>} : memref<2000x1xf32, #tpu.memory_space<vmem>>, vector<2000x1xf32>,
    return
  }
  func.func @transform_0(%arg0: i32) -> (i32, i32) {
    %c0_i32 = arith.constant 0 : i32
    %c0_i32_0 = arith.constant 0 : i32
    return %arg0, %c0_i32 : i32, i32
  }
  func.func @transform_1(%arg0: i32) -> (i32, i32) {
    %c0_i32 = arith.constant 0 : i32
    %c0_i32_0 = arith.constant 0 : i32
    return %arg0, %c0_i32 : i32, i32
  }
  func.func @transform_2(%arg0: i32) -> (i32, i32) {
    %c0_i32 = arith.constant 0 : i32
    %c0_i32_0 = arith.constant 0 : i32
    return %arg0, %c0_i32 : i32, i32
  }
  func.func @transform_3(%arg0: i32) -> (i32, i32) {
    %c0_i32 = arith.constant 0 : i32
    %c0_i32_0 = arith.constant 0 : i32
    %c0_i32_1 = arith.constant 0 : i32
    return %c0_i32, %c0_i32_0 : i32, i32
  }
  func.func @transform_4(%arg0: i32) -> (i32, i32) {
    %c0_i32 = arith.constant 0 : i32
    %c0_i32_0 = arith.constant 0 : i32
    %c0_i32_1 = arith.constant 0 : i32
    return %c0_i32, %c0_i32_0 : i32, i32
  }
  func.func @transform_5(%arg0: i32) -> (i32, i32) {
    %c0_i32 = arith.constant 0 : i32
    %c0_i32_0 = arith.constant 0 : i32
    %c0_i32_1 = arith.constant 0 : i32
    return %c0_i32, %c0_i32_0 : i32, i32
  }
  func.func @transform_6(%arg0: i32) -> (i32, i32) {
    %c0_i32 = arith.constant 0 : i32
    %c0_i32_0 = arith.constant 0 : i32
    %c0_i32_1 = arith.constant 0 : i32
    return %c0_i32, %c0_i32_0 : i32, i32
  }
  func.func @transform_7(%arg0: i32) -> (i32, i32) {
    %c0_i32 = arith.constant 0 : i32
    %c0_i32_0 = arith.constant 0 : i32
    %c0_i32_1 = arith.constant 0 : i32
    return %c0_i32, %c0_i32_0 : i32, i32
  }
  func.func @transform_8(%arg0: i32) -> (i32, i32) {
    %c0_i32 = arith.constant 0 : i32
    %c0_i32_0 = arith.constant 0 : i32
    %c0_i32_1 = arith.constant 0 : i32
    return %c0_i32, %c0_i32_0 : i32, i32
  }
  func.func @transform_9(%arg0: i32) -> (i32, i32) {
    %c0_i32 = arith.constant 0 : i32
    %c0_i32_0 = arith.constant 0 : i32
    %c0_i32_1 = arith.constant 0 : i32
    return %c0_i32, %c0_i32_0 : i32, i32
  }
  func.func @transform_10(%arg0: i32) -> (i32, i32) {
    %c0_i32 = arith.constant 0 : i32
    %c0_i32_0 = arith.constant 0 : i32
    %c0_i32_1 = arith.constant 0 : i32
    return %c0_i32, %c0_i32_0 : i32, i32
  }
  func.func @transform_11(%arg0: i32) -> (i32, i32) {
    %c0_i32 = arith.constant 0 : i32
    %c0_i32_0 = arith.constant 0 : i32
    %c0_i32_1 = arith.constant 0 : i32
    return %c0_i32, %c0_i32_0 : i32, i32
  }
  func.func @transform_12(%arg0: i32) -> (i32, i32) {
    %c0_i32 = arith.constant 0 : i32
    %c0_i32_0 = arith.constant 0 : i32
    %c0_i32_1 = arith.constant 0 : i32
    return %c0_i32, %c0_i32_0 : i32, i32
  }
  func.func @transform_13(%arg0: i32) -> (i32, i32) {
    %c0_i32 = arith.constant 0 : i32
    %c0_i32_0 = arith.constant 0 : i32
    return %arg0, %c0_i32 : i32, i32
  }
}

</mosaic_0001>

<sc_bundles>
// kernel: kernel.6.cloned.1.call-start
scs
__scs_entry_jumppad:
0x0: {  	(pc) =	sbr.rel $0x88, $3  }
0x1: {  	(tag) =	ssettag $0x0;
	lr =	simm.s32 $0x1  }
0x2: {  	[smem:$0x3F91] =	sst lr;
	_ =	strace $0xD0000000  }
0x3: {  	_ = 	snop  }
0x4: {  	_ = 	snop  }
0x5: {  	_ = 	snop  }
0x6: {  	_ = 	snop  }
0x7: {  	_ = 	snop  }
__scs_overlays_trampoline_lowered:
0x8: {  	[smem:$0x3FA0] =	sst s0  }
0x9: {  	[smem:$0x3FA1] =	sst s1  }
0xa: {  	[smem:$0x3FA2] =	sst s2  }
0xb: {  	[smem:$0x3FA3] =	sst s3  }
0xc: {  	[smem:$0x3FA4] =	sst s4  }
0xd: {  	[smem:$0x3FA5] =	sst s5  }
0xe: {  	[smem:$0x3FA6] =	sst s6  }
0xf: {  	[smem:$0x3FA7] =	sst s7  }
0x10: {  	[smem:$0x3FA8] =	sst s8  }
0x11: {  	[smem:$0x3FA9] =	sst s9;
	s0 =	simm.s32 @!p0 $0x0  }
0x12: {  	s1 =	sld [smem:$0x3F8F];
	s0 =	simm.s32 @p0 $0x1  }
0x13: {  	[smem:$0x3FAA] =	sst s0;
	s0 =	simm.s32 @!p1 $0x0  }
0x14: {  	s2 =	sld [smem:$0x3F8E];
	s0 =	simm.s32 @p1 $0x1  }
0x15: {  	[smem:$0x3FAB] =	sst s0;
	s0 =	simm.s32 @!p2 $0x0  }
0x16: {  	s3 =	sld [smem:$0x3FDB];
	s0 =	simm.s32 @p2 $0x1  }
0x17: {  	s4 =	simm.s32 $0x1BF5;
	[smem:$0x3FAD] =	sst s0  }
0x18: {  	s0 =	sld [smem:$0x3F90];
	_ =	swait.ge [sflag:s4], $0x0  }
0x19: {  	s7 =	sld [smem:$0x3F91]  }
0x1a: {  	s8 =	sadd.s32 $0xFFFFE003, lr  }
0x1b: {  	s9 =	sadd.s32 $0xFFFFFEF7, lr;
	s5 =	simm.s32 $0xFFFFFFFF;
	p2 =	slt.u32 s8, $0xFFFFF086  }
0x1c: {  	p1 =	slt.u32 s9, $0xF7A;
	s5 =	simm.s32 @!p2 $0x0  }
0x1d: {  	s5 =	simm.s32 @p1 $0x1;
	p0 =	seq.s32 s7, s2  }
0x1e: {  	s7 =	smul.u32 @!p0 $0xF7A, s2;
	p2 =	seq.s32 @!p0 s5, $0x0  }
0x1f: {  	s9 =	smul.u32 $0xF7A, s1;
	s8 =	simm.s32 @!p0 $0x1BF5;
	p2 =	por !p2, p0  }
0x20: {  	[sflag:s8] =	ssyncset.s32 @!p0 $0xFFFFF086;
	s6 =	sadd.s32 @!p0 s3, s7;
	s7 =	simm.s32 @!p0 $0x108  }
0x21: {  	s3 =	sadd.s32 s3, s9;
	s6 =	sadd.s32 @!p0 $0x88, s6;
	s7 =	simm.s32 @p2 $0x1082  }
0x22: {  	[simem:s7], [sflag:s8] =	dma.local @!p0 [hbm:s6], $0xF7A  }
0x23: {  	s9 =	sor.u32 $0xD0000000, s2;
	s6 =	simm.s32 $0x108;
	_ =	swait.ge @!p0 [sflag:s8], $0x0  }
0x24: {  	s3 =	sadd.s32 $0x88, s3;
	s6 =	simm.s32 @!p1 $0x1082;
	[sflag:s4] =	ssyncset.s32 $0xFFFFF086  }
0x25: {  	[simem:s6], [sflag:s4] =	dma.local [hbm:s3], $0xF7A  }
0x26: {  	[smem:$0x3F91] =	sst s1;
	(tag) =	ssettag s2;
	_ =	strace s9  }
0x27: {  	s1 =	sld [smem:$0x3FA1]  }
0x28: {  	s2 =	sld [smem:$0x3FA2]  }
0x29: {  	s4 =	sld [smem:$0x3FA4]  }
0x2a: {  	p0 =	seq.s32 s5, $0x0;
	s5 =	sld [smem:$0x3FA5]  }
0x2b: {  	s6 =	sld [smem:$0x3FA6]  }
0x2c: {  	s7 =	sld [smem:$0x3FA7]  }
0x2d: {  	s3 =	simm.s32 $0x108;
	s8 =	sld [smem:$0x3FA8]  }
0x2e: {  	s3 =	simm.s32 @!p0 $0x1082;
	s9 =	sld [smem:$0x3FA9]  }
0x2f: {  	lr =	sadd.s32 s0, s3;
	s0 =	sld [smem:$0x3FA0]  }
0x30: {  	s3 =	sld [smem:$0x3FA3]  }
0x31: {  	[smem:$0x3FAC] =	sst s10  }
0x32: {  	s10 =	sld [smem:$0x3FAA];
	_ =	sdelay $0x3  }
0x33: {  	p0 =	seq.s32 s10, $0x1;
	s10 =	sld [smem:$0x3FAC];
	_ =	sdelay $0x3  }
0x34: {  	[smem:$0x3FAC] =	sst s10  }
0x35: {  	s10 =	sld [smem:$0x3FAB];
	_ =	sdelay $0x3  }
0x36: {  	p1 =	seq.s32 s10, $0x1;
	s10 =	sld [smem:$0x3FAC];
	_ =	sdelay $0x3  }
0x37: {  	[smem:$0x3FAC] =	sst s10  }
0x38: {  	s10 =	sld [smem:$0x3FAD]  }
0x39: {  	_ = 	snop;
	(pc) =	sbr.ind lr, $3  }
0x3a: {  	_ = 	snop  }
0x3b: {  	_ = 	snop  }
0x3c: {  	p2 =	seq.s32 s10, $0x1;
	s10 =	sld [smem:$0x3FAC]  }
0x3d: {  	_ =	shalt  }
0x3e: {  	_ =	shalt  }
0x3f: {  	_ =	shalt  }
0x40: {  	_ =	shalt  }
0x41: {  	_ =	shalt  }
0x42: {  	_ =	shalt  }
0x43: {  	_ =	shalt  }
0x44: {  	_ =	shalt  }
0x45: {  	_ =	shalt  }
0x46: {  	_ =	shalt  }
0x47: {  	_ =	shalt  }
0x48: {  	_ =	shalt  }
0x49: {  	_ =	shalt  }
0x4a: {  	_ =	shalt  }
0x4b: {  	_ =	shalt  }
0x4c: {  	_ =	shalt  }
0x4d: {  	_ =	shalt  }
0x4e: {  	_ =	shalt  }
0x4f: {  	_ =	shalt  }
0x50: {  	_ =	shalt  }
0x51: {  	_ =	shalt  }
0x52: {  	_ =	shalt  }
0x53: {  	_ =	shalt  }
0x54: {  	_ =	shalt  }
0x55: {  	_ =	shalt  }
0x56: {  	_ =	shalt  }
0x57: {  	_ =	shalt  }
0x58: {  	_ =	shalt  }
0x59: {  	_ =	shalt  }
0x5a: {  	_ =	shalt  }
0x5b: {  	_ =	shalt  }
0x5c: {  	_ =	shalt  }
0x5d: {  	_ =	shalt  }
0x5e: {  	_ =	shalt  }
0x5f: {  	_ =	shalt  }
0x60: {  	_ =	shalt  }
0x61: {  	_ =	shalt  }
0x62: {  	_ =	shalt  }
0x63: {  	_ =	shalt  }
0x64: {  	_ =	shalt  }
0x65: {  	_ =	shalt  }
0x66: {  	_ =	shalt  }
0x67: {  	_ =	shalt  }
0x68: {  	_ =	shalt  }
0x69: {  	_ =	shalt  }
0x6a: {  	_ =	shalt  }
0x6b: {  	_ =	shalt  }
0x6c: {  	_ =	shalt  }
0x6d: {  	_ =	shalt  }
0x6e: {  	_ =	shalt  }
0x6f: {  	_ =	shalt  }
0x70: {  	_ =	shalt  }
0x71: {  	_ =	shalt  }
0x72: {  	_ =	shalt  }
0x73: {  	_ =	shalt  }
0x74: {  	_ =	shalt  }
0x75: {  	_ =	shalt  }
0x76: {  	_ =	shalt  }
0x77: {  	_ =	shalt  }
0x78: {  	_ =	shalt  }
0x79: {  	_ =	shalt  }
0x7a: {  	_ =	shalt  }
0x7b: {  	_ =	shalt  }
0x7c: {  	_ =	shalt  }
0x7d: {  	_ =	shalt  }
0x7e: {  	_ =	shalt  }
0x7f: {  	_ =	shalt  }
0x80: {  	_ =	shalt  }
0x81: {  	_ =	shalt  }
0x82: {  	_ =	shalt  }
0x83: {  	_ =	shalt  }
0x84: {  	_ =	shalt  }
0x85: {  	_ =	shalt  }
0x86: {  	_ =	shalt  }
0x87: {  	_ =	shalt  }
.Lfunc_end0:
.L_simem_size_0:
called_computation_lowered:
.L_overlay_start_0:
0x88: {  	s2 =	sld [smem:$0x3FD9]  }
0x89: {  	s3 =	sld [smem:$0x3FFE];
	_ =	sdelay $0x1  }
0x8a: {  	s1 =	srdreg.scid  }
0x8b: {  	s0 =	sand.u32 $0x1, s1  }
0x8c: {  	s16 =	sshll.u32 s0, $0xA;
	s2 =	sadd.s32 s3, s2  }
0x8d: {  	s2 =	sadd.s32 s2, s16  }
0x8e: {  	[smem:$0x3FB8] =	sst s2  }
0x8f: {  	_ = 	snop  }
0x90: {  	(tm) =	ssettm $0x1  }
0x91: {  	s17 =	sld [smem:$0x3FFB];
	_ =	sdelay $0x3  }
0x92: {  	_ =	strace s17  }
0x93: {  	s2 =	sld [smem:$0x3FFC];
	_ =	sdelay $0x3  }
0x94: {  	_ =	strace s2  }
0x95: {  	s2 =	sld [smem:$0x3FFD];
	_ =	sdelay $0x3  }
0x96: {  	_ =	strace s2  }
0x97: {  	_ =	strace $0x8FFFFFFF  }
0x98: {  	s18 =	sld [smem:$0x3FDB];
	_ =	sdelay $0x1  }
0x99: {  	s19 =	simm.s32 $_scs_section_size  }
0x9a: {  	s4 =	simm.s32 $_size__tile_overlayer_lowered;
	s5 =	simm.s32 $_tile_overlayer_lowered  }
0x9b: {  	s22 =	simm.s32 $0x1BFF;
	s21 =	sshll.u32 s5, $0x1;
	s2 =	sadd.s32 s19, s18  }
0x9c: {  	s6 =	simm.s32 $0x0;
	s20 =	sshll.u32 s4, $0x1;
	s4 =	sadd.s32 s21, s2  }
0x9d: {  	[timem:s6], [sflag:s22] =	dma.local [hbm:s4], s20  }
0x9e: {  	_ =	swait.ge [sflag:s22], s20  }
0x9f: {  	s3 =	ssub.s32 $0x0, s20;
	[sflag:s22] =	ssyncset.done $0x0  }
0xa0: {  	[sflag:s22] =	ssyncadd.s32 s3;
	_ =	sdelay $0x1  }
0xa1: {  	s23 =	simm.s32 $0x1B8B  }
0xa2: {  	_ =	swait.ge [sflag:s23], $0x1  }
0xa3: {  	[sflag:s23] =	ssyncset.done $0x0  }
0xa4: {  	s25 =	simm.s32 $0x1B8E;
	s24 =	sld [smem:$0x3FFE];
	[sflag:s23] =	ssyncadd.s32 $0xFFFFFFFF  }
0xa5: {  	s26 =	simm.s32 $execute0_lowered;
	[smem:$0x3FD2] =	sst s25  }
0xa6: {  	s4 =	sshll.u32 s26, $0x1;
	_ =	strace $0x80000046;
	[dreg:$0x1] =	wrdreg $0xFFFFFFFF  }
0xa7: {  	s28 =	simm.s32 $_size_execute0_lowered;
	s2 =	sadd.s32 s2, s4;
	[dreg:$0x0] =	wrdreg $0x0  }
0xa8: {  	s4 =	sshll.u32 s28, $0x1;
	[dreg:$0x2] =	wrdreg s2  }
0xa9: {  	[dreg:$0x3] =	wrdreg s4  }
0xaa: {  	[dreg:$0x4] =	wrdreg $0xC0  }
0xab: {  	_ =	task [dreg:s6], $0x5FFFF  }
0xac: {  	[dreg:$0x1] =	wrdreg $0xFFFFFFFF  }
0xad: {  	[dreg:$0x0] =	wrdreg $0x60  }
0xae: {  	[dreg:$0x2] =	wrdreg s24  }
0xaf: {  	[dreg:$0x3] =	wrdreg $0x9  }
0xb0: {  	_ =	task.clear_ibuf [dreg:s6], $0x4FFFF;
	_ =	strace $0x90000046  }
0xb1: {  	s29 =	simm.s32 $0x9;
	_ =	strace $0x80000048  }
0xb2: {  	_ =	swait.ge [sflag:s29], $0x1  }
0xb3: {  	[sflag:s29] =	ssyncadd.s32 $0xFFFFFFFF  }
0xb4: {  	_ =	strace $0x90000048  }
0xb5: {  	_ =	sfence  }
0xb6: {  	s30 =	sld [smem:$0x0];
	_ =	sdelay $0x2  }
0xb7: {  	s31 =	sshll.u32 s1, $0xD;
	s1 =	sshrl.u32 s1, $0x2  }
0xb8: {  	s3 =	sand.u32 $0x4000, s31;
	s1 =	sadd.s32 s1, s30  }
0xb9: {  	s0 =	sor.u32 s3, s0;
	s1 =	sshll.u32 s1, $0x11  }
0xba: {  	s0 =	sor.u32 s1, s0  }
0xbb: {  	s0 =	sadd.s32 $0x8F2B, s0  }
0xbc: {  	[sflag:s0] =	ssyncadd.remote.s32 $0x1  }
0xbd: {  	_ =	sfence.sel $0xFFFF  }
0xbe: {  	[dreg:$0x0] =	wrdreg $0xFFFFFFFF;
	(pc) =	sbr.abs _section_cstart, $3  }
0xbf: {  	[dreg:$0x1] =	wrdreg $0xFFFFFFFF  }
0xc0: {  	_ =	task.clear_ibuf [dreg:s6], $0x2FFFF;
	_ =	strace $0x9FFFFFFF  }
0xc1: {  	(tm) =	ssettm $0x7FFFFFFF  }
tec
execute0_lowered:
.L_overlay_start_1:
0x0: {  	(tag) =	ssettag $0x1  }
0x1: {  	s0 =	rddreg [dreg:$0x0]  }
0x2: {  	s2 =	simm.s32 $0x0;
	s1 =	srdreg.scid;
	s10 =	stileid.u32  }
0x3: {  	[smem:$0x7FF] =	sst s2;
	s1 =	sand.u32 $0x1, s1;
	s3 =	sshll.u32 s10, $0x1  }
0x4: {  	s5 =	sadd.s32 $0x3A00, s0;
	s6 =	sadd.s32 $0x104200, s0;
	s10 =	smul.u32 $0xC350, s10  }
0x5: {  	s4 =	sor.u32 s1, s3;
	s7 =	ssub.s32 $0x2, s1;
	s1 =	smul.u32 $0x61A8, s1  }
0x6: {  	_ =	strace $0x80000047;
	s4 =	smul.u32 $0x61A8, s4;
	s8 =	sshrl.u32 s7, $0x1  }
0x7: {  	s3 =	sadd.s32 $0x34800, s0;
	s0 =	sadd.s32 $0x40C00, s0;
	s7 =	ssub.s32 s7, s8  }
0x8: {  	s1 =	sadd.s32 s1, s10;
	s9 =	sadd.s32 $0x59A8, s4;
	s7 =	smax.u32 s7, $0x1  }
0x9: {  	s4 =	sadd.s32 $0xC8EA8, s4;
	s25 =	sadd.s32 s6, s9;
	[dreg:$0x8] =	wrdreg s7  }
0xa: {  	s28 =	sshrl.u32 s1, $0x3;
	s26 =	sadd.s32 s0, s9;
	[dreg:$0x5] =	wrdreg s25  }
0xb: {  	s29 =	sadd.s32 $0xC3500, s1;
	s0 =	sadd.s32 s0, s1;
	[dreg:$0x7] =	wrdreg s26  }
0xc: {  	s11 =	sshrl.u32 s9, $0x3;
	s1 =	sadd.s32 s6, s1;
	[dreg:$0x9] =	wrdreg s0  }
0xd: {  	s4 =	sshrl.u32 s4, $0x3;
	s24 =	sadd.s32 s5, s11;
	[dreg:$0xa] =	wrdreg s1  }
0xe: {  	s30 =	sshrl.u32 s29, $0x3;
	s4 =	sadd.s32 s5, s4;
	[dreg:$0x4] =	wrdreg s24  }
0xf: {  	s31 =	sadd.s32 s30, s5;
	[dreg:$0x6] =	wrdreg s4  }
0x10: {  	s12 =	simm.s32 $0x80;
	s4 =	sadd.s32 s28, s5;
	[dreg:$0x3] =	wrdreg s31  }
0x11: {  	s17 =	simm.s32 $0x1;
	s0 =	simm.s32 $0x0;
	[dreg:$0x2] =	wrdreg s4  }
.LBB2_1:
0x12: {  	[dreg:$0xb] =	wrdreg s0  }
0x13: {  	s18 =	rddreg [dreg:$0x2]  }
0x14: {  	s11 =	simm.s32 $0x0;
	s28 =	simm.s32 $0x2;
	s18 =	sadd.s32 $0x0, s18  }
0x15: {  	[tilespmem:s11], [sflag:$0x2] =	stream.linear.gather [hbm4b:s18+s11], $0x800, $0x38;
	[tilespmem:$0x4800] =	vst v63  }
0x16: {  	_ =	swait.ge [sflag:s28], $0x800  }
0x17: {  	[sflag:s28] =	ssyncset.done $0x0  }
0x18: {  	s2 =	simm.s32 $0x800;
	[sflag:s28] =	ssyncadd.s32 $0xFFFFF800  }
0x19: {  	[tilespmem:s2], [sflag:$0x1] =	stream.indirect.gather [hbm4b:s3+s12], $0x8, s11, s12, $0xb8;
	[tilespmem:$0x4800] =	vst v63  }
0x1a: {  	s19 =	simm.s32 $0xC00  }
0x1b: {  	[tilespmem:s19], [sflag:$0x1] =	stream.indirect.gather [hbm4b:s3+s12], $0x8, s12, s12, $0xb8;
	[tilespmem:$0x4800] =	vst v63  }
0x1c: {  	s21 =	simm.s32 $0x100;
	s22 =	simm.s32 $0x1000  }
0x1d: {  	[tilespmem:s22], [sflag:$0x1] =	stream.indirect.gather [hbm4b:s3+s12], $0x8, s21, s12, $0xb8;
	[tilespmem:$0x4800] =	vst v63  }
0x1e: {  	s23 =	simm.s32 $0x180;
	s24 =	simm.s32 $0x1400  }
0x1f: {  	[tilespmem:s24], [sflag:$0x1] =	stream.indirect.gather [hbm4b:s3+s12], $0x8, s23, s12, $0xb8;
	[tilespmem:$0x4800] =	vst v63  }
0x20: {  	s25 =	simm.s32 $0x200;
	s26 =	simm.s32 $0x1800  }
0x21: {  	[tilespmem:s26], [sflag:$0x1] =	stream.indirect.gather [hbm4b:s3+s12], $0x8, s25, s12, $0xb8;
	[tilespmem:$0x4800] =	vst v63  }
0x22: {  	s15 =	simm.s32 $0x280;
	s1 =	simm.s32 $0x1C00  }
0x23: {  	[tilespmem:s1], [sflag:$0x1] =	stream.indirect.gather [hbm4b:s3+s12], $0x8, s15, s12, $0xb8;
	[tilespmem:$0x4800] =	vst v63  }
0x24: {  	s16 =	simm.s32 $0x300;
	s5 =	simm.s32 $0x2000  }
0x25: {  	[tilespmem:s5], [sflag:$0x1] =	stream.indirect.gather [hbm4b:s3+s12], $0x8, s16, s12, $0xb8;
	[tilespmem:$0x4800] =	vst v63  }
0x26: {  	s7 =	simm.s32 $0x2400;
	s18 =	simm.s32 $0x380  }
0x27: {  	[tilespmem:s7], [sflag:$0x1] =	stream.indirect.gather [hbm4b:s3+s12], $0x8, s18, s12, $0xb8;
	[tilespmem:$0x4800] =	vst v63  }
0x28: {  	s8 =	simm.s32 $0x400;
	s9 =	simm.s32 $0x2800  }
0x29: {  	[tilespmem:s9], [sflag:$0x1] =	stream.indirect.gather [hbm4b:s3+s12], $0x8, s8, s12, $0xb8;
	[tilespmem:$0x4800] =	vst v63  }
0x2a: {  	s10 =	simm.s32 $0x480;
	s14 =	simm.s32 $0x2C00  }
0x2b: {  	[tilespmem:s14], [sflag:$0x1] =	stream.indirect.gather [hbm4b:s3+s12], $0x8, s10, s12, $0xb8;
	[tilespmem:$0x4800] =	vst v63  }
0x2c: {  	s15 =	simm.s32 $0x500;
	s16 =	simm.s32 $0x3000  }
0x2d: {  	[tilespmem:s16], [sflag:$0x1] =	stream.indirect.gather [hbm4b:s3+s12], $0x8, s15, s12, $0xb8;
	[tilespmem:$0x4800] =	vst v63  }
0x2e: {  	s13 =	simm.s32 $0x580;
	s29 =	simm.s32 $0x3400  }
0x2f: {  	[tilespmem:s29], [sflag:$0x1] =	stream.indirect.gather [hbm4b:s3+s12], $0x8, s13, s12, $0xb8;
	[tilespmem:$0x4800] =	vst v63  }
0x30: {  	s30 =	simm.s32 $0x600;
	s31 =	simm.s32 $0x3800  }
0x31: {  	[tilespmem:s31], [sflag:$0x1] =	stream.indirect.gather [hbm4b:s3+s12], $0x8, s30, s12, $0xb8;
	[tilespmem:$0x4800] =	vst v63  }
0x32: {  	s4 =	simm.s32 $0x680;
	s0 =	simm.s32 $0x3C00  }
0x33: {  	[tilespmem:s0], [sflag:$0x1] =	stream.indirect.gather [hbm4b:s3+s12], $0x8, s4, s12, $0xb8;
	[tilespmem:$0x4800] =	vst v63  }
0x34: {  	s6 =	simm.s32 $0x700;
	s4 =	simm.s32 $0x4000  }
0x35: {  	[tilespmem:s4], [sflag:$0x1] =	stream.indirect.gather [hbm4b:s3+s12], $0x8, s6, s12, $0xb8;
	[tilespmem:$0x4800] =	vst v63  }
0x36: {  	s20 =	simm.s32 $0x780;
	s6 =	simm.s32 $0x4400  }
0x37: {  	[tilespmem:s6], [sflag:$0x1] =	stream.indirect.gather [hbm4b:s3+s12], $0x8, s20, s12, $0xb8;
	[tilespmem:$0x4800] =	vst v63  }
0x38: {  	_ =	swait.ge [sflag:s17], $0x400  }
0x39: {  	[sflag:s17] =	ssyncset.done $0x0  }
0x3a: {  	[sflag:s17] =	ssyncadd.s32 $0xFFFFFC00  }
0x3b: {  	_ =	swait.ge [sflag:s17], $0x400  }
0x3c: {  	[sflag:s17] =	ssyncset.done $0x0  }
0x3d: {  	[sflag:s17] =	ssyncadd.s32 $0xFFFFFC00  }
0x3e: {  	_ =	swait.ge [sflag:s17], $0x400  }
0x3f: {  	[sflag:s17] =	ssyncset.done $0x0  }
0x40: {  	[sflag:s17] =	ssyncadd.s32 $0xFFFFFC00  }
0x41: {  	_ =	swait.ge [sflag:s17], $0x400  }
0x42: {  	[sflag:s17] =	ssyncset.done $0x0  }
0x43: {  	[sflag:s17] =	ssyncadd.s32 $0xFFFFFC00  }
0x44: {  	_ =	swait.ge [sflag:s17], $0x400  }
0x45: {  	[sflag:s17] =	ssyncset.done $0x0  }
0x46: {  	[sflag:s17] =	ssyncadd.s32 $0xFFFFFC00  }
0x47: {  	_ =	swait.ge [sflag:s17], $0x400  }
0x48: {  	[sflag:s17] =	ssyncset.done $0x0  }
0x49: {  	[sflag:s17] =	ssyncadd.s32 $0xFFFFFC00  }
0x4a: {  	_ =	swait.ge [sflag:s17], $0x400  }
0x4b: {  	[sflag:s17] =	ssyncset.done $0x0  }
0x4c: {  	[sflag:s17] =	ssyncadd.s32 $0xFFFFFC00  }
0x4d: {  	_ =	swait.ge [sflag:s17], $0x400  }
0x4e: {  	[sflag:s17] =	ssyncset.done $0x0  }
0x4f: {  	[sflag:s17] =	ssyncadd.s32 $0xFFFFFC00  }
0x50: {  	_ =	swait.ge [sflag:s17], $0x400  }
0x51: {  	[sflag:s17] =	ssyncset.done $0x0  }
0x52: {  	[sflag:s17] =	ssyncadd.s32 $0xFFFFFC00  }
0x53: {  	_ =	swait.ge [sflag:s17], $0x400  }
0x54: {  	[sflag:s17] =	ssyncset.done $0x0  }
0x55: {  	[sflag:s17] =	ssyncadd.s32 $0xFFFFFC00  }
0x56: {  	_ =	swait.ge [sflag:s17], $0x400  }
0x57: {  	[sflag:s17] =	ssyncset.done $0x0  }
0x58: {  	[sflag:s17] =	ssyncadd.s32 $0xFFFFFC00  }
0x59: {  	_ =	swait.ge [sflag:s17], $0x400  }
0x5a: {  	[sflag:s17] =	ssyncset.done $0x0  }
0x5b: {  	[sflag:s17] =	ssyncadd.s32 $0xFFFFFC00  }
0x5c: {  	_ =	swait.ge [sflag:s17], $0x400  }
0x5d: {  	[sflag:s17] =	ssyncset.done $0x0  }
0x5e: {  	[sflag:s17] =	ssyncadd.s32 $0xFFFFFC00  }
0x5f: {  	_ =	swait.ge [sflag:s17], $0x400  }
0x60: {  	[sflag:s17] =	ssyncset.done $0x0  }
0x61: {  	[sflag:s17] =	ssyncadd.s32 $0xFFFFFC00  }
0x62: {  	_ =	swait.ge [sflag:s17], $0x400  }
0x63: {  	[sflag:s17] =	ssyncset.done $0x0  }
0x64: {  	[sflag:s17] =	ssyncadd.s32 $0xFFFFFC00  }
0x65: {  	_ =	swait.ge [sflag:s17], $0x400  }
0x66: {  	[sflag:s17] =	ssyncset.done $0x0  }
0x67: {  	s20 =	rddreg [dreg:$0xa];
	[sflag:s17] =	ssyncadd.s32 $0xFFFFFC00  }
0x68: {  	[hbm4b:s20+s11] =	stream.linear.scatter [tilespmem:s2], [sflag:$0x2], $0x4000, $0x38;
	[tilespmem:$0x4800] =	vst v63  }
0x69: {  	_ =	swait.ge [sflag:s28], $0x4000  }
0x6a: {  	s18 =	rddreg [dreg:$0x3];
	[sflag:s28] =	ssyncset.done $0x0  }
0x6b: {  	[sflag:s28] =	ssyncadd.s32 $0xFFFFC000;
	s18 =	sadd.s32 $0x0, s18  }
0x6c: {  	[tilespmem:s11], [sflag:$0x2] =	stream.linear.gather [hbm4b:s18+s11], $0x800, $0x38;
	[tilespmem:$0x4800] =	vst v63  }
0x6d: {  	_ =	swait.ge [sflag:s28], $0x800  }
0x6e: {  	[sflag:s28] =	ssyncset.done $0x0  }
0x6f: {  	[sflag:s28] =	ssyncadd.s32 $0xFFFFF800  }
0x70: {  	[tilespmem:s2], [sflag:$0x1] =	stream.indirect.gather [hbm4b:s3+s12], $0x8, s11, s12, $0xb8;
	[tilespmem:$0x4800] =	vst v63  }
0x71: {  	_ = 	snop  }
0x72: {  	[tilespmem:s19], [sflag:$0x1] =	stream.indirect.gather [hbm4b:s3+s12], $0x8, s12, s12, $0xb8;
	[tilespmem:$0x4800] =	vst v63  }
0x73: {  	_ = 	snop  }
0x74: {  	[tilespmem:s22], [sflag:$0x1] =	stream.indirect.gather [hbm4b:s3+s12], $0x8, s21, s12, $0xb8;
	[tilespmem:$0x4800] =	vst v63  }
0x75: {  	_ = 	snop  }
0x76: {  	[tilespmem:s24], [sflag:$0x1] =	stream.indirect.gather [hbm4b:s3+s12], $0x8, s23, s12, $0xb8;
	[tilespmem:$0x4800] =	vst v63  }
0x77: {  	_ = 	snop  }
0x78: {  	[tilespmem:s26], [sflag:$0x1] =	stream.indirect.gather [hbm4b:s3+s12], $0x8, s25, s12, $0xb8;
	[tilespmem:$0x4800] =	vst v63  }
0x79: {  	s24 =	simm.s32 $0x280  }
0x7a: {  	[tilespmem:s1], [sflag:$0x1] =	stream.indirect.gather [hbm4b:s3+s12], $0x8, s24, s12, $0xb8;
	[tilespmem:$0x4800] =	vst v63  }
0x7b: {  	s25 =	simm.s32 $0x300  }
0x7c: {  	[tilespmem:s5], [sflag:$0x1] =	stream.indirect.gather [hbm4b:s3+s12], $0x8, s25, s12, $0xb8;
	[tilespmem:$0x4800] =	vst v63  }
0x7d: {  	s26 =	simm.s32 $0x380  }
0x7e: {  	[tilespmem:s7], [sflag:$0x1] =	stream.indirect.gather [hbm4b:s3+s12], $0x8, s26, s12, $0xb8;
	[tilespmem:$0x4800] =	vst v63  }
0x7f: {  	_ = 	snop  }
0x80: {  	[tilespmem:s9], [sflag:$0x1] =	stream.indirect.gather [hbm4b:s3+s12], $0x8, s8, s12, $0xb8;
	[tilespmem:$0x4800] =	vst v63  }
0x81: {  	_ = 	snop  }
0x82: {  	[tilespmem:s14], [sflag:$0x1] =	stream.indirect.gather [hbm4b:s3+s12], $0x8, s10, s12, $0xb8;
	[tilespmem:$0x4800] =	vst v63  }
0x83: {  	_ = 	snop  }
0x84: {  	[tilespmem:s16], [sflag:$0x1] =	stream.indirect.gather [hbm4b:s3+s12], $0x8, s15, s12, $0xb8;
	[tilespmem:$0x4800] =	vst v63  }
0x85: {  	_ = 	snop  }
0x86: {  	[tilespmem:s29], [sflag:$0x1] =	stream.indirect.gather [hbm4b:s3+s12], $0x8, s13, s12, $0xb8;
	[tilespmem:$0x4800] =	vst v63  }
0x87: {  	_ = 	snop  }
0x88: {  	[tilespmem:s31], [sflag:$0x1] =	stream.indirect.gather [hbm4b:s3+s12], $0x8, s30, s12, $0xb8;
	[tilespmem:$0x4800] =	vst v63  }
0x89: {  	s29 =	simm.s32 $0x680  }
0x8a: {  	[tilespmem:s0], [sflag:$0x1] =	stream.indirect.gather [hbm4b:s3+s12], $0x8, s29, s12, $0xb8;
	[tilespmem:$0x4800] =	vst v63  }
0x8b: {  	s30 =	simm.s32 $0x700  }
0x8c: {  	[tilespmem:s4], [sflag:$0x1] =	stream.indirect.gather [hbm4b:s3+s12], $0x8, s30, s12, $0xb8;
	[tilespmem:$0x4800] =	vst v63  }
0x8d: {  	s31 =	simm.s32 $0x780  }
0x8e: {  	[tilespmem:s6], [sflag:$0x1] =	stream.indirect.gather [hbm4b:s3+s12], $0x8, s31, s12, $0xb8;
	[tilespmem:$0x4800] =	vst v63  }
0x8f: {  	_ =	swait.ge [sflag:s17], $0x400  }
0x90: {  	[sflag:s17] =	ssyncset.done $0x0  }
0x91: {  	[sflag:s17] =	ssyncadd.s32 $0xFFFFFC00  }
0x92: {  	_ =	swait.ge [sflag:s17], $0x400  }
0x93: {  	[sflag:s17] =	ssyncset.done $0x0  }
0x94: {  	[sflag:s17] =	ssyncadd.s32 $0xFFFFFC00  }
0x95: {  	_ =	swait.ge [sflag:s17], $0x400  }
0x96: {  	[sflag:s17] =	ssyncset.done $0x0  }
0x97: {  	[sflag:s17] =	ssyncadd.s32 $0xFFFFFC00  }
0x98: {  	_ =	swait.ge [sflag:s17], $0x400  }
0x99: {  	[sflag:s17] =	ssyncset.done $0x0  }
0x9a: {  	[sflag:s17] =	ssyncadd.s32 $0xFFFFFC00  }
0x9b: {  	_ =	swait.ge [sflag:s17], $0x400  }
0x9c: {  	[sflag:s17] =	ssyncset.done $0x0  }
0x9d: {  	[sflag:s17] =	ssyncadd.s32 $0xFFFFFC00  }
0x9e: {  	_ =	swait.ge [sflag:s17], $0x400  }
0x9f: {  	[sflag:s17] =	ssyncset.done $0x0  }
0xa0: {  	[sflag:s17] =	ssyncadd.s32 $0xFFFFFC00  }
0xa1: {  	_ =	swait.ge [sflag:s17], $0x400  }
0xa2: {  	[sflag:s17] =	ssyncset.done $0x0  }
0xa3: {  	[sflag:s17] =	ssyncadd.s32 $0xFFFFFC00  }
0xa4: {  	_ =	swait.ge [sflag:s17], $0x400  }
0xa5: {  	[sflag:s17] =	ssyncset.done $0x0  }
0xa6: {  	[sflag:s17] =	ssyncadd.s32 $0xFFFFFC00  }
0xa7: {  	_ =	swait.ge [sflag:s17], $0x400  }
0xa8: {  	[sflag:s17] =	ssyncset.done $0x0  }
0xa9: {  	[sflag:s17] =	ssyncadd.s32 $0xFFFFFC00  }
0xaa: {  	_ =	swait.ge [sflag:s17], $0x400  }
0xab: {  	[sflag:s17] =	ssyncset.done $0x0  }
0xac: {  	[sflag:s17] =	ssyncadd.s32 $0xFFFFFC00  }
0xad: {  	_ =	swait.ge [sflag:s17], $0x400  }
0xae: {  	[sflag:s17] =	ssyncset.done $0x0  }
0xaf: {  	[sflag:s17] =	ssyncadd.s32 $0xFFFFFC00  }
0xb0: {  	_ =	swait.ge [sflag:s17], $0x400  }
0xb1: {  	[sflag:s17] =	ssyncset.done $0x0  }
0xb2: {  	[sflag:s17] =	ssyncadd.s32 $0xFFFFFC00  }
0xb3: {  	_ =	swait.ge [sflag:s17], $0x400  }
0xb4: {  	[sflag:s17] =	ssyncset.done $0x0  }
0xb5: {  	[sflag:s17] =	ssyncadd.s32 $0xFFFFFC00  }
0xb6: {  	_ =	swait.ge [sflag:s17], $0x400  }
0xb7: {  	[sflag:s17] =	ssyncset.done $0x0  }
0xb8: {  	[sflag:s17] =	ssyncadd.s32 $0xFFFFFC00  }
0xb9: {  	_ =	swait.ge [sflag:s17], $0x400  }
0xba: {  	[sflag:s17] =	ssyncset.done $0x0  }
0xbb: {  	[sflag:s17] =	ssyncadd.s32 $0xFFFFFC00  }
0xbc: {  	_ =	swait.ge [sflag:s17], $0x400  }
0xbd: {  	[sflag:s17] =	ssyncset.done $0x0  }
0xbe: {  	s18 =	rddreg [dreg:$0x9];
	[sflag:s17] =	ssyncadd.s32 $0xFFFFFC00  }
0xbf: {  	[hbm4b:s18+s11] =	stream.linear.scatter [tilespmem:s2], [sflag:$0x2], $0x4000, $0x38;
	[tilespmem:$0x4800] =	vst v63  }
0xc0: {  	s21 =	simm.s32 $0x200;
	_ =	swait.ge [sflag:s28], $0x4000  }
0xc1: {  	s13 =	simm.s32 $0x100;
	s23 =	rddreg [dreg:$0x2];
	[sflag:s28] =	ssyncset.done $0x0  }
.LBB2_2:
0xc2: {  	s0 =	simm.s32 $0x2  }
0xc3: {  	s23 =	sadd.s32 s13, s23;
	s11 =	simm.s32 $0x0;
	[sflag:s0] =	ssyncadd.s32 $0xFFFFC000  }
0xc4: {  	[tilespmem:s11], [sflag:$0x2] =	stream.linear.gather [hbm4b:s23+s11], $0x800, $0x38;
	[tilespmem:$0x4800] =	vst v63  }
0xc5: {  	_ =	swait.ge [sflag:s0], $0x800  }
0xc6: {  	[sflag:s0] =	ssyncset.done $0x0  }
0xc7: {  	s1 =	simm.s32 $0x800;
	[sflag:s0] =	ssyncadd.s32 $0xFFFFF800  }
0xc8: {  	[tilespmem:s1], [sflag:$0x1] =	stream.indirect.gather [hbm4b:s3+s12], $0x8, s11, s12, $0xb8;
	[tilespmem:$0x4800] =	vst v63  }
0xc9: {  	s24 =	simm.s32 $0xC00  }
0xca: {  	[tilespmem:s24], [sflag:$0x1] =	stream.indirect.gather [hbm4b:s3+s12], $0x8, s12, s12, $0xb8;
	[tilespmem:$0x4800] =	vst v63  }
0xcb: {  	s25 =	simm.s32 $0x100;
	s26 =	simm.s32 $0x1000  }
0xcc: {  	[tilespmem:s26], [sflag:$0x1] =	stream.indirect.gather [hbm4b:s3+s12], $0x8, s25, s12, $0xb8;
	[tilespmem:$0x4800] =	vst v63  }
0xcd: {  	s28 =	simm.s32 $0x180;
	s29 =	simm.s32 $0x1400  }
0xce: {  	[tilespmem:s29], [sflag:$0x1] =	stream.indirect.gather [hbm4b:s3+s12], $0x8, s28, s12, $0xb8;
	[tilespmem:$0x4800] =	vst v63  }
0xcf: {  	s30 =	simm.s32 $0x200;
	s31 =	simm.s32 $0x1800  }
0xd0: {  	[tilespmem:s31], [sflag:$0x1] =	stream.indirect.gather [hbm4b:s3+s12], $0x8, s30, s12, $0xb8;
	[tilespmem:$0x4800] =	vst v63  }
0xd1: {  	s2 =	simm.s32 $0x280;
	s1 =	simm.s32 $0x1C00  }
0xd2: {  	[tilespmem:s1], [sflag:$0x1] =	stream.indirect.gather [hbm4b:s3+s12], $0x8, s2, s12, $0xb8;
	[tilespmem:$0x4800] =	vst v63  }
0xd3: {  	s15 =	simm.s32 $0x300;
	s5 =	simm.s32 $0x2000  }
0xd4: {  	[tilespmem:s5], [sflag:$0x1] =	stream.indirect.gather [hbm4b:s3+s12], $0x8, s15, s12, $0xb8;
	[tilespmem:$0x4800] =	vst v63  }
0xd5: {  	s16 =	simm.s32 $0x380;
	s7 =	simm.s32 $0x2400  }
0xd6: {  	[tilespmem:s7], [sflag:$0x1] =	stream.indirect.gather [hbm4b:s3+s12], $0x8, s16, s12, $0xb8;
	[tilespmem:$0x4800] =	vst v63  }
0xd7: {  	s19 =	simm.s32 $0x400;
	s9 =	simm.s32 $0x2800  }
0xd8: {  	[tilespmem:s9], [sflag:$0x1] =	stream.indirect.gather [hbm4b:s3+s12], $0x8, s19, s12, $0xb8;
	[tilespmem:$0x4800] =	vst v63  }
0xd9: {  	s14 =	simm.s32 $0x2C00;
	s23 =	simm.s32 $0x480  }
0xda: {  	[tilespmem:s14], [sflag:$0x1] =	stream.indirect.gather [hbm4b:s3+s12], $0x8, s23, s12, $0xb8;
	[tilespmem:$0x4800] =	vst v63  }
0xdb: {  	s15 =	simm.s32 $0x500;
	s16 =	simm.s32 $0x3000  }
0xdc: {  	[tilespmem:s16], [sflag:$0x1] =	stream.indirect.gather [hbm4b:s3+s12], $0x8, s15, s12, $0xb8;
	[tilespmem:$0x4800] =	vst v63  }
0xdd: {  	s4 =	simm.s32 $0x580;
	s2 =	simm.s32 $0x3400  }
0xde: {  	[tilespmem:s2], [sflag:$0x1] =	stream.indirect.gather [hbm4b:s3+s12], $0x8, s4, s12, $0xb8;
	[tilespmem:$0x4800] =	vst v63  }
0xdf: {  	s6 =	simm.s32 $0x600;
	s4 =	simm.s32 $0x3800  }
0xe0: {  	[tilespmem:s4], [sflag:$0x1] =	stream.indirect.gather [hbm4b:s3+s12], $0x8, s6, s12, $0xb8;
	[tilespmem:$0x4800] =	vst v63  }
0xe1: {  	s8 =	simm.s32 $0x680;
	s6 =	simm.s32 $0x3C00  }
0xe2: {  	[tilespmem:s6], [sflag:$0x1] =	stream.indirect.gather [hbm4b:s3+s12], $0x8, s8, s12, $0xb8;
	[tilespmem:$0x4800] =	vst v63  }
0xe3: {  	s10 =	simm.s32 $0x700;
	s8 =	simm.s32 $0x4000  }
0xe4: {  	[tilespmem:s8], [sflag:$0x1] =	stream.indirect.gather [hbm4b:s3+s12], $0x8, s10, s12, $0xb8;
	[tilespmem:$0x4800] =	vst v63  }
0xe5: {  	s19 =	simm.s32 $0x780;
	s10 =	simm.s32 $0x4400  }
0xe6: {  	[tilespmem:s10], [sflag:$0x1] =	stream.indirect.gather [hbm4b:s3+s12], $0x8, s19, s12, $0xb8;
	[tilespmem:$0x4800] =	vst v63  }
0xe7: {  	_ =	swait.ge [sflag:s17], $0x400  }
0xe8: {  	[sflag:s17] =	ssyncset.done $0x0  }
0xe9: {  	[sflag:s17] =	ssyncadd.s32 $0xFFFFFC00  }
0xea: {  	_ =	swait.ge [sflag:s17], $0x400  }
0xeb: {  	[sflag:s17] =	ssyncset.done $0x0  }
0xec: {  	[sflag:s17] =	ssyncadd.s32 $0xFFFFFC00  }
0xed: {  	_ =	swait.ge [sflag:s17], $0x400  }
0xee: {  	[sflag:s17] =	ssyncset.done $0x0  }
0xef: {  	[sflag:s17] =	ssyncadd.s32 $0xFFFFFC00  }
0xf0: {  	_ =	swait.ge [sflag:s17], $0x400  }
0xf1: {  	[sflag:s17] =	ssyncset.done $0x0  }
0xf2: {  	[sflag:s17] =	ssyncadd.s32 $0xFFFFFC00  }
0xf3: {  	_ =	swait.ge [sflag:s17], $0x400  }
0xf4: {  	[sflag:s17] =	ssyncset.done $0x0  }
0xf5: {  	[sflag:s17] =	ssyncadd.s32 $0xFFFFFC00  }
0xf6: {  	_ =	swait.ge [sflag:s17], $0x400  }
0xf7: {  	[sflag:s17] =	ssyncset.done $0x0  }
0xf8: {  	[sflag:s17] =	ssyncadd.s32 $0xFFFFFC00  }
0xf9: {  	_ =	swait.ge [sflag:s17], $0x400  }
0xfa: {  	[sflag:s17] =	ssyncset.done $0x0  }
0xfb: {  	[sflag:s17] =	ssyncadd.s32 $0xFFFFFC00  }
0xfc: {  	_ =	swait.ge [sflag:s17], $0x400  }
0xfd: {  	[sflag:s17] =	ssyncset.done $0x0  }
0xfe: {  	[sflag:s17] =	ssyncadd.s32 $0xFFFFFC00  }
0xff: {  	_ =	swait.ge [sflag:s17], $0x400  }
0x100: {  	[sflag:s17] =	ssyncset.done $0x0  }
0x101: {  	[sflag:s17] =	ssyncadd.s32 $0xFFFFFC00  }
0x102: {  	_ =	swait.ge [sflag:s17], $0x400  }
0x103: {  	[sflag:s17] =	ssyncset.done $0x0  }
0x104: {  	[sflag:s17] =	ssyncadd.s32 $0xFFFFFC00  }
0x105: {  	_ =	swait.ge [sflag:s17], $0x400  }
0x106: {  	[sflag:s17] =	ssyncset.done $0x0  }
0x107: {  	[sflag:s17] =	ssyncadd.s32 $0xFFFFFC00  }
0x108: {  	_ =	swait.ge [sflag:s17], $0x400  }
0x109: {  	[sflag:s17] =	ssyncset.done $0x0  }
0x10a: {  	[sflag:s17] =	ssyncadd.s32 $0xFFFFFC00  }
0x10b: {  	_ =	swait.ge [sflag:s17], $0x400  }
0x10c: {  	[sflag:s17] =	ssyncset.done $0x0  }
0x10d: {  	[sflag:s17] =	ssyncadd.s32 $0xFFFFFC00  }
0x10e: {  	_ =	swait.ge [sflag:s17], $0x400  }
0x10f: {  	[sflag:s17] =	ssyncset.done $0x0  }
0x110: {  	[sflag:s17] =	ssyncadd.s32 $0xFFFFFC00  }
0x111: {  	_ =	swait.ge [sflag:s17], $0x400  }
0x112: {  	[sflag:s17] =	ssyncset.done $0x0  }
0x113: {  	[sflag:s17] =	ssyncadd.s32 $0xFFFFFC00  }
0x114: {  	_ =	swait.ge [sflag:s17], $0x400  }
0x115: {  	[sflag:s17] =	ssyncset.done $0x0  }
0x116: {  	s20 =	sadd.s32 $0x800, s20;
	s19 =	simm.s32 $0x800;
	[sflag:s17] =	ssyncadd.s32 $0xFFFFFC00  }
0x117: {  	[hbm4b:s20+s11] =	stream.linear.scatter [tilespmem:s19], [sflag:$0x2], $0x4000, $0x38;
	[tilespmem:$0x4800] =	vst v63  }
0x118: {  	_ =	swait.ge [sflag:s0], $0x4000  }
0x119: {  	s23 =	rddreg [dreg:$0x3];
	[sflag:s0] =	ssyncset.done $0x0  }
0x11a: {  	[sflag:s0] =	ssyncadd.s32 $0xFFFFC000;
	s23 =	sadd.s32 s13, s23  }
0x11b: {  	[tilespmem:s11], [sflag:$0x2] =	stream.linear.gather [hbm4b:s23+s11], $0x800, $0x38;
	[tilespmem:$0x4800] =	vst v63  }
0x11c: {  	_ =	swait.ge [sflag:s0], $0x800  }
0x11d: {  	[sflag:s0] =	ssyncset.done $0x0  }
0x11e: {  	[sflag:s0] =	ssyncadd.s32 $0xFFFFF800  }
0x11f: {  	[tilespmem:s19], [sflag:$0x1] =	stream.indirect.gather [hbm4b:s3+s12], $0x8, s11, s12, $0xb8;
	[tilespmem:$0x4800] =	vst v63  }
0x120: {  	_ = 	snop  }
0x121: {  	[tilespmem:s24], [sflag:$0x1] =	stream.indirect.gather [hbm4b:s3+s12], $0x8, s12, s12, $0xb8;
	[tilespmem:$0x4800] =	vst v63  }
0x122: {  	_ = 	snop  }
0x123: {  	[tilespmem:s26], [sflag:$0x1] =	stream.indirect.gather [hbm4b:s3+s12], $0x8, s25, s12, $0xb8;
	[tilespmem:$0x4800] =	vst v63  }
0x124: {  	_ = 	snop  }
0x125: {  	[tilespmem:s29], [sflag:$0x1] =	stream.indirect.gather [hbm4b:s3+s12], $0x8, s28, s12, $0xb8;
	[tilespmem:$0x4800] =	vst v63  }
0x126: {  	_ = 	snop  }
0x127: {  	[tilespmem:s31], [sflag:$0x1] =	stream.indirect.gather [hbm4b:s3+s12], $0x8, s30, s12, $0xb8;
	[tilespmem:$0x4800] =	vst v63  }
0x128: {  	s31 =	simm.s32 $0x280  }
0x129: {  	[tilespmem:s1], [sflag:$0x1] =	stream.indirect.gather [hbm4b:s3+s12], $0x8, s31, s12, $0xb8;
	[tilespmem:$0x4800] =	vst v63  }
0x12a: {  	s19 =	simm.s32 $0x300  }
0x12b: {  	[tilespmem:s5], [sflag:$0x1] =	stream.indirect.gather [hbm4b:s3+s12], $0x8, s19, s12, $0xb8;
	[tilespmem:$0x4800] =	vst v63  }
0x12c: {  	s23 =	simm.s32 $0x380  }
0x12d: {  	[tilespmem:s7], [sflag:$0x1] =	stream.indirect.gather [hbm4b:s3+s12], $0x8, s23, s12, $0xb8;
	[tilespmem:$0x4800] =	vst v63  }
0x12e: {  	s24 =	simm.s32 $0x400  }
0x12f: {  	[tilespmem:s9], [sflag:$0x1] =	stream.indirect.gather [hbm4b:s3+s12], $0x8, s24, s12, $0xb8;
	[tilespmem:$0x4800] =	vst v63  }
0x130: {  	s25 =	simm.s32 $0x480  }
0x131: {  	[tilespmem:s14], [sflag:$0x1] =	stream.indirect.gather [hbm4b:s3+s12], $0x8, s25, s12, $0xb8;
	[tilespmem:$0x4800] =	vst v63  }
0x132: {  	_ = 	snop  }
0x133: {  	[tilespmem:s16], [sflag:$0x1] =	stream.indirect.gather [hbm4b:s3+s12], $0x8, s15, s12, $0xb8;
	[tilespmem:$0x4800] =	vst v63  }
0x134: {  	s26 =	simm.s32 $0x580  }
0x135: {  	[tilespmem:s2], [sflag:$0x1] =	stream.indirect.gather [hbm4b:s3+s12], $0x8, s26, s12, $0xb8;
	[tilespmem:$0x4800] =	vst v63  }
0x136: {  	s28 =	simm.s32 $0x600  }
0x137: {  	[tilespmem:s4], [sflag:$0x1] =	stream.indirect.gather [hbm4b:s3+s12], $0x8, s28, s12, $0xb8;
	[tilespmem:$0x4800] =	vst v63  }
0x138: {  	s29 =	simm.s32 $0x680  }
0x139: {  	[tilespmem:s6], [sflag:$0x1] =	stream.indirect.gather [hbm4b:s3+s12], $0x8, s29, s12, $0xb8;
	[tilespmem:$0x4800] =	vst v63  }
0x13a: {  	s30 =	simm.s32 $0x700  }
0x13b: {  	[tilespmem:s8], [sflag:$0x1] =	stream.indirect.gather [hbm4b:s3+s12], $0x8, s30, s12, $0xb8;
	[tilespmem:$0x4800] =	vst v63  }
0x13c: {  	s31 =	simm.s32 $0x780  }
0x13d: {  	[tilespmem:s10], [sflag:$0x1] =	stream.indirect.gather [hbm4b:s3+s12], $0x8, s31, s12, $0xb8;
	[tilespmem:$0x4800] =	vst v63  }
0x13e: {  	_ =	swait.ge [sflag:s17], $0x400  }
0x13f: {  	[sflag:s17] =	ssyncset.done $0x0  }
0x140: {  	[sflag:s17] =	ssyncadd.s32 $0xFFFFFC00  }
0x141: {  	_ =	swait.ge [sflag:s17], $0x400  }
0x142: {  	[sflag:s17] =	ssyncset.done $0x0  }
0x143: {  	[sflag:s17] =	ssyncadd.s32 $0xFFFFFC00  }
0x144: {  	_ =	swait.ge [sflag:s17], $0x400  }
0x145: {  	[sflag:s17] =	ssyncset.done $0x0  }
0x146: {  	[sflag:s17] =	ssyncadd.s32 $0xFFFFFC00  }
0x147: {  	_ =	swait.ge [sflag:s17], $0x400  }
0x148: {  	[sflag:s17] =	ssyncset.done $0x0  }
0x149: {  	[sflag:s17] =	ssyncadd.s32 $0xFFFFFC00  }
0x14a: {  	_ =	swait.ge [sflag:s17], $0x400  }
0x14b: {  	[sflag:s17] =	ssyncset.done $0x0  }
0x14c: {  	[sflag:s17] =	ssyncadd.s32 $0xFFFFFC00  }
0x14d: {  	_ =	swait.ge [sflag:s17], $0x400  }
0x14e: {  	[sflag:s17] =	ssyncset.done $0x0  }
0x14f: {  	[sflag:s17] =	ssyncadd.s32 $0xFFFFFC00  }
0x150: {  	_ =	swait.ge [sflag:s17], $0x400  }
0x151: {  	[sflag:s17] =	ssyncset.done $0x0  }
0x152: {  	[sflag:s17] =	ssyncadd.s32 $0xFFFFFC00  }
0x153: {  	_ =	swait.ge [sflag:s17], $0x400  }
0x154: {  	[sflag:s17] =	ssyncset.done $0x0  }
0x155: {  	[sflag:s17] =	ssyncadd.s32 $0xFFFFFC00  }
0x156: {  	_ =	swait.ge [sflag:s17], $0x400  }
0x157: {  	[sflag:s17] =	ssyncset.done $0x0  }
0x158: {  	[sflag:s17] =	ssyncadd.s32 $0xFFFFFC00  }
0x159: {  	_ =	swait.ge [sflag:s17], $0x400  }
0x15a: {  	[sflag:s17] =	ssyncset.done $0x0  }
0x15b: {  	[sflag:s17] =	ssyncadd.s32 $0xFFFFFC00  }
0x15c: {  	_ =	swait.ge [sflag:s17], $0x400  }
0x15d: {  	[sflag:s17] =	ssyncset.done $0x0  }
0x15e: {  	[sflag:s17] =	ssyncadd.s32 $0xFFFFFC00  }
0x15f: {  	_ =	swait.ge [sflag:s17], $0x400  }
0x160: {  	[sflag:s17] =	ssyncset.done $0x0  }
0x161: {  	[sflag:s17] =	ssyncadd.s32 $0xFFFFFC00  }
0x162: {  	_ =	swait.ge [sflag:s17], $0x400  }
0x163: {  	[sflag:s17] =	ssyncset.done $0x0  }
0x164: {  	[sflag:s17] =	ssyncadd.s32 $0xFFFFFC00  }
0x165: {  	_ =	swait.ge [sflag:s17], $0x400  }
0x166: {  	[sflag:s17] =	ssyncset.done $0x0  }
0x167: {  	[sflag:s17] =	ssyncadd.s32 $0xFFFFFC00  }
0x168: {  	_ =	swait.ge [sflag:s17], $0x400  }
0x169: {  	[sflag:s17] =	ssyncset.done $0x0  }
0x16a: {  	[sflag:s17] =	ssyncadd.s32 $0xFFFFFC00  }
0x16b: {  	s18 =	sadd.s32 $0x800, s18;
	p0 =	sne.s32 s21, $0xB00;
	_ =	swait.ge [sflag:s17], $0x400  }
.Ltmp0:
0x16c: {  	s22 =	smov.u32 s21;
	[sflag:s17] =	ssyncset.done $0x0;
	(pc) =	sbr.rel @p0 .LBB2_2-.Ltmp0, $4  }
0x16d: {  	s13 =	smov.u32 s22;
	s22 =	simm.s32 $0x800;
	[sflag:s17] =	ssyncadd.s32 $0xFFFFFC00  }
0x16e: {  	[hbm4b:s18+s11] =	stream.linear.scatter [tilespmem:s22], [sflag:$0x2], $0x4000, $0x38;
	[tilespmem:$0x4800] =	vst v63  }
0x16f: {  	_ =	swait.ge [sflag:s0], $0x4000  }
0x170: {  	s21 =	sadd.s32 $0x100, s21;
	s23 =	rddreg [dreg:$0x2];
	[sflag:s0] =	ssyncset.done $0x0  }
0x171: {  	s1 =	simm.s32 $0x2  }
0x172: {  	s21 =	sadd.s32 s13, s23;
	s11 =	simm.s32 $0x0;
	[sflag:s1] =	ssyncadd.s32 $0xFFFFC000  }
0x173: {  	[tilespmem:s11], [sflag:$0x2] =	stream.linear.gather [hbm4b:s21+s11], $0x800, $0x38;
	[tilespmem:$0x4800] =	vst v63  }
0x174: {  	_ =	swait.ge [sflag:s1], $0x800  }
0x175: {  	[sflag:s1] =	ssyncset.done $0x0  }
0x176: {  	s21 =	simm.s32 $0x800;
	[sflag:s1] =	ssyncadd.s32 $0xFFFFF800  }
0x177: {  	[tilespmem:s21], [sflag:$0x1] =	stream.indirect.gather [hbm4b:s3+s12], $0x8, s11, s12, $0xb8;
	[tilespmem:$0x4800] =	vst v63  }
0x178: {  	s0 =	simm.s32 $0xC00  }
0x179: {  	[tilespmem:s0], [sflag:$0x1] =	stream.indirect.gather [hbm4b:s3+s12], $0x8, s12, s12, $0xb8;
	[tilespmem:$0x4800] =	vst v63  }
0x17a: {  	s22 =	simm.s32 $0x100;
	s2 =	simm.s32 $0x1000  }
0x17b: {  	[tilespmem:s2], [sflag:$0x1] =	stream.indirect.gather [hbm4b:s3+s12], $0x8, s22, s12, $0xb8;
	[tilespmem:$0x4800] =	vst v63  }
0x17c: {  	s23 =	simm.s32 $0x180;
	s24 =	simm.s32 $0x1400  }
0x17d: {  	[tilespmem:s24], [sflag:$0x1] =	stream.indirect.gather [hbm4b:s3+s12], $0x8, s23, s12, $0xb8;
	[tilespmem:$0x4800] =	vst v63  }
0x17e: {  	s25 =	simm.s32 $0x200;
	s26 =	simm.s32 $0x1800  }
0x17f: {  	[tilespmem:s26], [sflag:$0x1] =	stream.indirect.gather [hbm4b:s3+s12], $0x8, s25, s12, $0xb8;
	[tilespmem:$0x4800] =	vst v63  }
0x180: {  	s28 =	simm.s32 $0x280;
	s4 =	simm.s32 $0x1C00  }
0x181: {  	[tilespmem:s4], [sflag:$0x1] =	stream.indirect.gather [hbm4b:s3+s12], $0x8, s28, s12, $0xb8;
	[tilespmem:$0x4800] =	vst v63  }
0x182: {  	s5 =	simm.s32 $0x300;
	s29 =	simm.s32 $0x2000  }
0x183: {  	[tilespmem:s29], [sflag:$0x1] =	stream.indirect.gather [hbm4b:s3+s12], $0x8, s5, s12, $0xb8;
	[tilespmem:$0x4800] =	vst v63  }
0x184: {  	s30 =	simm.s32 $0x380;
	s31 =	simm.s32 $0x2400  }
0x185: {  	[tilespmem:s31], [sflag:$0x1] =	stream.indirect.gather [hbm4b:s3+s12], $0x8, s30, s12, $0xb8;
	[tilespmem:$0x4800] =	vst v63  }
0x186: {  	s6 =	simm.s32 $0x400;
	s7 =	simm.s32 $0x2800  }
0x187: {  	[tilespmem:s7], [sflag:$0x1] =	stream.indirect.gather [hbm4b:s3+s12], $0x8, s6, s12, $0xb8;
	[tilespmem:$0x4800] =	vst v63  }
0x188: {  	s8 =	simm.s32 $0x480;
	s9 =	simm.s32 $0x2C00  }
0x189: {  	[tilespmem:s9], [sflag:$0x1] =	stream.indirect.gather [hbm4b:s3+s12], $0x8, s8, s12, $0xb8;
	[tilespmem:$0x4800] =	vst v63  }
0x18a: {  	s10 =	simm.s32 $0x500;
	s19 =	simm.s32 $0x3000  }
0x18b: {  	[tilespmem:s19], [sflag:$0x1] =	stream.indirect.gather [hbm4b:s3+s12], $0x8, s10, s12, $0xb8;
	[tilespmem:$0x4800] =	vst v63  }
0x18c: {  	s23 =	simm.s32 $0x580;
	s25 =	simm.s32 $0x3400  }
0x18d: {  	[tilespmem:s25], [sflag:$0x1] =	stream.indirect.gather [hbm4b:s3+s12], $0x8, s23, s12, $0xb8;
	[tilespmem:$0x4800] =	vst v63  }
0x18e: {  	s28 =	simm.s32 $0x600;
	s29 =	simm.s32 $0x3800  }
0x18f: {  	[tilespmem:s29], [sflag:$0x1] =	stream.indirect.gather [hbm4b:s3+s12], $0x8, s28, s12, $0xb8;
	[tilespmem:$0x4800] =	vst v63  }
0x190: {  	s31 =	simm.s32 $0x3C00;
	s7 =	simm.s32 $0x680  }
0x191: {  	[tilespmem:s31], [sflag:$0x1] =	stream.indirect.gather [hbm4b:s3+s12], $0x8, s7, s12, $0xb8;
	[tilespmem:$0x4800] =	vst v63  }
0x192: {  	s9 =	simm.s32 $0x700;
	s8 =	simm.s32 $0x4000  }
0x193: {  	[tilespmem:s8], [sflag:$0x1] =	stream.indirect.gather [hbm4b:s3+s12], $0x8, s9, s12, $0xb8;
	[tilespmem:$0x4800] =	vst v63  }
0x194: {  	s19 =	simm.s32 $0x780;
	s9 =	simm.s32 $0x4400  }
0x195: {  	[tilespmem:s9], [sflag:$0x1] =	stream.indirect.gather [hbm4b:s3+s12], $0x8, s19, s12, $0xb8;
	[tilespmem:$0x4800] =	vst v63  }
0x196: {  	_ =	swait.ge [sflag:s17], $0x400  }
0x197: {  	[sflag:s17] =	ssyncset.done $0x0  }
0x198: {  	[sflag:s17] =	ssyncadd.s32 $0xFFFFFC00  }
0x199: {  	_ =	swait.ge [sflag:s17], $0x400  }
0x19a: {  	[sflag:s17] =	ssyncset.done $0x0  }
0x19b: {  	[sflag:s17] =	ssyncadd.s32 $0xFFFFFC00  }
0x19c: {  	_ =	swait.ge [sflag:s17], $0x400  }
0x19d: {  	[sflag:s17] =	ssyncset.done $0x0  }
0x19e: {  	[sflag:s17] =	ssyncadd.s32 $0xFFFFFC00  }
0x19f: {  	_ =	swait.ge [sflag:s17], $0x400  }
0x1a0: {  	[sflag:s17] =	ssyncset.done $0x0  }
0x1a1: {  	[sflag:s17] =	ssyncadd.s32 $0xFFFFFC00  }
0x1a2: {  	_ =	swait.ge [sflag:s17], $0x400  }
0x1a3: {  	[sflag:s17] =	ssyncset.done $0x0  }
0x1a4: {  	[sflag:s17] =	ssyncadd.s32 $0xFFFFFC00  }
0x1a5: {  	_ =	swait.ge [sflag:s17], $0x400  }
0x1a6: {  	[sflag:s17] =	ssyncset.done $0x0  }
0x1a7: {  	[sflag:s17] =	ssyncadd.s32 $0xFFFFFC00  }
0x1a8: {  	_ =	swait.ge [sflag:s17], $0x400  }
0x1a9: {  	[sflag:s17] =	ssyncset.done $0x0  }
0x1aa: {  	[sflag:s17] =	ssyncadd.s32 $0xFFFFFC00  }
0x1ab: {  	_ =	swait.ge [sflag:s17], $0x400  }
0x1ac: {  	[sflag:s17] =	ssyncset.done $0x0  }
0x1ad: {  	[sflag:s17] =	ssyncadd.s32 $0xFFFFFC00  }
0x1ae: {  	_ =	swait.ge [sflag:s17], $0x400  }
0x1af: {  	[sflag:s17] =	ssyncset.done $0x0  }
0x1b0: {  	[sflag:s17] =	ssyncadd.s32 $0xFFFFFC00  }
0x1b1: {  	_ =	swait.ge [sflag:s17], $0x400  }
0x1b2: {  	[sflag:s17] =	ssyncset.done $0x0  }
0x1b3: {  	[sflag:s17] =	ssyncadd.s32 $0xFFFFFC00  }
0x1b4: {  	_ =	swait.ge [sflag:s17], $0x400  }
0x1b5: {  	[sflag:s17] =	ssyncset.done $0x0  }
0x1b6: {  	[sflag:s17] =	ssyncadd.s32 $0xFFFFFC00  }
0x1b7: {  	_ =	swait.ge [sflag:s17], $0x400  }
0x1b8: {  	[sflag:s17] =	ssyncset.done $0x0  }
0x1b9: {  	[sflag:s17] =	ssyncadd.s32 $0xFFFFFC00  }
0x1ba: {  	_ =	swait.ge [sflag:s17], $0x400  }
0x1bb: {  	[sflag:s17] =	ssyncset.done $0x0  }
0x1bc: {  	[sflag:s17] =	ssyncadd.s32 $0xFFFFFC00  }
0x1bd: {  	_ =	swait.ge [sflag:s17], $0x400  }
0x1be: {  	[sflag:s17] =	ssyncset.done $0x0  }
0x1bf: {  	[sflag:s17] =	ssyncadd.s32 $0xFFFFFC00  }
0x1c0: {  	_ =	swait.ge [sflag:s17], $0x400  }
0x1c1: {  	[sflag:s17] =	ssyncset.done $0x0  }
0x1c2: {  	[sflag:s17] =	ssyncadd.s32 $0xFFFFFC00  }
0x1c3: {  	_ =	swait.ge [sflag:s17], $0x400  }
0x1c4: {  	[sflag:s17] =	ssyncset.done $0x0  }
0x1c5: {  	s20 =	sadd.s32 $0x800, s20;
	[sflag:s17] =	ssyncadd.s32 $0xFFFFFC00  }
0x1c6: {  	[hbm4b:s20+s11] =	stream.linear.scatter [tilespmem:s21], [sflag:$0x2], $0x4000, $0x38;
	[tilespmem:$0x4800] =	vst v63  }
0x1c7: {  	_ =	swait.ge [sflag:s1], $0x4000  }
0x1c8: {  	s19 =	rddreg [dreg:$0x3];
	[sflag:s1] =	ssyncset.done $0x0  }
0x1c9: {  	s20 =	sadd.s32 s13, s19;
	[sflag:s1] =	ssyncadd.s32 $0xFFFFC000  }
0x1ca: {  	[tilespmem:s11], [sflag:$0x2] =	stream.linear.gather [hbm4b:s20+s11], $0x800, $0x38;
	[tilespmem:$0x4800] =	vst v63  }
0x1cb: {  	_ =	swait.ge [sflag:s1], $0x800  }
0x1cc: {  	[sflag:s1] =	ssyncset.done $0x0  }
0x1cd: {  	[sflag:s1] =	ssyncadd.s32 $0xFFFFF800  }
0x1ce: {  	[tilespmem:s21], [sflag:$0x1] =	stream.indirect.gather [hbm4b:s3+s12], $0x8, s11, s12, $0xb8;
	[tilespmem:$0x4800] =	vst v63  }
0x1cf: {  	s7 =	simm.s32 $0xC00  }
0x1d0: {  	[tilespmem:s7], [sflag:$0x1] =	stream.indirect.gather [hbm4b:s3+s12], $0x8, s12, s12, $0xb8;
	[tilespmem:$0x4800] =	vst v63  }
0x1d1: {  	s15 =	simm.s32 $0x1000;
	s8 =	simm.s32 $0x100  }
0x1d2: {  	[tilespmem:s15], [sflag:$0x1] =	stream.indirect.gather [hbm4b:s3+s12], $0x8, s8, s12, $0xb8;
	[tilespmem:$0x4800] =	vst v63  }
0x1d3: {  	s24 =	simm.s32 $0x1400;
	s9 =	simm.s32 $0x180  }
0x1d4: {  	[tilespmem:s24], [sflag:$0x1] =	stream.indirect.gather [hbm4b:s3+s12], $0x8, s9, s12, $0xb8;
	[tilespmem:$0x4800] =	vst v63  }
0x1d5: {  	s2 =	simm.s32 $0x200;
	s26 =	simm.s32 $0x1800  }
0x1d6: {  	[tilespmem:s26], [sflag:$0x1] =	stream.indirect.gather [hbm4b:s3+s12], $0x8, s2, s12, $0xb8;
	[tilespmem:$0x4800] =	vst v63  }
0x1d7: {  	s14 =	simm.s32 $0x1C00;
	s4 =	simm.s32 $0x280  }
0x1d8: {  	[tilespmem:s14], [sflag:$0x1] =	stream.indirect.gather [hbm4b:s3+s12], $0x8, s4, s12, $0xb8;
	[tilespmem:$0x4800] =	vst v63  }
0x1d9: {  	s16 =	simm.s32 $0x2000;
	s13 =	simm.s32 $0x300  }
0x1da: {  	[tilespmem:s16], [sflag:$0x1] =	stream.indirect.gather [hbm4b:s3+s12], $0x8, s13, s12, $0xb8;
	[tilespmem:$0x4800] =	vst v63  }
0x1db: {  	s22 =	simm.s32 $0x2400;
	s19 =	simm.s32 $0x380  }
0x1dc: {  	[tilespmem:s22], [sflag:$0x1] =	stream.indirect.gather [hbm4b:s3+s12], $0x8, s19, s12, $0xb8;
	[tilespmem:$0x4800] =	vst v63  }
0x1dd: {  	s0 =	simm.s32 $0x2800;
	s20 =	simm.s32 $0x400  }
0x1de: {  	[tilespmem:s0], [sflag:$0x1] =	stream.indirect.gather [hbm4b:s3+s12], $0x8, s20, s12, $0xb8;
	[tilespmem:$0x4800] =	vst v63  }
0x1df: {  	s2 =	simm.s32 $0x2C00;
	s14 =	simm.s32 $0x480  }
0x1e0: {  	[tilespmem:s2], [sflag:$0x1] =	stream.indirect.gather [hbm4b:s3+s12], $0x8, s14, s12, $0xb8;
	[tilespmem:$0x4800] =	vst v63  }
0x1e1: {  	s6 =	simm.s32 $0x3000;
	s15 =	simm.s32 $0x500  }
0x1e2: {  	[tilespmem:s6], [sflag:$0x1] =	stream.indirect.gather [hbm4b:s3+s12], $0x8, s15, s12, $0xb8;
	[tilespmem:$0x4800] =	vst v63  }
0x1e3: {  	s30 =	simm.s32 $0x3400;
	s6 =	simm.s32 $0x580  }
0x1e4: {  	[tilespmem:s30], [sflag:$0x1] =	stream.indirect.gather [hbm4b:s3+s12], $0x8, s6, s12, $0xb8;
	[tilespmem:$0x4800] =	vst v63  }
0x1e5: {  	s5 =	simm.s32 $0x600;
	s10 =	simm.s32 $0x3800  }
0x1e6: {  	[tilespmem:s10], [sflag:$0x1] =	stream.indirect.gather [hbm4b:s3+s12], $0x8, s5, s12, $0xb8;
	[tilespmem:$0x4800] =	vst v63  }
0x1e7: {  	s23 =	simm.s32 $0x3C00;
	s16 =	simm.s32 $0x680  }
0x1e8: {  	[tilespmem:s23], [sflag:$0x1] =	stream.indirect.gather [hbm4b:s3+s12], $0x8, s16, s12, $0xb8;
	[tilespmem:$0x4800] =	vst v63  }
0x1e9: {  	s30 =	simm.s32 $0x4000;
	s5 =	simm.s32 $0x700  }
0x1ea: {  	[tilespmem:s30], [sflag:$0x1] =	stream.indirect.gather [hbm4b:s3+s12], $0x8, s5, s12, $0xb8;
	[tilespmem:$0x4800] =	vst v63  }
0x1eb: {  	s4 =	simm.s32 $0x780;
	s10 =	simm.s32 $0x4400  }
0x1ec: {  	[tilespmem:s10], [sflag:$0x1] =	stream.indirect.gather [hbm4b:s3+s12], $0x8, s4, s12, $0xb8;
	[tilespmem:$0x4800] =	vst v63  }
0x1ed: {  	_ =	swait.ge [sflag:s17], $0x400  }
0x1ee: {  	[sflag:s17] =	ssyncset.done $0x0  }
0x1ef: {  	[sflag:s17] =	ssyncadd.s32 $0xFFFFFC00  }
0x1f0: {  	_ =	swait.ge [sflag:s17], $0x400  }
0x1f1: {  	[sflag:s17] =	ssyncset.done $0x0  }
0x1f2: {  	[sflag:s17] =	ssyncadd.s32 $0xFFFFFC00  }
0x1f3: {  	_ =	swait.ge [sflag:s17], $0x400  }
0x1f4: {  	[sflag:s17] =	ssyncset.done $0x0  }
0x1f5: {  	[sflag:s17] =	ssyncadd.s32 $0xFFFFFC00  }
0x1f6: {  	_ =	swait.ge [sflag:s17], $0x400  }
0x1f7: {  	[sflag:s17] =	ssyncset.done $0x0  }
0x1f8: {  	[sflag:s17] =	ssyncadd.s32 $0xFFFFFC00  }
0x1f9: {  	_ =	swait.ge [sflag:s17], $0x400  }
0x1fa: {  	[sflag:s17] =	ssyncset.done $0x0  }
0x1fb: {  	[sflag:s17] =	ssyncadd.s32 $0xFFFFFC00  }
0x1fc: {  	_ =	swait.ge [sflag:s17], $0x400  }
0x1fd: {  	[sflag:s17] =	ssyncset.done $0x0  }
0x1fe: {  	[sflag:s17] =	ssyncadd.s32 $0xFFFFFC00  }
0x1ff: {  	_ =	swait.ge [sflag:s17], $0x400  }
0x200: {  	[sflag:s17] =	ssyncset.done $0x0  }
0x201: {  	[sflag:s17] =	ssyncadd.s32 $0xFFFFFC00  }
0x202: {  	_ =	swait.ge [sflag:s17], $0x400  }
0x203: {  	[sflag:s17] =	ssyncset.done $0x0  }
0x204: {  	[sflag:s17] =	ssyncadd.s32 $0xFFFFFC00  }
0x205: {  	_ =	swait.ge [sflag:s17], $0x400  }
0x206: {  	[sflag:s17] =	ssyncset.done $0x0  }
0x207: {  	[sflag:s17] =	ssyncadd.s32 $0xFFFFFC00  }
0x208: {  	_ =	swait.ge [sflag:s17], $0x400  }
0x209: {  	[sflag:s17] =	ssyncset.done $0x0  }
0x20a: {  	[sflag:s17] =	ssyncadd.s32 $0xFFFFFC00  }
0x20b: {  	_ =	swait.ge [sflag:s17], $0x400  }
0x20c: {  	[sflag:s17] =	ssyncset.done $0x0  }
0x20d: {  	[sflag:s17] =	ssyncadd.s32 $0xFFFFFC00  }
0x20e: {  	_ =	swait.ge [sflag:s17], $0x400  }
0x20f: {  	[sflag:s17] =	ssyncset.done $0x0  }
0x210: {  	[sflag:s17] =	ssyncadd.s32 $0xFFFFFC00  }
0x211: {  	_ =	swait.ge [sflag:s17], $0x400  }
0x212: {  	[sflag:s17] =	ssyncset.done $0x0  }
0x213: {  	[sflag:s17] =	ssyncadd.s32 $0xFFFFFC00  }
0x214: {  	_ =	swait.ge [sflag:s17], $0x400  }
0x215: {  	[sflag:s17] =	ssyncset.done $0x0  }
0x216: {  	[sflag:s17] =	ssyncadd.s32 $0xFFFFFC00  }
0x217: {  	_ =	swait.ge [sflag:s17], $0x400  }
0x218: {  	[sflag:s17] =	ssyncset.done $0x0  }
0x219: {  	[sflag:s17] =	ssyncadd.s32 $0xFFFFFC00  }
0x21a: {  	_ =	swait.ge [sflag:s17], $0x400  }
0x21b: {  	[sflag:s17] =	ssyncset.done $0x0  }
0x21c: {  	s18 =	sadd.s32 $0x800, s18;
	[sflag:s17] =	ssyncadd.s32 $0xFFFFFC00  }
0x21d: {  	[hbm4b:s18+s11] =	stream.linear.scatter [tilespmem:s21], [sflag:$0x2], $0x4000, $0x38;
	[tilespmem:$0x4800] =	vst v63  }
0x21e: {  	_ =	swait.ge [sflag:s1], $0x4000  }
0x21f: {  	[sflag:s1] =	ssyncset.done $0x0  }
0x220: {  	s23 =	rddreg [dreg:$0x4];
	[sflag:s1] =	ssyncadd.s32 $0xFFFFC000  }
0x221: {  	[tilespmem:s11], [sflag:$0x2] =	stream.linear.gather [hbm4b:s23+s11], $0x800, $0x38;
	[tilespmem:$0x4800] =	vst v63  }
0x222: {  	_ =	swait.ge [sflag:s1], $0x800  }
0x223: {  	[sflag:s1] =	ssyncset.done $0x0  }
0x224: {  	[sflag:s1] =	ssyncadd.s32 $0xFFFFF800  }
0x225: {  	[tilespmem:s21], [sflag:$0x1] =	stream.indirect.gather [hbm4b:s3+s12], $0x8, s11, s12, $0xb8;
	[tilespmem:$0x4800] =	vst v63  }
0x226: {  	_ = 	snop  }
0x227: {  	[tilespmem:s7], [sflag:$0x1] =	stream.indirect.gather [hbm4b:s3+s12], $0x8, s12, s12, $0xb8;
	[tilespmem:$0x4800] =	vst v63  }
0x228: {  	s23 =	simm.s32 $0x1000  }
0x229: {  	[tilespmem:s23], [sflag:$0x1] =	stream.indirect.gather [hbm4b:s3+s12], $0x8, s8, s12, $0xb8;
	[tilespmem:$0x4800] =	vst v63  }
0x22a: {  	s23 =	simm.s32 $0x1400  }
0x22b: {  	[tilespmem:s23], [sflag:$0x1] =	stream.indirect.gather [hbm4b:s3+s12], $0x8, s9, s12, $0xb8;
	[tilespmem:$0x4800] =	vst v63  }
0x22c: {  	s31 =	simm.s32 $0x200;
	s23 =	simm.s32 $0x1800  }
0x22d: {  	[tilespmem:s23], [sflag:$0x1] =	stream.indirect.gather [hbm4b:s3+s12], $0x8, s31, s12, $0xb8;
	[tilespmem:$0x4800] =	vst v63  }
0x22e: {  	s28 =	simm.s32 $0x1C00;
	s31 =	simm.s32 $0x280  }
0x22f: {  	[tilespmem:s28], [sflag:$0x1] =	stream.indirect.gather [hbm4b:s3+s12], $0x8, s31, s12, $0xb8;
	[tilespmem:$0x4800] =	vst v63  }
0x230: {  	s18 =	simm.s32 $0x2000  }
0x231: {  	[tilespmem:s18], [sflag:$0x1] =	stream.indirect.gather [hbm4b:s3+s12], $0x8, s13, s12, $0xb8;
	[tilespmem:$0x4800] =	vst v63  }
0x232: {  	s18 =	simm.s32 $0x2400  }
0x233: {  	[tilespmem:s18], [sflag:$0x1] =	stream.indirect.gather [hbm4b:s3+s12], $0x8, s19, s12, $0xb8;
	[tilespmem:$0x4800] =	vst v63  }
0x234: {  	_ = 	snop  }
0x235: {  	[tilespmem:s0], [sflag:$0x1] =	stream.indirect.gather [hbm4b:s3+s12], $0x8, s20, s12, $0xb8;
	[tilespmem:$0x4800] =	vst v63  }
0x236: {  	_ = 	snop  }
0x237: {  	[tilespmem:s2], [sflag:$0x1] =	stream.indirect.gather [hbm4b:s3+s12], $0x8, s14, s12, $0xb8;
	[tilespmem:$0x4800] =	vst v63  }
0x238: {  	s29 =	simm.s32 $0x3000  }
0x239: {  	[tilespmem:s29], [sflag:$0x1] =	stream.indirect.gather [hbm4b:s3+s12], $0x8, s15, s12, $0xb8;
	[tilespmem:$0x4800] =	vst v63  }
0x23a: {  	s25 =	simm.s32 $0x3400  }
0x23b: {  	[tilespmem:s25], [sflag:$0x1] =	stream.indirect.gather [hbm4b:s3+s12], $0x8, s6, s12, $0xb8;
	[tilespmem:$0x4800] =	vst v63  }
0x23c: {  	s24 =	simm.s32 $0x600;
	s26 =	simm.s32 $0x3800  }
0x23d: {  	[tilespmem:s26], [sflag:$0x1] =	stream.indirect.gather [hbm4b:s3+s12], $0x8, s24, s12, $0xb8;
	[tilespmem:$0x4800] =	vst v63  }
0x23e: {  	s22 =	simm.s32 $0x3C00  }
0x23f: {  	[tilespmem:s22], [sflag:$0x1] =	stream.indirect.gather [hbm4b:s3+s12], $0x8, s16, s12, $0xb8;
	[tilespmem:$0x4800] =	vst v63  }
0x240: {  	_ = 	snop  }
0x241: {  	[tilespmem:s30], [sflag:$0x1] =	stream.indirect.gather [hbm4b:s3+s12], $0x8, s5, s12, $0xb8;
	[tilespmem:$0x4800] =	vst v63  }
0x242: {  	_ = 	snop  }
0x243: {  	[tilespmem:s10], [sflag:$0x1] =	stream.indirect.gather [hbm4b:s3+s12], $0x8, s4, s12, $0xb8;
	[tilespmem:$0x4800] =	vst v63  }
0x244: {  	_ =	swait.ge [sflag:s17], $0x400  }
0x245: {  	[sflag:s17] =	ssyncset.done $0x0  }
0x246: {  	[sflag:s17] =	ssyncadd.s32 $0xFFFFFC00  }
0x247: {  	_ =	swait.ge [sflag:s17], $0x400  }
0x248: {  	[sflag:s17] =	ssyncset.done $0x0  }
0x249: {  	[sflag:s17] =	ssyncadd.s32 $0xFFFFFC00  }
0x24a: {  	_ =	swait.ge [sflag:s17], $0x400  }
0x24b: {  	[sflag:s17] =	ssyncset.done $0x0  }
0x24c: {  	[sflag:s17] =	ssyncadd.s32 $0xFFFFFC00  }
0x24d: {  	_ =	swait.ge [sflag:s17], $0x400  }
0x24e: {  	[sflag:s17] =	ssyncset.done $0x0  }
0x24f: {  	[sflag:s17] =	ssyncadd.s32 $0xFFFFFC00  }
0x250: {  	_ =	swait.ge [sflag:s17], $0x400  }
0x251: {  	[sflag:s17] =	ssyncset.done $0x0  }
0x252: {  	[sflag:s17] =	ssyncadd.s32 $0xFFFFFC00  }
0x253: {  	_ =	swait.ge [sflag:s17], $0x400  }
0x254: {  	[sflag:s17] =	ssyncset.done $0x0  }
0x255: {  	[sflag:s17] =	ssyncadd.s32 $0xFFFFFC00  }
0x256: {  	_ =	swait.ge [sflag:s17], $0x400  }
0x257: {  	[sflag:s17] =	ssyncset.done $0x0  }
0x258: {  	[sflag:s17] =	ssyncadd.s32 $0xFFFFFC00  }
0x259: {  	_ =	swait.ge [sflag:s17], $0x400  }
0x25a: {  	[sflag:s17] =	ssyncset.done $0x0  }
0x25b: {  	[sflag:s17] =	ssyncadd.s32 $0xFFFFFC00  }
0x25c: {  	_ =	swait.ge [sflag:s17], $0x400  }
0x25d: {  	[sflag:s17] =	ssyncset.done $0x0  }
0x25e: {  	[sflag:s17] =	ssyncadd.s32 $0xFFFFFC00  }
0x25f: {  	_ =	swait.ge [sflag:s17], $0x400  }
0x260: {  	[sflag:s17] =	ssyncset.done $0x0  }
0x261: {  	[sflag:s17] =	ssyncadd.s32 $0xFFFFFC00  }
0x262: {  	_ =	swait.ge [sflag:s17], $0x400  }
0x263: {  	[sflag:s17] =	ssyncset.done $0x0  }
0x264: {  	[sflag:s17] =	ssyncadd.s32 $0xFFFFFC00  }
0x265: {  	_ =	swait.ge [sflag:s17], $0x400  }
0x266: {  	[sflag:s17] =	ssyncset.done $0x0  }
0x267: {  	[sflag:s17] =	ssyncadd.s32 $0xFFFFFC00  }
0x268: {  	_ =	swait.ge [sflag:s17], $0x400  }
0x269: {  	[sflag:s17] =	ssyncset.done $0x0  }
0x26a: {  	[sflag:s17] =	ssyncadd.s32 $0xFFFFFC00  }
0x26b: {  	_ =	swait.ge [sflag:s17], $0x400  }
0x26c: {  	[sflag:s17] =	ssyncset.done $0x0  }
0x26d: {  	[sflag:s17] =	ssyncadd.s32 $0xFFFFFC00  }
0x26e: {  	_ =	swait.ge [sflag:s17], $0x400  }
0x26f: {  	[sflag:s17] =	ssyncset.done $0x0  }
0x270: {  	[sflag:s17] =	ssyncadd.s32 $0xFFFFFC00  }
0x271: {  	_ =	swait.ge [sflag:s17], $0x400  }
0x272: {  	[sflag:s17] =	ssyncset.done $0x0  }
0x273: {  	s26 =	rddreg [dreg:$0x5];
	[sflag:s17] =	ssyncadd.s32 $0xFFFFFC00  }
0x274: {  	[hbm4b:s26+s11] =	stream.linear.scatter [tilespmem:s21], [sflag:$0x2], $0x4000, $0x38;
	[tilespmem:$0x4800] =	vst v63  }
0x275: {  	_ =	swait.ge [sflag:s1], $0x4000  }
0x276: {  	[sflag:s1] =	ssyncset.done $0x0  }
0x277: {  	s22 =	rddreg [dreg:$0x6];
	[sflag:s1] =	ssyncadd.s32 $0xFFFFC000  }
0x278: {  	[tilespmem:s11], [sflag:$0x2] =	stream.linear.gather [hbm4b:s22+s11], $0x800, $0x38;
	[tilespmem:$0x4800] =	vst v63  }
0x279: {  	_ =	swait.ge [sflag:s1], $0x800  }
0x27a: {  	[sflag:s1] =	ssyncset.done $0x0  }
0x27b: {  	[sflag:s1] =	ssyncadd.s32 $0xFFFFF800  }
0x27c: {  	[tilespmem:s21], [sflag:$0x1] =	stream.indirect.gather [hbm4b:s3+s12], $0x8, s11, s12, $0xb8;
	[tilespmem:$0x4800] =	vst v63  }
0x27d: {  	s7 =	simm.s32 $0xC00  }
0x27e: {  	[tilespmem:s7], [sflag:$0x1] =	stream.indirect.gather [hbm4b:s3+s12], $0x8, s12, s12, $0xb8;
	[tilespmem:$0x4800] =	vst v63  }
0x27f: {  	s8 =	simm.s32 $0x100;
	s26 =	simm.s32 $0x1000  }
0x280: {  	[tilespmem:s26], [sflag:$0x1] =	stream.indirect.gather [hbm4b:s3+s12], $0x8, s8, s12, $0xb8;
	[tilespmem:$0x4800] =	vst v63  }
0x281: {  	s9 =	simm.s32 $0x180;
	s8 =	simm.s32 $0x1400  }
0x282: {  	[tilespmem:s8], [sflag:$0x1] =	stream.indirect.gather [hbm4b:s3+s12], $0x8, s9, s12, $0xb8;
	[tilespmem:$0x4800] =	vst v63  }
0x283: {  	s23 =	simm.s32 $0x200;
	s18 =	simm.s32 $0x1800  }
0x284: {  	[tilespmem:s18], [sflag:$0x1] =	stream.indirect.gather [hbm4b:s3+s12], $0x8, s23, s12, $0xb8;
	[tilespmem:$0x4800] =	vst v63  }
0x285: {  	s31 =	simm.s32 $0x1C00;
	s28 =	simm.s32 $0x280  }
0x286: {  	[tilespmem:s31], [sflag:$0x1] =	stream.indirect.gather [hbm4b:s3+s12], $0x8, s28, s12, $0xb8;
	[tilespmem:$0x4800] =	vst v63  }
0x287: {  	s13 =	simm.s32 $0x300;
	s22 =	simm.s32 $0x2000  }
0x288: {  	[tilespmem:s22], [sflag:$0x1] =	stream.indirect.gather [hbm4b:s3+s12], $0x8, s13, s12, $0xb8;
	[tilespmem:$0x4800] =	vst v63  }
0x289: {  	s19 =	simm.s32 $0x380;
	s23 =	simm.s32 $0x2400  }
0x28a: {  	[tilespmem:s23], [sflag:$0x1] =	stream.indirect.gather [hbm4b:s3+s12], $0x8, s19, s12, $0xb8;
	[tilespmem:$0x4800] =	vst v63  }
0x28b: {  	s20 =	simm.s32 $0x400;
	s26 =	simm.s32 $0x2800  }
0x28c: {  	[tilespmem:s26], [sflag:$0x1] =	stream.indirect.gather [hbm4b:s3+s12], $0x8, s20, s12, $0xb8;
	[tilespmem:$0x4800] =	vst v63  }
0x28d: {  	s14 =	simm.s32 $0x480;
	s28 =	simm.s32 $0x2C00  }
0x28e: {  	[tilespmem:s28], [sflag:$0x1] =	stream.indirect.gather [hbm4b:s3+s12], $0x8, s14, s12, $0xb8;
	[tilespmem:$0x4800] =	vst v63  }
0x28f: {  	s29 =	simm.s32 $0x3000;
	s15 =	simm.s32 $0x500  }
0x290: {  	[tilespmem:s29], [sflag:$0x1] =	stream.indirect.gather [hbm4b:s3+s12], $0x8, s15, s12, $0xb8;
	[tilespmem:$0x4800] =	vst v63  }
0x291: {  	s25 =	simm.s32 $0x3400;
	s6 =	simm.s32 $0x580  }
0x292: {  	[tilespmem:s25], [sflag:$0x1] =	stream.indirect.gather [hbm4b:s3+s12], $0x8, s6, s12, $0xb8;
	[tilespmem:$0x4800] =	vst v63  }
0x293: {  	s2 =	simm.s32 $0x600;
	s24 =	simm.s32 $0x3800  }
0x294: {  	[tilespmem:s24], [sflag:$0x1] =	stream.indirect.gather [hbm4b:s3+s12], $0x8, s2, s12, $0xb8;
	[tilespmem:$0x4800] =	vst v63  }
0x295: {  	s0 =	simm.s32 $0x680;
	s16 =	simm.s32 $0x3C00  }
0x296: {  	[tilespmem:s16], [sflag:$0x1] =	stream.indirect.gather [hbm4b:s3+s12], $0x8, s0, s12, $0xb8;
	[tilespmem:$0x4800] =	vst v63  }
0x297: {  	s30 =	simm.s32 $0x4000;
	s5 =	simm.s32 $0x700  }
0x298: {  	[tilespmem:s30], [sflag:$0x1] =	stream.indirect.gather [hbm4b:s3+s12], $0x8, s5, s12, $0xb8;
	[tilespmem:$0x4800] =	vst v63  }
0x299: {  	s4 =	simm.s32 $0x780;
	s10 =	simm.s32 $0x4400  }
0x29a: {  	[tilespmem:s10], [sflag:$0x1] =	stream.indirect.gather [hbm4b:s3+s12], $0x8, s4, s12, $0xb8;
	[tilespmem:$0x4800] =	vst v63  }
0x29b: {  	_ =	swait.ge [sflag:s17], $0x400  }
0x29c: {  	[sflag:s17] =	ssyncset.done $0x0  }
0x29d: {  	[sflag:s17] =	ssyncadd.s32 $0xFFFFFC00  }
0x29e: {  	_ =	swait.ge [sflag:s17], $0x400  }
0x29f: {  	[sflag:s17] =	ssyncset.done $0x0  }
0x2a0: {  	[sflag:s17] =	ssyncadd.s32 $0xFFFFFC00  }
0x2a1: {  	_ =	swait.ge [sflag:s17], $0x400  }
0x2a2: {  	[sflag:s17] =	ssyncset.done $0x0  }
0x2a3: {  	[sflag:s17] =	ssyncadd.s32 $0xFFFFFC00  }
0x2a4: {  	_ =	swait.ge [sflag:s17], $0x400  }
0x2a5: {  	[sflag:s17] =	ssyncset.done $0x0  }
0x2a6: {  	[sflag:s17] =	ssyncadd.s32 $0xFFFFFC00  }
0x2a7: {  	_ =	swait.ge [sflag:s17], $0x400  }
0x2a8: {  	[sflag:s17] =	ssyncset.done $0x0  }
0x2a9: {  	[sflag:s17] =	ssyncadd.s32 $0xFFFFFC00  }
0x2aa: {  	_ =	swait.ge [sflag:s17], $0x400  }
0x2ab: {  	[sflag:s17] =	ssyncset.done $0x0  }
0x2ac: {  	[sflag:s17] =	ssyncadd.s32 $0xFFFFFC00  }
0x2ad: {  	_ =	swait.ge [sflag:s17], $0x400  }
0x2ae: {  	[sflag:s17] =	ssyncset.done $0x0  }
0x2af: {  	[sflag:s17] =	ssyncadd.s32 $0xFFFFFC00  }
0x2b0: {  	_ =	swait.ge [sflag:s17], $0x400  }
0x2b1: {  	[sflag:s17] =	ssyncset.done $0x0  }
0x2b2: {  	[sflag:s17] =	ssyncadd.s32 $0xFFFFFC00  }
0x2b3: {  	_ =	swait.ge [sflag:s17], $0x400  }
0x2b4: {  	[sflag:s17] =	ssyncset.done $0x0  }
0x2b5: {  	[sflag:s17] =	ssyncadd.s32 $0xFFFFFC00  }
0x2b6: {  	_ =	swait.ge [sflag:s17], $0x400  }
0x2b7: {  	[sflag:s17] =	ssyncset.done $0x0  }
0x2b8: {  	[sflag:s17] =	ssyncadd.s32 $0xFFFFFC00  }
0x2b9: {  	_ =	swait.ge [sflag:s17], $0x400  }
0x2ba: {  	[sflag:s17] =	ssyncset.done $0x0  }
0x2bb: {  	[sflag:s17] =	ssyncadd.s32 $0xFFFFFC00  }
0x2bc: {  	_ =	swait.ge [sflag:s17], $0x400  }
0x2bd: {  	[sflag:s17] =	ssyncset.done $0x0  }
0x2be: {  	[sflag:s17] =	ssyncadd.s32 $0xFFFFFC00  }
0x2bf: {  	_ =	swait.ge [sflag:s17], $0x400  }
0x2c0: {  	[sflag:s17] =	ssyncset.done $0x0  }
0x2c1: {  	[sflag:s17] =	ssyncadd.s32 $0xFFFFFC00  }
0x2c2: {  	_ =	swait.ge [sflag:s17], $0x400  }
0x2c3: {  	[sflag:s17] =	ssyncset.done $0x0  }
0x2c4: {  	[sflag:s17] =	ssyncadd.s32 $0xFFFFFC00  }
0x2c5: {  	_ =	swait.ge [sflag:s17], $0x400  }
0x2c6: {  	[sflag:s17] =	ssyncset.done $0x0  }
0x2c7: {  	[sflag:s17] =	ssyncadd.s32 $0xFFFFFC00  }
0x2c8: {  	_ =	swait.ge [sflag:s17], $0x400  }
0x2c9: {  	[sflag:s17] =	ssyncset.done $0x0  }
0x2ca: {  	s29 =	rddreg [dreg:$0x7];
	[sflag:s17] =	ssyncadd.s32 $0xFFFFFC00  }
0x2cb: {  	[hbm4b:s29+s11] =	stream.linear.scatter [tilespmem:s21], [sflag:$0x2], $0x4000, $0x38;
	[tilespmem:$0x4800] =	vst v63  }
0x2cc: {  	_ =	swait.ge [sflag:s1], $0x4000  }
0x2cd: {  	s30 =	rddreg [dreg:$0xb]  }
0x2ce: {  	s31 =	rddreg [dreg:$0x8];
	s0 =	sadd.s32 $0x1, s30  }
0x2cf: {  	p0 =	sne.s32 s0, s31  }
.Ltmp1:
0x2d0: {  	_ = 	snop;
	(pc) =	sbr.rel @p0 .LBB2_1-.Ltmp1, $3  }
0x2d1: {  	_ =	sdelay $0x1  }
0x2d2: {  	[sflag:s1] =	ssyncset.done $0x0  }
0x2d3: {  	[sflag:s1] =	ssyncadd.s32 $0xFFFFC000  }
0x2d4: {  	_ =	sfence.sel $0x180000  }
0x2d5: {  	[bflag:$0x0] =	sbarrier.arrive $0xFFFF  }
0x2d6: {  	_ =	strace $0x90000047  }
0x2d7: {  	s0 =	stileid.u32;
	[bflag:$0x2] =	sbarrier.arrive $0xFFFF  }
0x2d8: {  	p0 =	sne.s32 s0, $0x0;
	s0 =	rddreg [dreg:$0x1]  }
0x2d9: {  	s0 =	sadd.s32 @!p0 $0x100000, s0  }
0x2da: {  	[sflag:s0] =	ssyncadd.tile.s32 @!p0 $0x1;
	_ =	shalt  }
.Lfunc_end2:
_tile_overlayer_lowered:
.L_overlay_start_2:
0x2db: {  	(tag) =	ssettag $0x2  }
0x2dc: {  	s0 =	rddreg [dreg:$0x0];
	s2 =	stileid.u32  }
0x2dd: {  	s1 =	rddreg [dreg:$0x1];
	p0 =	sne.s32 s2, $0x0  }
0x2de: {  	s3 =	rddreg [dreg:$0x2];
	[bflag:$0x3] =	sbarrier.arrive $0xFFFF;
	s2 =	simm.s32 @!p0 $0x1C02  }
0x2df: {  	[timem:s3], [sflag:s2] =	dma.local @!p0 [hbm:s0], s1  }
0x2e0: {  	s0 =	simm.s32 @!p0 $0x2  }
0x2e1: {  	_ =	swait.ge @!p0 [sflag:s0], s1  }
0x2e2: {  	s1 =	ssub.s32 @!p0 $0x0, s1;
	[sflag:s0] =	ssyncset.done @!p0 $0x0  }
0x2e3: {  	[sflag:s0] =	ssyncadd.s32 @!p0 s1  }
0x2e4: {  	[bflag:$0x3] =	sbarrier.arrive $0xFFFF  }
0x2e5: {  	_ =	shalt  }

// kernel: kernel.9.cloned.1.call-start
scs
__scs_entry_jumppad:
0x0: {  	(pc) =	sbr.rel $0x88, $3  }
0x1: {  	(tag) =	ssettag $0x0;
	lr =	simm.s32 $0x1  }
0x2: {  	[smem:$0x3F91] =	sst lr;
	_ =	strace $0xD0000000  }
0x3: {  	_ = 	snop  }
0x4: {  	_ = 	snop  }
0x5: {  	_ = 	snop  }
0x6: {  	_ = 	snop  }
0x7: {  	_ = 	snop  }
__scs_overlays_trampoline_lowered:
0x8: {  	[smem:$0x3FA0] =	sst s0  }
0x9: {  	[smem:$0x3FA1] =	sst s1  }
0xa: {  	[smem:$0x3FA2] =	sst s2  }
0xb: {  	[smem:$0x3FA3] =	sst s3  }
0xc: {  	[smem:$0x3FA4] =	sst s4  }
0xd: {  	[smem:$0x3FA5] =	sst s5  }
0xe: {  	[smem:$0x3FA6] =	sst s6  }
0xf: {  	[smem:$0x3FA7] =	sst s7  }
0x10: {  	[smem:$0x3FA8] =	sst s8  }
0x11: {  	[smem:$0x3FA9] =	sst s9;
	s0 =	simm.s32 @!p0 $0x0  }
0x12: {  	s1 =	sld [smem:$0x3F8F];
	s0 =	simm.s32 @p0 $0x1  }
0x13: {  	[smem:$0x3FAA] =	sst s0;
	s0 =	simm.s32 @!p1 $0x0  }
0x14: {  	s2 =	sld [smem:$0x3F8E];
	s0 =	simm.s32 @p1 $0x1  }
0x15: {  	[smem:$0x3FAB] =	sst s0;
	s0 =	simm.s32 @!p2 $0x0  }
0x16: {  	s3 =	sld [smem:$0x3FDB];
	s0 =	simm.s32 @p2 $0x1  }
0x17: {  	s4 =	simm.s32 $0x1BF5;
	[smem:$0x3FAD] =	sst s0  }
0x18: {  	s0 =	sld [smem:$0x3F90];
	_ =	swait.ge [sflag:s4], $0x0  }
0x19: {  	s7 =	sld [smem:$0x3F91]  }
0x1a: {  	s8 =	sadd.s32 $0xFFFFE003, lr  }
0x1b: {  	s9 =	sadd.s32 $0xFFFFFEF7, lr;
	s5 =	simm.s32 $0xFFFFFFFF;
	p2 =	slt.u32 s8, $0xFFFFF086  }
0x1c: {  	p1 =	slt.u32 s9, $0xF7A;
	s5 =	simm.s32 @!p2 $0x0  }
0x1d: {  	s5 =	simm.s32 @p1 $0x1;
	p0 =	seq.s32 s7, s2  }
0x1e: {  	s7 =	smul.u32 @!p0 $0xF7A, s2;
	p2 =	seq.s32 @!p0 s5, $0x0  }
0x1f: {  	s9 =	smul.u32 $0xF7A, s1;
	s8 =	simm.s32 @!p0 $0x1BF5;
	p2 =	por !p2, p0  }
0x20: {  	[sflag:s8] =	ssyncset.s32 @!p0 $0xFFFFF086;
	s6 =	sadd.s32 @!p0 s3, s7;
	s7 =	simm.s32 @!p0 $0x108  }
0x21: {  	s3 =	sadd.s32 s3, s9;
	s6 =	sadd.s32 @!p0 $0x88, s6;
	s7 =	simm.s32 @p2 $0x1082  }
0x22: {  	[simem:s7], [sflag:s8] =	dma.local @!p0 [hbm:s6], $0xF7A  }
0x23: {  	s9 =	sor.u32 $0xD0000000, s2;
	s6 =	simm.s32 $0x108;
	_ =	swait.ge @!p0 [sflag:s8], $0x0  }
0x24: {  	s3 =	sadd.s32 $0x88, s3;
	s6 =	simm.s32 @!p1 $0x1082;
	[sflag:s4] =	ssyncset.s32 $0xFFFFF086  }
0x25: {  	[simem:s6], [sflag:s4] =	dma.local [hbm:s3], $0xF7A  }
0x26: {  	[smem:$0x3F91] =	sst s1;
	(tag) =	ssettag s2;
	_ =	strace s9  }
0x27: {  	s1 =	sld [smem:$0x3FA1]  }
0x28: {  	s2 =	sld [smem:$0x3FA2]  }
0x29: {  	s4 =	sld [smem:$0x3FA4]  }
0x2a: {  	p0 =	seq.s32 s5, $0x0;
	s5 =	sld [smem:$0x3FA5]  }
0x2b: {  	s6 =	sld [smem:$0x3FA6]  }
0x2c: {  	s7 =	sld [smem:$0x3FA7]  }
0x2d: {  	s3 =	simm.s32 $0x108;
	s8 =	sld [smem:$0x3FA8]  }
0x2e: {  	s3 =	simm.s32 @!p0 $0x1082;
	s9 =	sld [smem:$0x3FA9]  }
0x2f: {  	lr =	sadd.s32 s0, s3;
	s0 =	sld [smem:$0x3FA0]  }
0x30: {  	s3 =	sld [smem:$0x3FA3]  }
0x31: {  	[smem:$0x3FAC] =	sst s10  }
0x32: {  	s10 =	sld [smem:$0x3FAA];
	_ =	sdelay $0x3  }
0x33: {  	p0 =	seq.s32 s10, $0x1;
	s10 =	sld [smem:$0x3FAC];
	_ =	sdelay $0x3  }
0x34: {  	[smem:$0x3FAC] =	sst s10  }
0x35: {  	s10 =	sld [smem:$0x3FAB];
	_ =	sdelay $0x3  }
0x36: {  	p1 =	seq.s32 s10, $0x1;
	s10 =	sld [smem:$0x3FAC];
	_ =	sdelay $0x3  }
0x37: {  	[smem:$0x3FAC] =	sst s10  }
0x38: {  	s10 =	sld [smem:$0x3FAD]  }
0x39: {  	_ = 	snop;
	(pc) =	sbr.ind lr, $3  }
0x3a: {  	_ = 	snop  }
0x3b: {  	_ = 	snop  }
0x3c: {  	p2 =	seq.s32 s10, $0x1;
	s10 =	sld [smem:$0x3FAC]  }
0x3d: {  	_ =	shalt  }
0x3e: {  	_ =	shalt  }
0x3f: {  	_ =	shalt  }
0x40: {  	_ =	shalt  }
0x41: {  	_ =	shalt  }
0x42: {  	_ =	shalt  }
0x43: {  	_ =	shalt  }
0x44: {  	_ =	shalt  }
0x45: {  	_ =	shalt  }
0x46: {  	_ =	shalt  }
0x47: {  	_ =	shalt  }
0x48: {  	_ =	shalt  }
0x49: {  	_ =	shalt  }
0x4a: {  	_ =	shalt  }
0x4b: {  	_ =	shalt  }
0x4c: {  	_ =	shalt  }
0x4d: {  	_ =	shalt  }
0x4e: {  	_ =	shalt  }
0x4f: {  	_ =	shalt  }
0x50: {  	_ =	shalt  }
0x51: {  	_ =	shalt  }
0x52: {  	_ =	shalt  }
0x53: {  	_ =	shalt  }
0x54: {  	_ =	shalt  }
0x55: {  	_ =	shalt  }
0x56: {  	_ =	shalt  }
0x57: {  	_ =	shalt  }
0x58: {  	_ =	shalt  }
0x59: {  	_ =	shalt  }
0x5a: {  	_ =	shalt  }
0x5b: {  	_ =	shalt  }
0x5c: {  	_ =	shalt  }
0x5d: {  	_ =	shalt  }
0x5e: {  	_ =	shalt  }
0x5f: {  	_ =	shalt  }
0x60: {  	_ =	shalt  }
0x61: {  	_ =	shalt  }
0x62: {  	_ =	shalt  }
0x63: {  	_ =	shalt  }
0x64: {  	_ =	shalt  }
0x65: {  	_ =	shalt  }
0x66: {  	_ =	shalt  }
0x67: {  	_ =	shalt  }
0x68: {  	_ =	shalt  }
0x69: {  	_ =	shalt  }
0x6a: {  	_ =	shalt  }
0x6b: {  	_ =	shalt  }
0x6c: {  	_ =	shalt  }
0x6d: {  	_ =	shalt  }
0x6e: {  	_ =	shalt  }
0x6f: {  	_ =	shalt  }
0x70: {  	_ =	shalt  }
0x71: {  	_ =	shalt  }
0x72: {  	_ =	shalt  }
0x73: {  	_ =	shalt  }
0x74: {  	_ =	shalt  }
0x75: {  	_ =	shalt  }
0x76: {  	_ =	shalt  }
0x77: {  	_ =	shalt  }
0x78: {  	_ =	shalt  }
0x79: {  	_ =	shalt  }
0x7a: {  	_ =	shalt  }
0x7b: {  	_ =	shalt  }
0x7c: {  	_ =	shalt  }
0x7d: {  	_ =	shalt  }
0x7e: {  	_ =	shalt  }
0x7f: {  	_ =	shalt  }
0x80: {  	_ =	shalt  }
0x81: {  	_ =	shalt  }
0x82: {  	_ =	shalt  }
0x83: {  	_ =	shalt  }
0x84: {  	_ =	shalt  }
0x85: {  	_ =	shalt  }
0x86: {  	_ =	shalt  }
0x87: {  	_ =	shalt  }
.Lfunc_end0:
.L_simem_size_0:
called_computation.1_lowered:
.L_overlay_start_0:
0x88: {  	s2 =	sld [smem:$0x3FD9]  }
0x89: {  	s3 =	sld [smem:$0x3FFE];
	_ =	sdelay $0x1  }
0x8a: {  	s1 =	srdreg.scid  }
0x8b: {  	s0 =	sand.u32 $0x1, s1  }
0x8c: {  	s17 =	sshll.u32 s0, $0xA;
	s2 =	sadd.s32 s3, s2  }
0x8d: {  	s2 =	sadd.s32 s2, s17  }
0x8e: {  	[smem:$0x3FB8] =	sst s2  }
0x8f: {  	_ = 	snop  }
0x90: {  	s2 =	sld [smem:$0x3FD0];
	(tm) =	ssettm $0x1  }
0x91: {  	s18 =	sld [smem:$0x3FFB];
	_ =	sdelay $0x3  }
0x92: {  	_ =	strace s18  }
0x93: {  	s3 =	sld [smem:$0x3FFC];
	_ =	sdelay $0x3  }
0x94: {  	_ =	strace s3  }
0x95: {  	s3 =	sld [smem:$0x3FFD];
	_ =	sdelay $0x3  }
0x96: {  	_ =	strace s3  }
0x97: {  	_ =	strace $0x8FFFFFFF  }
0x98: {  	s19 =	sld [smem:$0x3FDB];
	_ =	sdelay $0x1  }
0x99: {  	s4 =	simm.s32 $_scs_section_size  }
0x9a: {  	s5 =	simm.s32 $_size__tile_overlayer_lowered;
	s6 =	simm.s32 $_tile_overlayer_lowered  }
0x9b: {  	s22 =	simm.s32 $0x1BFF;
	s21 =	sshll.u32 s6, $0x1;
	s3 =	sadd.s32 s4, s19  }
0x9c: {  	s7 =	simm.s32 $0x0;
	s20 =	sshll.u32 s5, $0x1;
	s5 =	sadd.s32 s21, s3  }
0x9d: {  	[timem:s7], [sflag:s22] =	dma.local [hbm:s5], s20  }
0x9e: {  	_ =	swait.ge [sflag:s22], s20  }
0x9f: {  	s4 =	ssub.s32 $0x0, s20;
	[sflag:s22] =	ssyncset.done $0x0  }
0xa0: {  	[sflag:s22] =	ssyncadd.s32 s4;
	_ =	sdelay $0x1  }
0xa1: {  	s23 =	simm.s32 $0x1B8B  }
0xa2: {  	_ =	swait.ge [sflag:s23], $0x1  }
0xa3: {  	[sflag:s23] =	ssyncset.done $0x0  }
0xa4: {  	s25 =	simm.s32 $0x1B8E;
	s24 =	sld [smem:$0x3FFE];
	[sflag:s23] =	ssyncadd.s32 $0xFFFFFFFF  }
0xa5: {  	s26 =	simm.s32 $execute0_lowered;
	[smem:$0x3FD2] =	sst s25  }
0xa6: {  	s5 =	sshll.u32 s26, $0x1;
	_ =	strace $0x80000049;
	[dreg:$0x1] =	wrdreg $0xFFFFFFFF  }
0xa7: {  	s28 =	simm.s32 $_size_execute0_lowered;
	s3 =	sadd.s32 s3, s5;
	[dreg:$0x0] =	wrdreg $0x0  }
0xa8: {  	s5 =	sshll.u32 s28, $0x1;
	[dreg:$0x2] =	wrdreg s3  }
0xa9: {  	[dreg:$0x3] =	wrdreg s5  }
0xaa: {  	[dreg:$0x4] =	wrdreg $0xC0  }
0xab: {  	_ =	task [dreg:s7], $0x5FFFF  }
0xac: {  	[dreg:$0x1] =	wrdreg $0xFFFFFFFF  }
0xad: {  	[dreg:$0x0] =	wrdreg $0x60  }
0xae: {  	[dreg:$0x2] =	wrdreg s24  }
0xaf: {  	[dreg:$0x3] =	wrdreg s2  }
0xb0: {  	[dreg:$0x4] =	wrdreg $0x0  }
0xb1: {  	[dreg:$0x5] =	wrdreg $0x9  }
0xb2: {  	_ =	task.clear_ibuf [dreg:s7], $0x6FFFF;
	_ =	strace $0x90000049  }
0xb3: {  	s29 =	simm.s32 $0x9;
	_ =	strace $0x8000004B  }
0xb4: {  	_ =	swait.ge [sflag:s29], $0x1  }
0xb5: {  	[sflag:s29] =	ssyncadd.s32 $0xFFFFFFFF  }
0xb6: {  	_ =	strace $0x9000004B  }
0xb7: {  	_ =	sfence  }
0xb8: {  	s30 =	sld [smem:$0x0];
	_ =	sdelay $0x2  }
0xb9: {  	s31 =	sshll.u32 s1, $0xD;
	s1 =	sshrl.u32 s1, $0x2  }
0xba: {  	s3 =	sand.u32 $0x4000, s31;
	s1 =	sadd.s32 s1, s30  }
0xbb: {  	s0 =	sor.u32 s3, s0;
	s1 =	sshll.u32 s1, $0x11  }
0xbc: {  	s0 =	sor.u32 s1, s0  }
0xbd: {  	s0 =	sadd.s32 $0x8F2B, s0  }
0xbe: {  	[sflag:s0] =	ssyncadd.remote.s32 $0x1  }
0xbf: {  	_ =	sfence.sel $0xFFFF  }
0xc0: {  	[dreg:$0x0] =	wrdreg $0xFFFFFFFF;
	(pc) =	sbr.abs _section_cstart, $3  }
0xc1: {  	[dreg:$0x1] =	wrdreg $0xFFFFFFFF  }
0xc2: {  	_ =	task.clear_ibuf [dreg:s7], $0x2FFFF;
	_ =	strace $0x9FFFFFFF  }
0xc3: {  	(tm) =	ssettm $0x7FFFFFFF  }
tec
execute0_lowered:
.L_overlay_start_1:
0x0: {  	(tag) =	ssettag $0x1  }
0x1: {  	s5 =	rddreg [dreg:$0x0]  }
0x2: {  	s1 =	rddreg [dreg:$0x1]  }
0x3: {  	s2 =	rddreg [dreg:$0x2]  }
0x4: {  	s0 =	rddreg [dreg:$0x3];
	s3 =	simm.s32 $0x0  }
0x5: {  	s4 =	srdreg.scid;
	s17 =	simm.s32 $0x19720;
	s18 =	simm.s32 $0x19770  }
0x6: {  	s19 =	simm.s32 $0x50;
	s20 =	simm.s32 $0x2;
	s21 =	simm.s32 $0x2  }
0x7: {  	s22 =	simm.s32 $0x0;
	s6 =	sand.u32 $0x1, s4;
	s4 =	stileid.u32  }
0x8: {  	[smem:$0x7FF] =	sst s3;
	s9 =	sadd.s32 $0x341C00, s5;
	s12 =	smul.u32 $0xC350, s4  }
0x9: {  	s7 =	sadd.s32 $0x34800, s5;
	s10 =	sadd.s32 $0x3A00, s5;
	s29 =	smul.u32 $0x30D40, s4  }
0xa: {  	s13 =	sadd.s32 $0x67FE00, s5;
	s14 =	sadd.s32 $0x64F000, s5;
	s15 =	smul.u32 $0x61A80, s4  }
0xb: {  	_ =	strace $0x8000004A;
	s8 =	ssub.s32 $0x2, s6;
	s16 =	smul.u32 $0x186A, s4  }
0xc: {  	p0 =	seq.s32 s6, $0x0;
	p1 =	seq.s32 s6, $0x1;
	s31 =	smul.u32 $0x30D4, s4  }
0xd: {  	s11 =	sshrl.u32 s8, $0x1;
	s14 =	smov.u32 @p0 s13;
	s13 =	simm.s32 $0x1  }
0xe: {  	s20 =	simm.s32 @!p0 $0x1;
	s8 =	ssub.s32 s8, s11;
	s28 =	sshrl.u32 s12, $0x3  }
0xf: {  	s12 =	smov.u32 s7;
	s30 =	sshrl.u32 s15, $0x2;
	s11 =	sadd.s32 s31, s14  }
0x10: {  	s14 =	simm.s32 $0x186A0;
	s15 =	simm.s32 $0x18720;
	s5 =	sadd.s32 s10, s28  }
0x11: {  	s12 =	smov.u32 @p0 s9;
	s6 =	smax.u32 s8, $0x1;
	s9 =	smov.u32 @p1 s7  }
0x12: {  	s8 =	sadd.s32 s30, s2;
	s10 =	sadd.s32 s16, s10;
	s16 =	simm.s32 $0x80  }
0x13: {  	s5 =	sadd.s32 $0x19F00, s5;
	s12 =	sadd.s32 s12, s29;
	s9 =	sadd.s32 s29, s9  }
0x14: {  	s10 =	sadd.s32 $0x186A0, s10;
	s7 =	sadd.s32 $0x30C00, s12;
	s12 =	simm.s32 $0x1A170  }
.LBB2_1:
0x15: {  	[tilespmem:s12], [sflag:$0x1] =	stream.linear.gather [hbm4b:s1+s3], $0xFA0, $0x38;
	[tilespmem:$0x1B110] =	vst v63  }
0x16: {  	_ =	swait.ge [sflag:s13], $0xFA0  }
0x17: {  	[sflag:s13] =	ssyncset.done $0x0  }
0x18: {  	s23 =	sadd.s32 $0x0, s8;
	[sflag:s13] =	ssyncadd.s32 $0xFFFFF060  }
0x19: {  	[spmem:s23] =	stream.linear.scatter [tilespmem:s12], [sflag:$0x1], $0xFA0, $0x38;
	[tilespmem:$0x1B110] =	vst v63  }
0x1a: {  	s23 =	simm.s32 $0x3E80;
	_ =	swait.ge [sflag:s13], $0xFA0  }
.LBB2_2:
0x1b: {  	s24 =	sshra.s32 s23, $0x2;
	[sflag:s13] =	ssyncset.done $0x0;
	p0 =	sne.s32 s23, $0x5DC00  }
.Ltmp0:
0x1c: {  	s24 =	sadd.s32 s24, s8;
	[sflag:s13] =	ssyncadd.s32 $0xFFFFF060;
	(pc) =	sbr.rel @p0 .LBB2_2-.Ltmp0, $3  }
0x1d: {  	[spmem:s24] =	stream.linear.scatter [tilespmem:s12], [sflag:$0x1], $0xFA0, $0x38;
	[tilespmem:$0x1B110] =	vst v63  }
0x1e: {  	s23 =	sadd.s32 $0x3E80, s23;
	_ =	sdelay $0x1  }
0x1f: {  	_ =	swait.ge [sflag:s13], $0xFA0  }
0x20: {  	[sflag:s13] =	ssyncset.done $0x0  }
0x21: {  	[sflag:s13] =	ssyncadd.s32 $0xFFFFF060  }
0x22: {  	s23 =	sadd.s32 $0x0, s10;
	[bflag:$0x0] =	sbarrier.arrive $0xFFFF  }
0x23: {  	[tilespmem:s14], [sflag:$0x1] =	stream.linear.gather [hbm4b:s23+s3], $0x80, $0x38;
	[tilespmem:$0x1B110] =	vst v63  }
0x24: {  	_ =	swait.ge [sflag:s13], $0x80  }
0x25: {  	[sflag:s13] =	ssyncset.done $0x0  }
0x26: {  	[sflag:s13] =	ssyncadd.s32 $0xFFFFFF80  }
0x27: {  	[tilespmem:s15], [sflag:$0x1] =	stream.linear.gather [hbm4b:s9+s3], $0x1000, $0x38;
	[tilespmem:$0x1B110] =	vst v63  }
0x28: {  	_ =	swait.ge [sflag:s13], $0x1000  }
0x29: {  	[sflag:s13] =	ssyncset.done $0x0  }
0x2a: {  	[sflag:s13] =	ssyncadd.s32 $0xFFFFF000  }
0x2b: {  	[spmem:s2] =	stream.indirect.scatter.add.f32 [tilespmem:s15], [sflag:$0x1], $0x20, s14, s16, $0xb8;
	[tilespmem:$0x1B110] =	vst v63  }
0x2c: {  	s24 =	simm.s32 $0x10;
	_ =	swait.ge [sflag:s13], $0x1000  }
0x2d: {  	s25 =	simm.s32 $0x20;
	s23 =	sadd.s32 $0x200, s9;
	[sflag:s13] =	ssyncset.done $0x0  }
.LBB2_4:
0x2e: {  	s26 =	sadd.s32 s24, s10  }
0x2f: {  	[sflag:s13] =	ssyncadd.s32 $0xFFFFF000;
	s24 =	smov.u32 s25;
	s28 =	sadd.s32 $0x10, s25  }
0x30: {  	[tilespmem:s14], [sflag:$0x1] =	stream.linear.gather [hbm4b:s26+s3], $0x80, $0x38;
	[tilespmem:$0x1B110] =	vst v63  }
0x31: {  	p0 =	sne.s32 s25, $0x1850;
	_ =	swait.ge [sflag:s13], $0x80  }
0x32: {  	[sflag:s13] =	ssyncset.done $0x0  }
0x33: {  	[sflag:s13] =	ssyncadd.s32 $0xFFFFFF80  }
0x34: {  	[tilespmem:s15], [sflag:$0x1] =	stream.linear.gather [hbm4b:s23+s3], $0x1000, $0x38;
	[tilespmem:$0x1B110] =	vst v63  }
0x35: {  	_ =	swait.ge [sflag:s13], $0x1000  }
.Ltmp1:
0x36: {  	[sflag:s13] =	ssyncset.done $0x0;
	(pc) =	sbr.rel @p0 .LBB2_4-.Ltmp1, $4  }
0x37: {  	[sflag:s13] =	ssyncadd.s32 $0xFFFFF000  }
0x38: {  	[spmem:s2] =	stream.indirect.scatter.add.f32 [tilespmem:s15], [sflag:$0x1], $0x20, s14, s16, $0xb8;
	[tilespmem:$0x1B110] =	vst v63  }
0x39: {  	_ =	swait.ge [sflag:s13], $0x1000  }
0x3a: {  	s25 =	smov.u32 s28;
	s23 =	sadd.s32 $0x200, s23;
	[sflag:s13] =	ssyncset.done $0x0  }
0x3b: {  	s24 =	sadd.s32 s24, s10;
	[sflag:s13] =	ssyncadd.s32 $0xFFFFF000  }
0x3c: {  	[tilespmem:s14], [sflag:$0x1] =	stream.linear.gather [hbm4b:s24+s3], $0x80, $0x38;
	[tilespmem:$0x1B110] =	vst v63  }
0x3d: {  	_ =	swait.ge [sflag:s13], $0x80  }
0x3e: {  	[sflag:s13] =	ssyncset.done $0x0  }
0x3f: {  	[sflag:s13] =	ssyncadd.s32 $0xFFFFFF80  }
0x40: {  	[tilespmem:s15], [sflag:$0x1] =	stream.linear.gather [hbm4b:s23+s3], $0x1000, $0x38;
	[tilespmem:$0x1B110] =	vst v63  }
0x41: {  	_ =	swait.ge [sflag:s13], $0x1000  }
0x42: {  	[sflag:s13] =	ssyncset.done $0x0  }
0x43: {  	[sflag:s13] =	ssyncadd.s32 $0xFFFFF000  }
0x44: {  	[spmem:s2] =	stream.indirect.scatter.add.f32 [tilespmem:s15], [sflag:$0x1], $0x20, s14, s16, $0xb8;
	[tilespmem:$0x1B110] =	vst v63  }
0x45: {  	_ =	swait.ge [sflag:s13], $0x1000  }
0x46: {  	[sflag:s13] =	ssyncset.done $0x0  }
0x47: {  	s30 =	simm.s32 $0x0;
	[sflag:s13] =	ssyncadd.s32 $0xFFFFF000  }
0x48: {  	[tilespmem:s17], [sflag:$0x1] =	stream.linear.gather [hbm4b:s5+s30], $0x50, $0x38;
	[tilespmem:$0x1B110] =	vst v63  }
0x49: {  	_ =	swait.ge [sflag:s13], $0x50  }
0x4a: {  	[sflag:s13] =	ssyncset.done $0x0  }
0x4b: {  	[sflag:s13] =	ssyncadd.s32 $0xFFFFFFB0  }
0x4c: {  	[tilespmem:s18], [sflag:$0x1] =	stream.linear.gather [hbm4b:s7+s30], $0xA00, $0x38;
	[tilespmem:$0x1B110] =	vst v63  }
0x4d: {  	_ =	swait.ge [sflag:s13], $0xA00  }
0x4e: {  	[sflag:s13] =	ssyncset.done $0x0  }
0x4f: {  	[sflag:s13] =	ssyncadd.s32 $0xFFFFF600  }
0x50: {  	[spmem:s2] =	stream.indirect.scatter.add.f32 [tilespmem:s18], [sflag:$0x1], $0x20, s17, s19, $0xb8;
	[tilespmem:$0x1B110] =	vst v63  }
0x51: {  	_ =	swait.ge [sflag:s13], $0xA00  }
0x52: {  	[sflag:s13] =	ssyncset.done $0x0  }
0x53: {  	[sflag:s13] =	ssyncadd.s32 $0xFFFFF600  }
0x54: {  	[bflag:$0x0] =	sbarrier.arrive $0xFFFF  }
0x55: {  	[tilespmem:s12], [sflag:$0x2] =	stream.linear.gather [spmem:s8], $0xFA0, $0x38;
	[tilespmem:$0x1B110] =	vst v63  }
0x56: {  	_ =	swait.ge [sflag:s21], $0xFA0  }
0x57: {  	[sflag:s21] =	ssyncset.done $0x0  }
0x58: {  	s31 =	sadd.s32 $0x0, s11;
	[sflag:s21] =	ssyncadd.s32 $0xFFFFF060  }
0x59: {  	[hbm4b:s31+s3] =	stream.linear.scatter [tilespmem:s12], [sflag:s20], $0xFA0, $0x38;
	[tilespmem:$0x1B110] =	vst v63  }
0x5a: {  	_ =	swait.ge [sflag:s20], $0xFA0  }
0x5b: {  	s24 =	smov.u32 s8;
	s23 =	simm.s32 $0x1F4;
	[sflag:s20] =	ssyncset.done $0x0  }
.LBB2_6:
0x5c: {  	p0 =	sne.s32 s23, $0x2EE0;
	[sflag:s20] =	ssyncadd.s32 $0xFFFFF060;
	s24 =	sadd.s32 $0xFA0, s24  }
0x5d: {  	[tilespmem:s12], [sflag:$0x2] =	stream.linear.gather [spmem:s24], $0xFA0, $0x38;
	[tilespmem:$0x1B110] =	vst v63  }
0x5e: {  	s25 =	smov.u32 s23;
	s23 =	sadd.s32 $0x1F4, s23;
	_ =	swait.ge [sflag:s21], $0xFA0  }
.Ltmp2:
0x5f: {  	[sflag:s21] =	ssyncset.done $0x0;
	(pc) =	sbr.rel @p0 .LBB2_6-.Ltmp2, $4  }
0x60: {  	s25 =	sadd.s32 s25, s11;
	[sflag:s21] =	ssyncadd.s32 $0xFFFFF060  }
0x61: {  	[hbm4b:s25+s3] =	stream.linear.scatter [tilespmem:s12], [sflag:s20], $0xFA0, $0x38;
	[tilespmem:$0x1B110] =	vst v63  }
0x62: {  	_ =	swait.ge [sflag:s20], $0xFA0  }
0x63: {  	[sflag:s20] =	ssyncset.done $0x0  }
0x64: {  	s22 =	sadd.s32 $0x1, s22  }
0x65: {  	p0 =	sne.s32 s22, s6  }
.Ltmp3:
0x66: {  	_ = 	snop;
	(pc) =	sbr.rel @p0 .LBB2_1-.Ltmp3, $2  }
0x67: {  	_ =	sdelay $0x2  }
0x68: {  	[sflag:s20] =	ssyncadd.s32 $0xFFFFF060  }
0x69: {  	_ =	sfence.sel $0x180000  }
0x6a: {  	[bflag:$0x0] =	sbarrier.arrive $0xFFFF  }
0x6b: {  	p0 =	sne.s32 s4, $0x0;
	_ =	strace $0x9000004A  }
0x6c: {  	s0 =	sadd.s32 @!p0 $0x100000, s0;
	[bflag:$0x2] =	sbarrier.arrive $0xFFFF  }
0x6d: {  	[sflag:s0] =	ssyncadd.tile.s32 @!p0 $0x1;
	_ =	shalt  }
.Lfunc_end2:
_tile_overlayer_lowered:
.L_overlay_start_2:
0x6e: {  	(tag) =	ssettag $0x2  }
0x6f: {  	s0 =	rddreg [dreg:$0x0];
	s2 =	stileid.u32  }
0x70: {  	s1 =	rddreg [dreg:$0x1];
	p0 =	sne.s32 s2, $0x0  }
0x71: {  	s3 =	rddreg [dreg:$0x2];
	[bflag:$0x3] =	sbarrier.arrive $0xFFFF;
	s2 =	simm.s32 @!p0 $0x1C01  }
0x72: {  	[timem:s3], [sflag:s2] =	dma.local @!p0 [hbm:s0], s1  }
0x73: {  	s0 =	simm.s32 @!p0 $0x1  }
0x74: {  	_ =	swait.ge @!p0 [sflag:s0], s1  }
0x75: {  	s1 =	ssub.s32 @!p0 $0x0, s1;
	[sflag:s0] =	ssyncset.done @!p0 $0x0  }
0x76: {  	[sflag:s0] =	ssyncadd.s32 @!p0 s1  }
0x77: {  	[bflag:$0x3] =	sbarrier.arrive $0xFFFF  }
0x78: {  	_ =	shalt  }

</sc_bundles>
